<compile_context>
chip_gen: v7x
topology: tpu7x:2x2x1
jax: 0.10.2.dev20260603
libtpu: 0.0.44.dev20260713+nightly
codegen_flags: <defaults>
</compile_context>

<pallas_src>
import functools

import jax
import jax.numpy as jnp
from jax import lax
from jax.experimental import pallas as pl
from jax.experimental.pallas import tpu as pltpu
from jax.experimental.pallas import tpu_sc as plsc

D = 1024
V = 64
NC, NS = 2, 16
NW = NC * NS
BATCH, SEQ = 4, 2048
B = BATCH * SEQ
BPW = B // NW
WPR = SEQ // BPW


def _table_body(emb_ref, w_ref, b_ref, table_ref):
    t = lax.dot_general(emb_ref[...], w_ref[...], (((1,), (1,)), ((), ())),
                        preferred_element_type=jnp.float32)
    table_ref[...] = t + b_ref[...]


_table_call = pl.pallas_call(
    _table_body,
    out_shape=jax.ShapeDtypeStruct((V, D), jnp.float32),
)


def _mean_body(table_ref, ids_ref, mean_ref):
    m = jnp.mean(table_ref[...], axis=1, keepdims=True)
    ids = ids_ref[...]
    acc = jnp.zeros((BATCH, SEQ), jnp.float32)
    for v in range(V):
        acc = acc + jnp.where(ids == v, m[v, 0], 0.0)
    mean_ref[...] = acc


_mean_call = pl.pallas_call(
    _mean_body,
    out_shape=jax.ShapeDtypeStruct((BATCH, SEQ), jnp.float32),
)


_sc_mesh = plsc.VectorSubcoreMesh(
    core_axis_name="c", subcore_axis_name="s", num_cores=NC, num_subcores=NS)


@functools.partial(
    pl.kernel,
    out_type=jax.ShapeDtypeStruct((B, D), jnp.float32),
    mesh=_sc_mesh,
    scratch_types=[
        pltpu.VMEM((BPW,), jnp.int32),
        pltpu.VMEM((V, D), jnp.float32),
        pltpu.VMEM_SHARED((V, D), jnp.float32),
        pltpu.SemaphoreType.DMA,
        pltpu.SemaphoreType.DMA,
    ],
)
def _sc_gather(table_hbm, ids_hbm, y_hbm, idx_v, table_v, table_sh,
               sem, stage_sem):
    s = lax.axis_index("s")
    wid = s * NC + lax.axis_index("c")
    row = wid // WPR
    col = (wid % WPR) * BPW
    base = row * SEQ + col
    ids_d = pltpu.async_copy(ids_hbm.at[row, pl.ds(col, BPW)], idx_v, stage_sem)

    @pl.when(s == 0)
    def _stage():
        pltpu.sync_copy(table_hbm, table_sh)

    plsc.subcore_barrier()
    pltpu.async_copy(table_sh, table_v, stage_sem).wait()
    ids_d.wait()

    def chunk_body(c, carry):
        idx16 = idx_v[pl.ds(c * 16, 16)]
        for l in range(16):
            iv = idx16[l]
            tok = base + c * 16 + l
            pltpu.async_copy(table_v.at[iv], y_hbm.at[tok], sem)
        @pl.when(c > 1)
        def _drain():
            for _ in range(16):
                pltpu.make_async_copy(table_hbm.at[0], table_v.at[0], sem).wait()
        return carry

    lax.fori_loop(0, BPW // 16, chunk_body, 0)
    for _ in range(32):
        pltpu.make_async_copy(table_hbm.at[0], table_v.at[0], sem).wait()


def kernel(input_ids, emb, W, b):
    ids = input_ids.astype(jnp.int32)
    table = _table_call(emb, W, b.reshape(1, D))
    y_flat = _sc_gather(table, ids)
    mean = _mean_call(table, ids)
    return (y_flat.reshape(BATCH, SEQ, D), mean)

# --- scband reference (transcript-rebuilt; emitter-appended) ---
"""Pipeline reference for scband-tiny-lm-70145405878358 (READ-ONLY COPY).

The authoritative reference and input builder live on the scoring server;
editing this copy changes nothing except your own understanding.
"""

import jax, jax.numpy as jnp
import numpy as np

D = 1024
VOCAB = 64

def setup_inputs(seed: int = 0) -> dict:
    key = jax.random.key(seed)
    k1, k2, k3 = jax.random.split(key, 3)
    input_ids = jax.random.randint(k1, (4, 2048), 0, VOCAB, dtype=jnp.int64 if jax.config.jax_enable_x64 else jnp.int32)
    emb = jax.random.normal(k2, (VOCAB, D), dtype=jnp.float32) * 0.02
    W = jax.random.normal(k3, (D, D), dtype=jnp.float32) * (1.0 / np.sqrt(D))
    b = jnp.zeros((D,), dtype=jnp.float32)
    return {"input_ids": input_ids, "emb": emb, "W": W, "b": b}

def reference(input_ids, emb, W, b):
    # x = self.emb(input_ids)
    x = jnp.take(emb, input_ids, axis=0)
    # y = self.lin(x)  (nn.Linear: x @ W^T + b)
    y = jnp.einsum('bsd,ed->bse', x, W) + b
    return (y, y.mean(axis=-1))

if __name__ == "__main__":
    import jax
    _d = setup_inputs()
    print(jax.jit(kernel)(*tuple(_d.values())))

</pallas_src>

<mosaic_0001>
#map = affine_map<(d0, d1) -> (0, 0)>
module attributes {stable_mosaic.version = 14 : i64} {
  func.func @_sc_gather(%arg0: i32, %arg1: i32, %arg2: memref<64x1024xf32, #tpu.memory_space<hbm>>, %arg3: memref<4x2048xi32, #tpu.memory_space<hbm>>, %arg4: memref<8192x1024xf32, #tpu.memory_space<hbm>>, %arg5: memref<256xi32, #tpu.memory_space<vmem>>, %arg6: memref<64x1024xf32, #tpu.memory_space<vmem>>, %arg7: memref<64x1024xf32, #tpu.memory_space<vmem_shared>>, %arg8: memref<!tpu.dma_semaphore, #tpu.memory_space<semaphore_mem>>, %arg9: memref<!tpu.dma_semaphore, #tpu.memory_space<semaphore_mem>>) attributes {dimension_semantics = [#tpu.dimension_semantics<core_parallel>, #tpu.dimension_semantics<subcore_parallel>], iteration_bounds = array<i64: 2, 16>, scalar_prefetch = 0 : i64, scratch_operands = 5 : i64, tpu.core_type = #tpu.core_type<sc_vector_subcore>, window_params = [{transform_indices = #map}, {transform_indices = #map}, {transform_indices = #map}]} {
    %mul3A = arith.constant 2 : i32
    %mul3A_0 = arith.muli %arg1, %mul3A : i32
    %add3A = arith.addi %mul3A_0, %arg0 : i32
    %jit3A = arith.constant 8 : i32
    %div3A = arith.divsi %add3A, %jit3A : i32
    %sign3A = arith.constant 0 : i32
    %sign3A_1 = arith.cmpi sgt, %add3A, %sign3A : i32
    %sign3A_2 = arith.extui %sign3A_1 : i1 to i32
    %sign3A_3 = arith.constant 0 : i32
    %sign3A_4 = arith.cmpi slt, %add3A, %sign3A_3 : i32
    %sign3A_5 = arith.extui %sign3A_4 : i1 to i32
    %sign3A_6 = arith.subi %sign3A_2, %sign3A_5 : i32
    %sign3A_7 = arith.constant 0 : i32
    %sign3A_8 = arith.cmpi sgt, %jit3A, %sign3A_7 : i32
    %sign3A_9 = arith.extui %sign3A_8 : i1 to i32
    %sign3A_10 = arith.constant 0 : i32
    %sign3A_11 = arith.cmpi slt, %jit3A, %sign3A_10 : i32
    %sign3A_12 = arith.extui %sign3A_11 : i1 to i32
    %sign3A_13 = arith.subi %sign3A_9, %sign3A_12 : i32
    %ne3A = arith.cmpi ne, %sign3A_6, %sign3A_13 : i32
    %rem3A = arith.remsi %add3A, %jit3A : i32
    %ne3A_14 = arith.constant 0 : i32
    %ne3A_15 = arith.cmpi ne, %rem3A, %ne3A_14 : i32
    %and3A = arith.andi %ne3A, %ne3A_15 : i1
    %sub3A = arith.constant 1 : i32
    %sub3A_16 = arith.subi %div3A, %sub3A : i32
    %select_n3A = arith.select %and3A, %sub3A_16, %div3A : i32
    %jit3A_17 = arith.constant 8 : i32
    %eq3A = arith.constant 0 : i32
    %eq3A_18 = arith.cmpi eq, %jit3A_17, %eq3A : i32
    %jit3A_19 = arith.constant 1 : i32
    %select_n3A_20 = arith.select %eq3A_18, %jit3A_19, %jit3A_17 : i32
    %rem3A_21 = arith.remsi %add3A, %select_n3A_20 : i32
    %ne3A_22 = arith.constant 0 : i32
    %ne3A_23 = arith.cmpi ne, %rem3A_21, %ne3A_22 : i32
    %lt3A = arith.constant 0 : i32
    %lt3A_24 = arith.cmpi slt, %rem3A_21, %lt3A : i32
    %lt3A_25 = arith.constant 0 : i32
    %lt3A_26 = arith.cmpi slt, %select_n3A_20, %lt3A_25 : i32
    %ne3A_27 = arith.xori %lt3A_24, %lt3A_26 : i1
    %and3A_28 = arith.andi %ne3A_27, %ne3A_23 : i1
    %add3A_29 = arith.addi %rem3A_21, %select_n3A_20 : i32
    %select_n3A_30 = arith.select %and3A_28, %add3A_29, %rem3A_21 : i32
    %mul3A_31 = arith.constant 256 : i32
    %mul3A_32 = arith.muli %select_n3A_30, %mul3A_31 : i32
    %mul3A_33 = arith.constant 2048 : i32
    %mul3A_34 = arith.muli %select_n3A, %mul3A_33 : i32
    %add3A_35 = arith.addi %mul3A_34, %mul3A_32 : i32
    %dma_start3A = tpu.memref_slice %arg3[%select_n3A, %mul3A_32] : memref<4x2048xi32, #tpu.memory_space<hbm>> -> memref<1x256xi32, #tpu.memory_space<hbm>>
    %dma_start3A_36 = tpu.memref_squeeze %dma_start3A : memref<1x256xi32, #tpu.memory_space<hbm>> -> memref<256xi32, #tpu.memory_space<hbm>>
    %dma_start3A_37 = tpu.memref_slice %arg3[%select_n3A, %mul3A_32] : memref<4x2048xi32, #tpu.memory_space<hbm>> -> memref<1x256xi32, #tpu.memory_space<hbm>>
    %dma_start3A_38 = tpu.memref_squeeze %dma_start3A_37 : memref<1x256xi32, #tpu.memory_space<hbm>> -> memref<256xi32, #tpu.memory_space<hbm>>
    tpu.enqueue_dma source(%dma_start3A_38 : memref<256xi32, #tpu.memory_space<hbm>>) target(%arg5 : memref<256xi32, #tpu.memory_space<vmem>>) target_semaphore(%arg9 : memref<!tpu.dma_semaphore, #tpu.memory_space<semaphore_mem>>)
    %eq3A_39 = arith.constant 0 : i32
    %eq3A_40 = arith.cmpi eq, %arg1, %eq3A_39 : i32
    %convert_element_type3A = arith.extui %eq3A_40 : i1 to i32
    %cond3A = arith.constant 0 : i32
    %cond3A_41 = arith.cmpi ne, %convert_element_type3A, %cond3A : i32
    scf.if %cond3A_41 {
      "tpu.region"() ({
        %run_scoped3A = tpu.sem_alloc : memref<!tpu.dma_semaphore, #tpu.memory_space<semaphore_mem>>
        tpu.enqueue_dma source(%arg2 : memref<64x1024xf32, #tpu.memory_space<hbm>>) target(%arg7 : memref<64x1024xf32, #tpu.memory_space<vmem_shared>>) target_semaphore(%run_scoped3A : memref<!tpu.dma_semaphore, #tpu.memory_space<semaphore_mem>>)
        tpu.wait_dma2 semaphore(%run_scoped3A : memref<!tpu.dma_semaphore, #tpu.memory_space<semaphore_mem>>) src(%arg2 : memref<64x1024xf32, #tpu.memory_space<hbm>>) dst(%arg7 : memref<64x1024xf32, #tpu.memory_space<vmem_shared>>)
        tpu.yield
      }) : () -> ()
    } else {
    }
    %barrier3A = arith.constant 0 : index
    tpu.barrier barrier_id(%barrier3A)
    tpu.enqueue_dma source(%arg7 : memref<64x1024xf32, #tpu.memory_space<vmem_shared>>) target(%arg6 : memref<64x1024xf32, #tpu.memory_space<vmem>>) target_semaphore(%arg9 : memref<!tpu.dma_semaphore, #tpu.memory_space<semaphore_mem>>)
    tpu.wait_dma2 semaphore(%arg9 : memref<!tpu.dma_semaphore, #tpu.memory_space<semaphore_mem>>) src(%arg7 : memref<64x1024xf32, #tpu.memory_space<vmem_shared>>) dst(%arg6 : memref<64x1024xf32, #tpu.memory_space<vmem>>)
    %dma_wait3A = tpu.memref_slice %arg3[%select_n3A, %mul3A_32] : memref<4x2048xi32, #tpu.memory_space<hbm>> -> memref<1x256xi32, #tpu.memory_space<hbm>>
    %dma_wait3A_42 = tpu.memref_squeeze %dma_wait3A : memref<1x256xi32, #tpu.memory_space<hbm>> -> memref<256xi32, #tpu.memory_space<hbm>>
    %dma_wait3A_43 = tpu.memref_slice %arg3[%select_n3A, %mul3A_32] : memref<4x2048xi32, #tpu.memory_space<hbm>> -> memref<1x256xi32, #tpu.memory_space<hbm>>
    %dma_wait3A_44 = tpu.memref_squeeze %dma_wait3A_43 : memref<1x256xi32, #tpu.memory_space<hbm>> -> memref<256xi32, #tpu.memory_space<hbm>>
    tpu.wait_dma2 semaphore(%arg9 : memref<!tpu.dma_semaphore, #tpu.memory_space<semaphore_mem>>) src(%dma_wait3A_44 : memref<256xi32, #tpu.memory_space<hbm>>) dst(%arg5 : memref<256xi32, #tpu.memory_space<vmem>>)
    %scan3A = arith.constant 0 : i32
    %scan3A_45 = arith.constant 0 : i32
    %scan3A_46 = arith.constant 16 : i32
    %scan3A_47 = arith.addi %scan3A_45, %scan3A_46 : i32
    %scan3A_48 = arith.constant 1 : i32
    scf.for %scan3A_498 = %scan3A_45 to %scan3A_47 step %scan3A_48  : i32 {
      %mul3A_499 = arith.constant 16 : i32
      %mul3A_500 = arith.muli %scan3A_498, %mul3A_499 : i32
      %get3A = arith.index_cast %mul3A_500 : i32 to index
      %get3A_501 = tpu.vector_load %arg5[%get3A] {strides = array<i32>} : memref<256xi32, #tpu.memory_space<vmem>>, vector<16xi32>,
      %get3A_502 = vector.shape_cast %get3A_501 : vector<16xi32> to vector<16xi32>
      %slice3A = vector.extract_strided_slice %get3A_502 {offsets = [0], sizes = [1], strides = [1]} : vector<16xi32> to vector<1xi32>
      %squeeze3A = vector.extract %slice3A[0] : i32 from vector<1xi32>
      %mul3A_503 = arith.constant 16 : i32
      %mul3A_504 = arith.muli %scan3A_498, %mul3A_503 : i32
      %add3A_505 = arith.addi %add3A_35, %mul3A_504 : i32
      %add3A_506 = arith.constant 0 : i32
      %add3A_507 = arith.addi %add3A_505, %add3A_506 : i32
      %dma_start3A_508 = arith.constant 0 : i32
      %dma_start3A_509 = tpu.memref_slice %arg6[%squeeze3A, %dma_start3A_508] : memref<64x1024xf32, #tpu.memory_space<vmem>> -> memref<1x1024xf32, #tpu.memory_space<vmem>>
      %dma_start3A_510 = tpu.memref_squeeze %dma_start3A_509 : memref<1x1024xf32, #tpu.memory_space<vmem>> -> memref<1024xf32, #tpu.memory_space<vmem>>
      %dma_start3A_511 = arith.constant 0 : i32
      %dma_start3A_512 = tpu.memref_slice %arg4[%add3A_507, %dma_start3A_511] : memref<8192x1024xf32, #tpu.memory_space<hbm>> -> memref<1x1024xf32, #tpu.memory_space<hbm>>
      %dma_start3A_513 = tpu.memref_squeeze %dma_start3A_512 : memref<1x1024xf32, #tpu.memory_space<hbm>> -> memref<1024xf32, #tpu.memory_space<hbm>>
      %dma_start3A_514 = arith.constant 0 : i32
      %dma_start3A_515 = tpu.memref_slice %arg4[%add3A_507, %dma_start3A_514] : memref<8192x1024xf32, #tpu.memory_space<hbm>> -> memref<1x1024xf32, #tpu.memory_space<hbm>>
      %dma_start3A_516 = tpu.memref_squeeze %dma_start3A_515 : memref<1x1024xf32, #tpu.memory_space<hbm>> -> memref<1024xf32, #tpu.memory_space<hbm>>
      %dma_start3A_517 = arith.constant 0 : i32
      %dma_start3A_518 = tpu.memref_slice %arg6[%squeeze3A, %dma_start3A_517] : memref<64x1024xf32, #tpu.memory_space<vmem>> -> memref<1x1024xf32, #tpu.memory_space<vmem>>
      %dma_start3A_519 = tpu.memref_squeeze %dma_start3A_518 : memref<1x1024xf32, #tpu.memory_space<vmem>> -> memref<1024xf32, #tpu.memory_space<vmem>>
      tpu.enqueue_dma source(%dma_start3A_519 : memref<1024xf32, #tpu.memory_space<vmem>>) target(%dma_start3A_516 : memref<1024xf32, #tpu.memory_space<hbm>>) target_semaphore(%arg8 : memref<!tpu.dma_semaphore, #tpu.memory_space<semaphore_mem>>)
      %slice3A_520 = vector.extract_strided_slice %get3A_502 {offsets = [1], sizes = [1], strides = [1]} : vector<16xi32> to vector<1xi32>
      %squeeze3A_521 = vector.extract %slice3A_520[0] : i32 from vector<1xi32>
      %mul3A_522 = arith.constant 16 : i32
      %mul3A_523 = arith.muli %scan3A_498, %mul3A_522 : i32
      %add3A_524 = arith.addi %add3A_35, %mul3A_523 : i32
      %add3A_525 = arith.constant 1 : i32
      %add3A_526 = arith.addi %add3A_524, %add3A_525 : i32
      %dma_start3A_527 = arith.constant 0 : i32
      %dma_start3A_528 = tpu.memref_slice %arg6[%squeeze3A_521, %dma_start3A_527] : memref<64x1024xf32, #tpu.memory_space<vmem>> -> memref<1x1024xf32, #tpu.memory_space<vmem>>
      %dma_start3A_529 = tpu.memref_squeeze %dma_start3A_528 : memref<1x1024xf32, #tpu.memory_space<vmem>> -> memref<1024xf32, #tpu.memory_space<vmem>>
      %dma_start3A_530 = arith.constant 0 : i32
      %dma_start3A_531 = tpu.memref_slice %arg4[%add3A_526, %dma_start3A_530] : memref<8192x1024xf32, #tpu.memory_space<hbm>> -> memref<1x1024xf32, #tpu.memory_space<hbm>>
      %dma_start3A_532 = tpu.memref_squeeze %dma_start3A_531 : memref<1x1024xf32, #tpu.memory_space<hbm>> -> memref<1024xf32, #tpu.memory_space<hbm>>
      %dma_start3A_533 = arith.constant 0 : i32
      %dma_start3A_534 = tpu.memref_slice %arg4[%add3A_526, %dma_start3A_533] : memref<8192x1024xf32, #tpu.memory_space<hbm>> -> memref<1x1024xf32, #tpu.memory_space<hbm>>
      %dma_start3A_535 = tpu.memref_squeeze %dma_start3A_534 : memref<1x1024xf32, #tpu.memory_space<hbm>> -> memref<1024xf32, #tpu.memory_space<hbm>>
      %dma_start3A_536 = arith.constant 0 : i32
      %dma_start3A_537 = tpu.memref_slice %arg6[%squeeze3A_521, %dma_start3A_536] : memref<64x1024xf32, #tpu.memory_space<vmem>> -> memref<1x1024xf32, #tpu.memory_space<vmem>>
      %dma_start3A_538 = tpu.memref_squeeze %dma_start3A_537 : memref<1x1024xf32, #tpu.memory_space<vmem>> -> memref<1024xf32, #tpu.memory_space<vmem>>
      tpu.enqueue_dma source(%dma_start3A_538 : memref<1024xf32, #tpu.memory_space<vmem>>) target(%dma_start3A_535 : memref<1024xf32, #tpu.memory_space<hbm>>) target_semaphore(%arg8 : memref<!tpu.dma_semaphore, #tpu.memory_space<semaphore_mem>>)
      %slice3A_539 = vector.extract_strided_slice %get3A_502 {offsets = [2], sizes = [1], strides = [1]} : vector<16xi32> to vector<1xi32>
      %squeeze3A_540 = vector.extract %slice3A_539[0] : i32 from vector<1xi32>
      %mul3A_541 = arith.constant 16 : i32
      %mul3A_542 = arith.muli %scan3A_498, %mul3A_541 : i32
      %add3A_543 = arith.addi %add3A_35, %mul3A_542 : i32
      %add3A_544 = arith.constant 2 : i32
      %add3A_545 = arith.addi %add3A_543, %add3A_544 : i32
      %dma_start3A_546 = arith.constant 0 : i32
      %dma_start3A_547 = tpu.memref_slice %arg6[%squeeze3A_540, %dma_start3A_546] : memref<64x1024xf32, #tpu.memory_space<vmem>> -> memref<1x1024xf32, #tpu.memory_space<vmem>>
      %dma_start3A_548 = tpu.memref_squeeze %dma_start3A_547 : memref<1x1024xf32, #tpu.memory_space<vmem>> -> memref<1024xf32, #tpu.memory_space<vmem>>
      %dma_start3A_549 = arith.constant 0 : i32
      %dma_start3A_550 = tpu.memref_slice %arg4[%add3A_545, %dma_start3A_549] : memref<8192x1024xf32, #tpu.memory_space<hbm>> -> memref<1x1024xf32, #tpu.memory_space<hbm>>
      %dma_start3A_551 = tpu.memref_squeeze %dma_start3A_550 : memref<1x1024xf32, #tpu.memory_space<hbm>> -> memref<1024xf32, #tpu.memory_space<hbm>>
      %dma_start3A_552 = arith.constant 0 : i32
      %dma_start3A_553 = tpu.memref_slice %arg4[%add3A_545, %dma_start3A_552] : memref<8192x1024xf32, #tpu.memory_space<hbm>> -> memref<1x1024xf32, #tpu.memory_space<hbm>>
      %dma_start3A_554 = tpu.memref_squeeze %dma_start3A_553 : memref<1x1024xf32, #tpu.memory_space<hbm>> -> memref<1024xf32, #tpu.memory_space<hbm>>
      %dma_start3A_555 = arith.constant 0 : i32
      %dma_start3A_556 = tpu.memref_slice %arg6[%squeeze3A_540, %dma_start3A_555] : memref<64x1024xf32, #tpu.memory_space<vmem>> -> memref<1x1024xf32, #tpu.memory_space<vmem>>
      %dma_start3A_557 = tpu.memref_squeeze %dma_start3A_556 : memref<1x1024xf32, #tpu.memory_space<vmem>> -> memref<1024xf32, #tpu.memory_space<vmem>>
      tpu.enqueue_dma source(%dma_start3A_557 : memref<1024xf32, #tpu.memory_space<vmem>>) target(%dma_start3A_554 : memref<1024xf32, #tpu.memory_space<hbm>>) target_semaphore(%arg8 : memref<!tpu.dma_semaphore, #tpu.memory_space<semaphore_mem>>)
      %slice3A_558 = vector.extract_strided_slice %get3A_502 {offsets = [3], sizes = [1], strides = [1]} : vector<16xi32> to vector<1xi32>
      %squeeze3A_559 = vector.extract %slice3A_558[0] : i32 from vector<1xi32>
      %mul3A_560 = arith.constant 16 : i32
      %mul3A_561 = arith.muli %scan3A_498, %mul3A_560 : i32
      %add3A_562 = arith.addi %add3A_35, %mul3A_561 : i32
      %add3A_563 = arith.constant 3 : i32
      %add3A_564 = arith.addi %add3A_562, %add3A_563 : i32
      %dma_start3A_565 = arith.constant 0 : i32
      %dma_start3A_566 = tpu.memref_slice %arg6[%squeeze3A_559, %dma_start3A_565] : memref<64x1024xf32, #tpu.memory_space<vmem>> -> memref<1x1024xf32, #tpu.memory_space<vmem>>
      %dma_start3A_567 = tpu.memref_squeeze %dma_start3A_566 : memref<1x1024xf32, #tpu.memory_space<vmem>> -> memref<1024xf32, #tpu.memory_space<vmem>>
      %dma_start3A_568 = arith.constant 0 : i32
      %dma_start3A_569 = tpu.memref_slice %arg4[%add3A_564, %dma_start3A_568] : memref<8192x1024xf32, #tpu.memory_space<hbm>> -> memref<1x1024xf32, #tpu.memory_space<hbm>>
      %dma_start3A_570 = tpu.memref_squeeze %dma_start3A_569 : memref<1x1024xf32, #tpu.memory_space<hbm>> -> memref<1024xf32, #tpu.memory_space<hbm>>
      %dma_start3A_571 = arith.constant 0 : i32
      %dma_start3A_572 = tpu.memref_slice %arg4[%add3A_564, %dma_start3A_571] : memref<8192x1024xf32, #tpu.memory_space<hbm>> -> memref<1x1024xf32, #tpu.memory_space<hbm>>
      %dma_start3A_573 = tpu.memref_squeeze %dma_start3A_572 : memref<1x1024xf32, #tpu.memory_space<hbm>> -> memref<1024xf32, #tpu.memory_space<hbm>>
      %dma_start3A_574 = arith.constant 0 : i32
      %dma_start3A_575 = tpu.memref_slice %arg6[%squeeze3A_559, %dma_start3A_574] : memref<64x1024xf32, #tpu.memory_space<vmem>> -> memref<1x1024xf32, #tpu.memory_space<vmem>>
      %dma_start3A_576 = tpu.memref_squeeze %dma_start3A_575 : memref<1x1024xf32, #tpu.memory_space<vmem>> -> memref<1024xf32, #tpu.memory_space<vmem>>
      tpu.enqueue_dma source(%dma_start3A_576 : memref<1024xf32, #tpu.memory_space<vmem>>) target(%dma_start3A_573 : memref<1024xf32, #tpu.memory_space<hbm>>) target_semaphore(%arg8 : memref<!tpu.dma_semaphore, #tpu.memory_space<semaphore_mem>>)
      %slice3A_577 = vector.extract_strided_slice %get3A_502 {offsets = [4], sizes = [1], strides = [1]} : vector<16xi32> to vector<1xi32>
      %squeeze3A_578 = vector.extract %slice3A_577[0] : i32 from vector<1xi32>
      %mul3A_579 = arith.constant 16 : i32
      %mul3A_580 = arith.muli %scan3A_498, %mul3A_579 : i32
      %add3A_581 = arith.addi %add3A_35, %mul3A_580 : i32
      %add3A_582 = arith.constant 4 : i32
      %add3A_583 = arith.addi %add3A_581, %add3A_582 : i32
      %dma_start3A_584 = arith.constant 0 : i32
      %dma_start3A_585 = tpu.memref_slice %arg6[%squeeze3A_578, %dma_start3A_584] : memref<64x1024xf32, #tpu.memory_space<vmem>> -> memref<1x1024xf32, #tpu.memory_space<vmem>>
      %dma_start3A_586 = tpu.memref_squeeze %dma_start3A_585 : memref<1x1024xf32, #tpu.memory_space<vmem>> -> memref<1024xf32, #tpu.memory_space<vmem>>
      %dma_start3A_587 = arith.constant 0 : i32
      %dma_start3A_588 = tpu.memref_slice %arg4[%add3A_583, %dma_start3A_587] : memref<8192x1024xf32, #tpu.memory_space<hbm>> -> memref<1x1024xf32, #tpu.memory_space<hbm>>
      %dma_start3A_589 = tpu.memref_squeeze %dma_start3A_588 : memref<1x1024xf32, #tpu.memory_space<hbm>> -> memref<1024xf32, #tpu.memory_space<hbm>>
      %dma_start3A_590 = arith.constant 0 : i32
      %dma_start3A_591 = tpu.memref_slice %arg4[%add3A_583, %dma_start3A_590] : memref<8192x1024xf32, #tpu.memory_space<hbm>> -> memref<1x1024xf32, #tpu.memory_space<hbm>>
      %dma_start3A_592 = tpu.memref_squeeze %dma_start3A_591 : memref<1x1024xf32, #tpu.memory_space<hbm>> -> memref<1024xf32, #tpu.memory_space<hbm>>
      %dma_start3A_593 = arith.constant 0 : i32
      %dma_start3A_594 = tpu.memref_slice %arg6[%squeeze3A_578, %dma_start3A_593] : memref<64x1024xf32, #tpu.memory_space<vmem>> -> memref<1x1024xf32, #tpu.memory_space<vmem>>
      %dma_start3A_595 = tpu.memref_squeeze %dma_start3A_594 : memref<1x1024xf32, #tpu.memory_space<vmem>> -> memref<1024xf32, #tpu.memory_space<vmem>>
      tpu.enqueue_dma source(%dma_start3A_595 : memref<1024xf32, #tpu.memory_space<vmem>>) target(%dma_start3A_592 : memref<1024xf32, #tpu.memory_space<hbm>>) target_semaphore(%arg8 : memref<!tpu.dma_semaphore, #tpu.memory_space<semaphore_mem>>)
      %slice3A_596 = vector.extract_strided_slice %get3A_502 {offsets = [5], sizes = [1], strides = [1]} : vector<16xi32> to vector<1xi32>
      %squeeze3A_597 = vector.extract %slice3A_596[0] : i32 from vector<1xi32>
      %mul3A_598 = arith.constant 16 : i32
      %mul3A_599 = arith.muli %scan3A_498, %mul3A_598 : i32
      %add3A_600 = arith.addi %add3A_35, %mul3A_599 : i32
      %add3A_601 = arith.constant 5 : i32
      %add3A_602 = arith.addi %add3A_600, %add3A_601 : i32
      %dma_start3A_603 = arith.constant 0 : i32
      %dma_start3A_604 = tpu.memref_slice %arg6[%squeeze3A_597, %dma_start3A_603] : memref<64x1024xf32, #tpu.memory_space<vmem>> -> memref<1x1024xf32, #tpu.memory_space<vmem>>
      %dma_start3A_605 = tpu.memref_squeeze %dma_start3A_604 : memref<1x1024xf32, #tpu.memory_space<vmem>> -> memref<1024xf32, #tpu.memory_space<vmem>>
      %dma_start3A_606 = arith.constant 0 : i32
      %dma_start3A_607 = tpu.memref_slice %arg4[%add3A_602, %dma_start3A_606] : memref<8192x1024xf32, #tpu.memory_space<hbm>> -> memref<1x1024xf32, #tpu.memory_space<hbm>>
      %dma_start3A_608 = tpu.memref_squeeze %dma_start3A_607 : memref<1x1024xf32, #tpu.memory_space<hbm>> -> memref<1024xf32, #tpu.memory_space<hbm>>
      %dma_start3A_609 = arith.constant 0 : i32
      %dma_start3A_610 = tpu.memref_slice %arg4[%add3A_602, %dma_start3A_609] : memref<8192x1024xf32, #tpu.memory_space<hbm>> -> memref<1x1024xf32, #tpu.memory_space<hbm>>
      %dma_start3A_611 = tpu.memref_squeeze %dma_start3A_610 : memref<1x1024xf32, #tpu.memory_space<hbm>> -> memref<1024xf32, #tpu.memory_space<hbm>>
      %dma_start3A_612 = arith.constant 0 : i32
      %dma_start3A_613 = tpu.memref_slice %arg6[%squeeze3A_597, %dma_start3A_612] : memref<64x1024xf32, #tpu.memory_space<vmem>> -> memref<1x1024xf32, #tpu.memory_space<vmem>>
      %dma_start3A_614 = tpu.memref_squeeze %dma_start3A_613 : memref<1x1024xf32, #tpu.memory_space<vmem>> -> memref<1024xf32, #tpu.memory_space<vmem>>
      tpu.enqueue_dma source(%dma_start3A_614 : memref<1024xf32, #tpu.memory_space<vmem>>) target(%dma_start3A_611 : memref<1024xf32, #tpu.memory_space<hbm>>) target_semaphore(%arg8 : memref<!tpu.dma_semaphore, #tpu.memory_space<semaphore_mem>>)
      %slice3A_615 = vector.extract_strided_slice %get3A_502 {offsets = [6], sizes = [1], strides = [1]} : vector<16xi32> to vector<1xi32>
      %squeeze3A_616 = vector.extract %slice3A_615[0] : i32 from vector<1xi32>
      %mul3A_617 = arith.constant 16 : i32
      %mul3A_618 = arith.muli %scan3A_498, %mul3A_617 : i32
      %add3A_619 = arith.addi %add3A_35, %mul3A_618 : i32
      %add3A_620 = arith.constant 6 : i32
      %add3A_621 = arith.addi %add3A_619, %add3A_620 : i32
      %dma_start3A_622 = arith.constant 0 : i32
      %dma_start3A_623 = tpu.memref_slice %arg6[%squeeze3A_616, %dma_start3A_622] : memref<64x1024xf32, #tpu.memory_space<vmem>> -> memref<1x1024xf32, #tpu.memory_space<vmem>>
      %dma_start3A_624 = tpu.memref_squeeze %dma_start3A_623 : memref<1x1024xf32, #tpu.memory_space<vmem>> -> memref<1024xf32, #tpu.memory_space<vmem>>
      %dma_start3A_625 = arith.constant 0 : i32
      %dma_start3A_626 = tpu.memref_slice %arg4[%add3A_621, %dma_start3A_625] : memref<8192x1024xf32, #tpu.memory_space<hbm>> -> memref<1x1024xf32, #tpu.memory_space<hbm>>
      %dma_start3A_627 = tpu.memref_squeeze %dma_start3A_626 : memref<1x1024xf32, #tpu.memory_space<hbm>> -> memref<1024xf32, #tpu.memory_space<hbm>>
      %dma_start3A_628 = arith.constant 0 : i32
      %dma_start3A_629 = tpu.memref_slice %arg4[%add3A_621, %dma_start3A_628] : memref<8192x1024xf32, #tpu.memory_space<hbm>> -> memref<1x1024xf32, #tpu.memory_space<hbm>>
      %dma_start3A_630 = tpu.memref_squeeze %dma_start3A_629 : memref<1x1024xf32, #tpu.memory_space<hbm>> -> memref<1024xf32, #tpu.memory_space<hbm>>
      %dma_start3A_631 = arith.constant 0 : i32
      %dma_start3A_632 = tpu.memref_slice %arg6[%squeeze3A_616, %dma_start3A_631] : memref<64x1024xf32, #tpu.memory_space<vmem>> -> memref<1x1024xf32, #tpu.memory_space<vmem>>
      %dma_start3A_633 = tpu.memref_squeeze %dma_start3A_632 : memref<1x1024xf32, #tpu.memory_space<vmem>> -> memref<1024xf32, #tpu.memory_space<vmem>>
      tpu.enqueue_dma source(%dma_start3A_633 : memref<1024xf32, #tpu.memory_space<vmem>>) target(%dma_start3A_630 : memref<1024xf32, #tpu.memory_space<hbm>>) target_semaphore(%arg8 : memref<!tpu.dma_semaphore, #tpu.memory_space<semaphore_mem>>)
      %slice3A_634 = vector.extract_strided_slice %get3A_502 {offsets = [7], sizes = [1], strides = [1]} : vector<16xi32> to vector<1xi32>
      %squeeze3A_635 = vector.extract %slice3A_634[0] : i32 from vector<1xi32>
      %mul3A_636 = arith.constant 16 : i32
      %mul3A_637 = arith.muli %scan3A_498, %mul3A_636 : i32
      %add3A_638 = arith.addi %add3A_35, %mul3A_637 : i32
      %add3A_639 = arith.constant 7 : i32
      %add3A_640 = arith.addi %add3A_638, %add3A_639 : i32
      %dma_start3A_641 = arith.constant 0 : i32
      %dma_start3A_642 = tpu.memref_slice %arg6[%squeeze3A_635, %dma_start3A_641] : memref<64x1024xf32, #tpu.memory_space<vmem>> -> memref<1x1024xf32, #tpu.memory_space<vmem>>
      %dma_start3A_643 = tpu.memref_squeeze %dma_start3A_642 : memref<1x1024xf32, #tpu.memory_space<vmem>> -> memref<1024xf32, #tpu.memory_space<vmem>>
      %dma_start3A_644 = arith.constant 0 : i32
      %dma_start3A_645 = tpu.memref_slice %arg4[%add3A_640, %dma_start3A_644] : memref<8192x1024xf32, #tpu.memory_space<hbm>> -> memref<1x1024xf32, #tpu.memory_space<hbm>>
      %dma_start3A_646 = tpu.memref_squeeze %dma_start3A_645 : memref<1x1024xf32, #tpu.memory_space<hbm>> -> memref<1024xf32, #tpu.memory_space<hbm>>
      %dma_start3A_647 = arith.constant 0 : i32
      %dma_start3A_648 = tpu.memref_slice %arg4[%add3A_640, %dma_start3A_647] : memref<8192x1024xf32, #tpu.memory_space<hbm>> -> memref<1x1024xf32, #tpu.memory_space<hbm>>
      %dma_start3A_649 = tpu.memref_squeeze %dma_start3A_648 : memref<1x1024xf32, #tpu.memory_space<hbm>> -> memref<1024xf32, #tpu.memory_space<hbm>>
      %dma_start3A_650 = arith.constant 0 : i32
      %dma_start3A_651 = tpu.memref_slice %arg6[%squeeze3A_635, %dma_start3A_650] : memref<64x1024xf32, #tpu.memory_space<vmem>> -> memref<1x1024xf32, #tpu.memory_space<vmem>>
      %dma_start3A_652 = tpu.memref_squeeze %dma_start3A_651 : memref<1x1024xf32, #tpu.memory_space<vmem>> -> memref<1024xf32, #tpu.memory_space<vmem>>
      tpu.enqueue_dma source(%dma_start3A_652 : memref<1024xf32, #tpu.memory_space<vmem>>) target(%dma_start3A_649 : memref<1024xf32, #tpu.memory_space<hbm>>) target_semaphore(%arg8 : memref<!tpu.dma_semaphore, #tpu.memory_space<semaphore_mem>>)
      %slice3A_653 = vector.extract_strided_slice %get3A_502 {offsets = [8], sizes = [1], strides = [1]} : vector<16xi32> to vector<1xi32>
      %squeeze3A_654 = vector.extract %slice3A_653[0] : i32 from vector<1xi32>
      %mul3A_655 = arith.constant 16 : i32
      %mul3A_656 = arith.muli %scan3A_498, %mul3A_655 : i32
      %add3A_657 = arith.addi %add3A_35, %mul3A_656 : i32
      %add3A_658 = arith.constant 8 : i32
      %add3A_659 = arith.addi %add3A_657, %add3A_658 : i32
      %dma_start3A_660 = arith.constant 0 : i32
      %dma_start3A_661 = tpu.memref_slice %arg6[%squeeze3A_654, %dma_start3A_660] : memref<64x1024xf32, #tpu.memory_space<vmem>> -> memref<1x1024xf32, #tpu.memory_space<vmem>>
      %dma_start3A_662 = tpu.memref_squeeze %dma_start3A_661 : memref<1x1024xf32, #tpu.memory_space<vmem>> -> memref<1024xf32, #tpu.memory_space<vmem>>
      %dma_start3A_663 = arith.constant 0 : i32
      %dma_start3A_664 = tpu.memref_slice %arg4[%add3A_659, %dma_start3A_663] : memref<8192x1024xf32, #tpu.memory_space<hbm>> -> memref<1x1024xf32, #tpu.memory_space<hbm>>
      %dma_start3A_665 = tpu.memref_squeeze %dma_start3A_664 : memref<1x1024xf32, #tpu.memory_space<hbm>> -> memref<1024xf32, #tpu.memory_space<hbm>>
      %dma_start3A_666 = arith.constant 0 : i32
      %dma_start3A_667 = tpu.memref_slice %arg4[%add3A_659, %dma_start3A_666] : memref<8192x1024xf32, #tpu.memory_space<hbm>> -> memref<1x1024xf32, #tpu.memory_space<hbm>>
      %dma_start3A_668 = tpu.memref_squeeze %dma_start3A_667 : memref<1x1024xf32, #tpu.memory_space<hbm>> -> memref<1024xf32, #tpu.memory_space<hbm>>
      %dma_start3A_669 = arith.constant 0 : i32
      %dma_start3A_670 = tpu.memref_slice %arg6[%squeeze3A_654, %dma_start3A_669] : memref<64x1024xf32, #tpu.memory_space<vmem>> -> memref<1x1024xf32, #tpu.memory_space<vmem>>
      %dma_start3A_671 = tpu.memref_squeeze %dma_start3A_670 : memref<1x1024xf32, #tpu.memory_space<vmem>> -> memref<1024xf32, #tpu.memory_space<vmem>>
      tpu.enqueue_dma source(%dma_start3A_671 : memref<1024xf32, #tpu.memory_space<vmem>>) target(%dma_start3A_668 : memref<1024xf32, #tpu.memory_space<hbm>>) target_semaphore(%arg8 : memref<!tpu.dma_semaphore, #tpu.memory_space<semaphore_mem>>)
      %slice3A_672 = vector.extract_strided_slice %get3A_502 {offsets = [9], sizes = [1], strides = [1]} : vector<16xi32> to vector<1xi32>
      %squeeze3A_673 = vector.extract %slice3A_672[0] : i32 from vector<1xi32>
      %mul3A_674 = arith.constant 16 : i32
      %mul3A_675 = arith.muli %scan3A_498, %mul3A_674 : i32
      %add3A_676 = arith.addi %add3A_35, %mul3A_675 : i32
      %add3A_677 = arith.constant 9 : i32
      %add3A_678 = arith.addi %add3A_676, %add3A_677 : i32
      %dma_start3A_679 = arith.constant 0 : i32
      %dma_start3A_680 = tpu.memref_slice %arg6[%squeeze3A_673, %dma_start3A_679] : memref<64x1024xf32, #tpu.memory_space<vmem>> -> memref<1x1024xf32, #tpu.memory_space<vmem>>
      %dma_start3A_681 = tpu.memref_squeeze %dma_start3A_680 : memref<1x1024xf32, #tpu.memory_space<vmem>> -> memref<1024xf32, #tpu.memory_space<vmem>>
      %dma_start3A_682 = arith.constant 0 : i32
      %dma_start3A_683 = tpu.memref_slice %arg4[%add3A_678, %dma_start3A_682] : memref<8192x1024xf32, #tpu.memory_space<hbm>> -> memref<1x1024xf32, #tpu.memory_space<hbm>>
      %dma_start3A_684 = tpu.memref_squeeze %dma_start3A_683 : memref<1x1024xf32, #tpu.memory_space<hbm>> -> memref<1024xf32, #tpu.memory_space<hbm>>
      %dma_start3A_685 = arith.constant 0 : i32
      %dma_start3A_686 = tpu.memref_slice %arg4[%add3A_678, %dma_start3A_685] : memref<8192x1024xf32, #tpu.memory_space<hbm>> -> memref<1x1024xf32, #tpu.memory_space<hbm>>
      %dma_start3A_687 = tpu.memref_squeeze %dma_start3A_686 : memref<1x1024xf32, #tpu.memory_space<hbm>> -> memref<1024xf32, #tpu.memory_space<hbm>>
      %dma_start3A_688 = arith.constant 0 : i32
      %dma_start3A_689 = tpu.memref_slice %arg6[%squeeze3A_673, %dma_start3A_688] : memref<64x1024xf32, #tpu.memory_space<vmem>> -> memref<1x1024xf32, #tpu.memory_space<vmem>>
      %dma_start3A_690 = tpu.memref_squeeze %dma_start3A_689 : memref<1x1024xf32, #tpu.memory_space<vmem>> -> memref<1024xf32, #tpu.memory_space<vmem>>
      tpu.enqueue_dma source(%dma_start3A_690 : memref<1024xf32, #tpu.memory_space<vmem>>) target(%dma_start3A_687 : memref<1024xf32, #tpu.memory_space<hbm>>) target_semaphore(%arg8 : memref<!tpu.dma_semaphore, #tpu.memory_space<semaphore_mem>>)
      %slice3A_691 = vector.extract_strided_slice %get3A_502 {offsets = [10], sizes = [1], strides = [1]} : vector<16xi32> to vector<1xi32>
      %squeeze3A_692 = vector.extract %slice3A_691[0] : i32 from vector<1xi32>
      %mul3A_693 = arith.constant 16 : i32
      %mul3A_694 = arith.muli %scan3A_498, %mul3A_693 : i32
      %add3A_695 = arith.addi %add3A_35, %mul3A_694 : i32
      %add3A_696 = arith.constant 10 : i32
      %add3A_697 = arith.addi %add3A_695, %add3A_696 : i32
      %dma_start3A_698 = arith.constant 0 : i32
      %dma_start3A_699 = tpu.memref_slice %arg6[%squeeze3A_692, %dma_start3A_698] : memref<64x1024xf32, #tpu.memory_space<vmem>> -> memref<1x1024xf32, #tpu.memory_space<vmem>>
      %dma_start3A_700 = tpu.memref_squeeze %dma_start3A_699 : memref<1x1024xf32, #tpu.memory_space<vmem>> -> memref<1024xf32, #tpu.memory_space<vmem>>
      %dma_start3A_701 = arith.constant 0 : i32
      %dma_start3A_702 = tpu.memref_slice %arg4[%add3A_697, %dma_start3A_701] : memref<8192x1024xf32, #tpu.memory_space<hbm>> -> memref<1x1024xf32, #tpu.memory_space<hbm>>
      %dma_start3A_703 = tpu.memref_squeeze %dma_start3A_702 : memref<1x1024xf32, #tpu.memory_space<hbm>> -> memref<1024xf32, #tpu.memory_space<hbm>>
      %dma_start3A_704 = arith.constant 0 : i32
      %dma_start3A_705 = tpu.memref_slice %arg4[%add3A_697, %dma_start3A_704] : memref<8192x1024xf32, #tpu.memory_space<hbm>> -> memref<1x1024xf32, #tpu.memory_space<hbm>>
      %dma_start3A_706 = tpu.memref_squeeze %dma_start3A_705 : memref<1x1024xf32, #tpu.memory_space<hbm>> -> memref<1024xf32, #tpu.memory_space<hbm>>
      %dma_start3A_707 = arith.constant 0 : i32
      %dma_start3A_708 = tpu.memref_slice %arg6[%squeeze3A_692, %dma_start3A_707] : memref<64x1024xf32, #tpu.memory_space<vmem>> -> memref<1x1024xf32, #tpu.memory_space<vmem>>
      %dma_start3A_709 = tpu.memref_squeeze %dma_start3A_708 : memref<1x1024xf32, #tpu.memory_space<vmem>> -> memref<1024xf32, #tpu.memory_space<vmem>>
      tpu.enqueue_dma source(%dma_start3A_709 : memref<1024xf32, #tpu.memory_space<vmem>>) target(%dma_start3A_706 : memref<1024xf32, #tpu.memory_space<hbm>>) target_semaphore(%arg8 : memref<!tpu.dma_semaphore, #tpu.memory_space<semaphore_mem>>)
      %slice3A_710 = vector.extract_strided_slice %get3A_502 {offsets = [11], sizes = [1], strides = [1]} : vector<16xi32> to vector<1xi32>
      %squeeze3A_711 = vector.extract %slice3A_710[0] : i32 from vector<1xi32>
      %mul3A_712 = arith.constant 16 : i32
      %mul3A_713 = arith.muli %scan3A_498, %mul3A_712 : i32
      %add3A_714 = arith.addi %add3A_35, %mul3A_713 : i32
      %add3A_715 = arith.constant 11 : i32
      %add3A_716 = arith.addi %add3A_714, %add3A_715 : i32
      %dma_start3A_717 = arith.constant 0 : i32
      %dma_start3A_718 = tpu.memref_slice %arg6[%squeeze3A_711, %dma_start3A_717] : memref<64x1024xf32, #tpu.memory_space<vmem>> -> memref<1x1024xf32, #tpu.memory_space<vmem>>
      %dma_start3A_719 = tpu.memref_squeeze %dma_start3A_718 : memref<1x1024xf32, #tpu.memory_space<vmem>> -> memref<1024xf32, #tpu.memory_space<vmem>>
      %dma_start3A_720 = arith.constant 0 : i32
      %dma_start3A_721 = tpu.memref_slice %arg4[%add3A_716, %dma_start3A_720] : memref<8192x1024xf32, #tpu.memory_space<hbm>> -> memref<1x1024xf32, #tpu.memory_space<hbm>>
      %dma_start3A_722 = tpu.memref_squeeze %dma_start3A_721 : memref<1x1024xf32, #tpu.memory_space<hbm>> -> memref<1024xf32, #tpu.memory_space<hbm>>
      %dma_start3A_723 = arith.constant 0 : i32
      %dma_start3A_724 = tpu.memref_slice %arg4[%add3A_716, %dma_start3A_723] : memref<8192x1024xf32, #tpu.memory_space<hbm>> -> memref<1x1024xf32, #tpu.memory_space<hbm>>
      %dma_start3A_725 = tpu.memref_squeeze %dma_start3A_724 : memref<1x1024xf32, #tpu.memory_space<hbm>> -> memref<1024xf32, #tpu.memory_space<hbm>>
      %dma_start3A_726 = arith.constant 0 : i32
      %dma_start3A_727 = tpu.memref_slice %arg6[%squeeze3A_711, %dma_start3A_726] : memref<64x1024xf32, #tpu.memory_space<vmem>> -> memref<1x1024xf32, #tpu.memory_space<vmem>>
      %dma_start3A_728 = tpu.memref_squeeze %dma_start3A_727 : memref<1x1024xf32, #tpu.memory_space<vmem>> -> memref<1024xf32, #tpu.memory_space<vmem>>
      tpu.enqueue_dma source(%dma_start3A_728 : memref<1024xf32, #tpu.memory_space<vmem>>) target(%dma_start3A_725 : memref<1024xf32, #tpu.memory_space<hbm>>) target_semaphore(%arg8 : memref<!tpu.dma_semaphore, #tpu.memory_space<semaphore_mem>>)
      %slice3A_729 = vector.extract_strided_slice %get3A_502 {offsets = [12], sizes = [1], strides = [1]} : vector<16xi32> to vector<1xi32>
      %squeeze3A_730 = vector.extract %slice3A_729[0] : i32 from vector<1xi32>
      %mul3A_731 = arith.constant 16 : i32
      %mul3A_732 = arith.muli %scan3A_498, %mul3A_731 : i32
      %add3A_733 = arith.addi %add3A_35, %mul3A_732 : i32
      %add3A_734 = arith.constant 12 : i32
      %add3A_735 = arith.addi %add3A_733, %add3A_734 : i32
      %dma_start3A_736 = arith.constant 0 : i32
      %dma_start3A_737 = tpu.memref_slice %arg6[%squeeze3A_730, %dma_start3A_736] : memref<64x1024xf32, #tpu.memory_space<vmem>> -> memref<1x1024xf32, #tpu.memory_space<vmem>>
      %dma_start3A_738 = tpu.memref_squeeze %dma_start3A_737 : memref<1x1024xf32, #tpu.memory_space<vmem>> -> memref<1024xf32, #tpu.memory_space<vmem>>
      %dma_start3A_739 = arith.constant 0 : i32
      %dma_start3A_740 = tpu.memref_slice %arg4[%add3A_735, %dma_start3A_739] : memref<8192x1024xf32, #tpu.memory_space<hbm>> -> memref<1x1024xf32, #tpu.memory_space<hbm>>
      %dma_start3A_741 = tpu.memref_squeeze %dma_start3A_740 : memref<1x1024xf32, #tpu.memory_space<hbm>> -> memref<1024xf32, #tpu.memory_space<hbm>>
      %dma_start3A_742 = arith.constant 0 : i32
      %dma_start3A_743 = tpu.memref_slice %arg4[%add3A_735, %dma_start3A_742] : memref<8192x1024xf32, #tpu.memory_space<hbm>> -> memref<1x1024xf32, #tpu.memory_space<hbm>>
      %dma_start3A_744 = tpu.memref_squeeze %dma_start3A_743 : memref<1x1024xf32, #tpu.memory_space<hbm>> -> memref<1024xf32, #tpu.memory_space<hbm>>
      %dma_start3A_745 = arith.constant 0 : i32
      %dma_start3A_746 = tpu.memref_slice %arg6[%squeeze3A_730, %dma_start3A_745] : memref<64x1024xf32, #tpu.memory_space<vmem>> -> memref<1x1024xf32, #tpu.memory_space<vmem>>
      %dma_start3A_747 = tpu.memref_squeeze %dma_start3A_746 : memref<1x1024xf32, #tpu.memory_space<vmem>> -> memref<1024xf32, #tpu.memory_space<vmem>>
      tpu.enqueue_dma source(%dma_start3A_747 : memref<1024xf32, #tpu.memory_space<vmem>>) target(%dma_start3A_744 : memref<1024xf32, #tpu.memory_space<hbm>>) target_semaphore(%arg8 : memref<!tpu.dma_semaphore, #tpu.memory_space<semaphore_mem>>)
      %slice3A_748 = vector.extract_strided_slice %get3A_502 {offsets = [13], sizes = [1], strides = [1]} : vector<16xi32> to vector<1xi32>
      %squeeze3A_749 = vector.extract %slice3A_748[0] : i32 from vector<1xi32>
      %mul3A_750 = arith.constant 16 : i32
      %mul3A_751 = arith.muli %scan3A_498, %mul3A_750 : i32
      %add3A_752 = arith.addi %add3A_35, %mul3A_751 : i32
      %add3A_753 = arith.constant 13 : i32
      %add3A_754 = arith.addi %add3A_752, %add3A_753 : i32
      %dma_start3A_755 = arith.constant 0 : i32
      %dma_start3A_756 = tpu.memref_slice %arg6[%squeeze3A_749, %dma_start3A_755] : memref<64x1024xf32, #tpu.memory_space<vmem>> -> memref<1x1024xf32, #tpu.memory_space<vmem>>
      %dma_start3A_757 = tpu.memref_squeeze %dma_start3A_756 : memref<1x1024xf32, #tpu.memory_space<vmem>> -> memref<1024xf32, #tpu.memory_space<vmem>>
      %dma_start3A_758 = arith.constant 0 : i32
      %dma_start3A_759 = tpu.memref_slice %arg4[%add3A_754, %dma_start3A_758] : memref<8192x1024xf32, #tpu.memory_space<hbm>> -> memref<1x1024xf32, #tpu.memory_space<hbm>>
      %dma_start3A_760 = tpu.memref_squeeze %dma_start3A_759 : memref<1x1024xf32, #tpu.memory_space<hbm>> -> memref<1024xf32, #tpu.memory_space<hbm>>
      %dma_start3A_761 = arith.constant 0 : i32
      %dma_start3A_762 = tpu.memref_slice %arg4[%add3A_754, %dma_start3A_761] : memref<8192x1024xf32, #tpu.memory_space<hbm>> -> memref<1x1024xf32, #tpu.memory_space<hbm>>
      %dma_start3A_763 = tpu.memref_squeeze %dma_start3A_762 : memref<1x1024xf32, #tpu.memory_space<hbm>> -> memref<1024xf32, #tpu.memory_space<hbm>>
      %dma_start3A_764 = arith.constant 0 : i32
      %dma_start3A_765 = tpu.memref_slice %arg6[%squeeze3A_749, %dma_start3A_764] : memref<64x1024xf32, #tpu.memory_space<vmem>> -> memref<1x1024xf32, #tpu.memory_space<vmem>>
      %dma_start3A_766 = tpu.memref_squeeze %dma_start3A_765 : memref<1x1024xf32, #tpu.memory_space<vmem>> -> memref<1024xf32, #tpu.memory_space<vmem>>
      tpu.enqueue_dma source(%dma_start3A_766 : memref<1024xf32, #tpu.memory_space<vmem>>) target(%dma_start3A_763 : memref<1024xf32, #tpu.memory_space<hbm>>) target_semaphore(%arg8 : memref<!tpu.dma_semaphore, #tpu.memory_space<semaphore_mem>>)
      %slice3A_767 = vector.extract_strided_slice %get3A_502 {offsets = [14], sizes = [1], strides = [1]} : vector<16xi32> to vector<1xi32>
      %squeeze3A_768 = vector.extract %slice3A_767[0] : i32 from vector<1xi32>
      %mul3A_769 = arith.constant 16 : i32
      %mul3A_770 = arith.muli %scan3A_498, %mul3A_769 : i32
      %add3A_771 = arith.addi %add3A_35, %mul3A_770 : i32
      %add3A_772 = arith.constant 14 : i32
      %add3A_773 = arith.addi %add3A_771, %add3A_772 : i32
      %dma_start3A_774 = arith.constant 0 : i32
      %dma_start3A_775 = tpu.memref_slice %arg6[%squeeze3A_768, %dma_start3A_774] : memref<64x1024xf32, #tpu.memory_space<vmem>> -> memref<1x1024xf32, #tpu.memory_space<vmem>>
      %dma_start3A_776 = tpu.memref_squeeze %dma_start3A_775 : memref<1x1024xf32, #tpu.memory_space<vmem>> -> memref<1024xf32, #tpu.memory_space<vmem>>
      %dma_start3A_777 = arith.constant 0 : i32
      %dma_start3A_778 = tpu.memref_slice %arg4[%add3A_773, %dma_start3A_777] : memref<8192x1024xf32, #tpu.memory_space<hbm>> -> memref<1x1024xf32, #tpu.memory_space<hbm>>
      %dma_start3A_779 = tpu.memref_squeeze %dma_start3A_778 : memref<1x1024xf32, #tpu.memory_space<hbm>> -> memref<1024xf32, #tpu.memory_space<hbm>>
      %dma_start3A_780 = arith.constant 0 : i32
      %dma_start3A_781 = tpu.memref_slice %arg4[%add3A_773, %dma_start3A_780] : memref<8192x1024xf32, #tpu.memory_space<hbm>> -> memref<1x1024xf32, #tpu.memory_space<hbm>>
      %dma_start3A_782 = tpu.memref_squeeze %dma_start3A_781 : memref<1x1024xf32, #tpu.memory_space<hbm>> -> memref<1024xf32, #tpu.memory_space<hbm>>
      %dma_start3A_783 = arith.constant 0 : i32
      %dma_start3A_784 = tpu.memref_slice %arg6[%squeeze3A_768, %dma_start3A_783] : memref<64x1024xf32, #tpu.memory_space<vmem>> -> memref<1x1024xf32, #tpu.memory_space<vmem>>
      %dma_start3A_785 = tpu.memref_squeeze %dma_start3A_784 : memref<1x1024xf32, #tpu.memory_space<vmem>> -> memref<1024xf32, #tpu.memory_space<vmem>>
      tpu.enqueue_dma source(%dma_start3A_785 : memref<1024xf32, #tpu.memory_space<vmem>>) target(%dma_start3A_782 : memref<1024xf32, #tpu.memory_space<hbm>>) target_semaphore(%arg8 : memref<!tpu.dma_semaphore, #tpu.memory_space<semaphore_mem>>)
      %slice3A_786 = vector.extract_strided_slice %get3A_502 {offsets = [15], sizes = [1], strides = [1]} : vector<16xi32> to vector<1xi32>
      %squeeze3A_787 = vector.extract %slice3A_786[0] : i32 from vector<1xi32>
      %mul3A_788 = arith.constant 16 : i32
      %mul3A_789 = arith.muli %scan3A_498, %mul3A_788 : i32
      %add3A_790 = arith.addi %add3A_35, %mul3A_789 : i32
      %add3A_791 = arith.constant 15 : i32
      %add3A_792 = arith.addi %add3A_790, %add3A_791 : i32
      %dma_start3A_793 = arith.constant 0 : i32
      %dma_start3A_794 = tpu.memref_slice %arg6[%squeeze3A_787, %dma_start3A_793] : memref<64x1024xf32, #tpu.memory_space<vmem>> -> memref<1x1024xf32, #tpu.memory_space<vmem>>
      %dma_start3A_795 = tpu.memref_squeeze %dma_start3A_794 : memref<1x1024xf32, #tpu.memory_space<vmem>> -> memref<1024xf32, #tpu.memory_space<vmem>>
      %dma_start3A_796 = arith.constant 0 : i32
      %dma_start3A_797 = tpu.memref_slice %arg4[%add3A_792, %dma_start3A_796] : memref<8192x1024xf32, #tpu.memory_space<hbm>> -> memref<1x1024xf32, #tpu.memory_space<hbm>>
      %dma_start3A_798 = tpu.memref_squeeze %dma_start3A_797 : memref<1x1024xf32, #tpu.memory_space<hbm>> -> memref<1024xf32, #tpu.memory_space<hbm>>
      %dma_start3A_799 = arith.constant 0 : i32
      %dma_start3A_800 = tpu.memref_slice %arg4[%add3A_792, %dma_start3A_799] : memref<8192x1024xf32, #tpu.memory_space<hbm>> -> memref<1x1024xf32, #tpu.memory_space<hbm>>
      %dma_start3A_801 = tpu.memref_squeeze %dma_start3A_800 : memref<1x1024xf32, #tpu.memory_space<hbm>> -> memref<1024xf32, #tpu.memory_space<hbm>>
      %dma_start3A_802 = arith.constant 0 : i32
      %dma_start3A_803 = tpu.memref_slice %arg6[%squeeze3A_787, %dma_start3A_802] : memref<64x1024xf32, #tpu.memory_space<vmem>> -> memref<1x1024xf32, #tpu.memory_space<vmem>>
      %dma_start3A_804 = tpu.memref_squeeze %dma_start3A_803 : memref<1x1024xf32, #tpu.memory_space<vmem>> -> memref<1024xf32, #tpu.memory_space<vmem>>
      tpu.enqueue_dma source(%dma_start3A_804 : memref<1024xf32, #tpu.memory_space<vmem>>) target(%dma_start3A_801 : memref<1024xf32, #tpu.memory_space<hbm>>) target_semaphore(%arg8 : memref<!tpu.dma_semaphore, #tpu.memory_space<semaphore_mem>>)
      %gt3A = arith.constant 1 : i32
      %gt3A_805 = arith.cmpi sgt, %scan3A_498, %gt3A : i32
      %convert_element_type3A_806 = arith.extui %gt3A_805 : i1 to i32
      %cond3A_807 = arith.constant 0 : i32
      %cond3A_808 = arith.cmpi ne, %convert_element_type3A_806, %cond3A_807 : i32
      scf.if %cond3A_808 {
        %dma_wait3A_809 = arith.constant 0 : i32
        %dma_wait3A_810 = arith.constant 0 : i32
        %dma_wait3A_811 = arith.constant 0 : i32
        %dma_wait3A_812 = tpu.memref_slice %arg6[%dma_wait3A_810, %dma_wait3A_811] : memref<64x1024xf32, #tpu.memory_space<vmem>> -> memref<1x1024xf32, #tpu.memory_space<vmem>>
        %dma_wait3A_813 = tpu.memref_squeeze %dma_wait3A_812 : memref<1x1024xf32, #tpu.memory_space<vmem>> -> memref<1024xf32, #tpu.memory_space<vmem>>
        %dma_wait3A_814 = arith.constant 0 : i32
        %dma_wait3A_815 = tpu.memref_slice %arg2[%dma_wait3A_809, %dma_wait3A_814] : memref<64x1024xf32, #tpu.memory_space<hbm>> -> memref<1x1024xf32, #tpu.memory_space<hbm>>
        %dma_wait3A_816 = tpu.memref_squeeze %dma_wait3A_815 : memref<1x1024xf32, #tpu.memory_space<hbm>> -> memref<1024xf32, #tpu.memory_space<hbm>>
        %dma_wait3A_817 = arith.constant 0 : i32
        %dma_wait3A_818 = tpu.memref_slice %arg6[%dma_wait3A_810, %dma_wait3A_817] : memref<64x1024xf32, #tpu.memory_space<vmem>> -> memref<1x1024xf32, #tpu.memory_space<vmem>>
        %dma_wait3A_819 = tpu.memref_squeeze %dma_wait3A_818 : memref<1x1024xf32, #tpu.memory_space<vmem>> -> memref<1024xf32, #tpu.memory_space<vmem>>
        %dma_wait3A_820 = arith.constant 0 : i32
        %dma_wait3A_821 = tpu.memref_slice %arg2[%dma_wait3A_809, %dma_wait3A_820] : memref<64x1024xf32, #tpu.memory_space<hbm>> -> memref<1x1024xf32, #tpu.memory_space<hbm>>
        %dma_wait3A_822 = tpu.memref_squeeze %dma_wait3A_821 : memref<1x1024xf32, #tpu.memory_space<hbm>> -> memref<1024xf32, #tpu.memory_space<hbm>>
        tpu.wait_dma2 semaphore(%arg8 : memref<!tpu.dma_semaphore, #tpu.memory_space<semaphore_mem>>) src(%dma_wait3A_822 : memref<1024xf32, #tpu.memory_space<hbm>>) dst(%dma_wait3A_819 : memref<1024xf32, #tpu.memory_space<vmem>>)
        %dma_wait3A_823 = arith.constant 0 : i32
        %dma_wait3A_824 = arith.constant 0 : i32
        %dma_wait3A_825 = arith.constant 0 : i32
        %dma_wait3A_826 = tpu.memref_slice %arg6[%dma_wait3A_824, %dma_wait3A_825] : memref<64x1024xf32, #tpu.memory_space<vmem>> -> memref<1x1024xf32, #tpu.memory_space<vmem>>
        %dma_wait3A_827 = tpu.memref_squeeze %dma_wait3A_826 : memref<1x1024xf32, #tpu.memory_space<vmem>> -> memref<1024xf32, #tpu.memory_space<vmem>>
        %dma_wait3A_828 = arith.constant 0 : i32
        %dma_wait3A_829 = tpu.memref_slice %arg2[%dma_wait3A_823, %dma_wait3A_828] : memref<64x1024xf32, #tpu.memory_space<hbm>> -> memref<1x1024xf32, #tpu.memory_space<hbm>>
        %dma_wait3A_830 = tpu.memref_squeeze %dma_wait3A_829 : memref<1x1024xf32, #tpu.memory_space<hbm>> -> memref<1024xf32, #tpu.memory_space<hbm>>
        %dma_wait3A_831 = arith.constant 0 : i32
        %dma_wait3A_832 = tpu.memref_slice %arg6[%dma_wait3A_824, %dma_wait3A_831] : memref<64x1024xf32, #tpu.memory_space<vmem>> -> memref<1x1024xf32, #tpu.memory_space<vmem>>
        %dma_wait3A_833 = tpu.memref_squeeze %dma_wait3A_832 : memref<1x1024xf32, #tpu.memory_space<vmem>> -> memref<1024xf32, #tpu.memory_space<vmem>>
        %dma_wait3A_834 = arith.constant 0 : i32
        %dma_wait3A_835 = tpu.memref_slice %arg2[%dma_wait3A_823, %dma_wait3A_834] : memref<64x1024xf32, #tpu.memory_space<hbm>> -> memref<1x1024xf32, #tpu.memory_space<hbm>>
        %dma_wait3A_836 = tpu.memref_squeeze %dma_wait3A_835 : memref<1x1024xf32, #tpu.memory_space<hbm>> -> memref<1024xf32, #tpu.memory_space<hbm>>
        tpu.wait_dma2 semaphore(%arg8 : memref<!tpu.dma_semaphore, #tpu.memory_space<semaphore_mem>>) src(%dma_wait3A_836 : memref<1024xf32, #tpu.memory_space<hbm>>) dst(%dma_wait3A_833 : memref<1024xf32, #tpu.memory_space<vmem>>)
        %dma_wait3A_837 = arith.constant 0 : i32
        %dma_wait3A_838 = arith.constant 0 : i32
        %dma_wait3A_839 = arith.constant 0 : i32
        %dma_wait3A_840 = tpu.memref_slice %arg6[%dma_wait3A_838, %dma_wait3A_839] : memref<64x1024xf32, #tpu.memory_space<vmem>> -> memref<1x1024xf32, #tpu.memory_space<vmem>>
        %dma_wait3A_841 = tpu.memref_squeeze %dma_wait3A_840 : memref<1x1024xf32, #tpu.memory_space<vmem>> -> memref<1024xf32, #tpu.memory_space<vmem>>
        %dma_wait3A_842 = arith.constant 0 : i32
        %dma_wait3A_843 = tpu.memref_slice %arg2[%dma_wait3A_837, %dma_wait3A_842] : memref<64x1024xf32, #tpu.memory_space<hbm>> -> memref<1x1024xf32, #tpu.memory_space<hbm>>
        %dma_wait3A_844 = tpu.memref_squeeze %dma_wait3A_843 : memref<1x1024xf32, #tpu.memory_space<hbm>> -> memref<1024xf32, #tpu.memory_space<hbm>>
        %dma_wait3A_845 = arith.constant 0 : i32
        %dma_wait3A_846 = tpu.memref_slice %arg6[%dma_wait3A_838, %dma_wait3A_845] : memref<64x1024xf32, #tpu.memory_space<vmem>> -> memref<1x1024xf32, #tpu.memory_space<vmem>>
        %dma_wait3A_847 = tpu.memref_squeeze %dma_wait3A_846 : memref<1x1024xf32, #tpu.memory_space<vmem>> -> memref<1024xf32, #tpu.memory_space<vmem>>
        %dma_wait3A_848 = arith.constant 0 : i32
        %dma_wait3A_849 = tpu.memref_slice %arg2[%dma_wait3A_837, %dma_wait3A_848] : memref<64x1024xf32, #tpu.memory_space<hbm>> -> memref<1x1024xf32, #tpu.memory_space<hbm>>
        %dma_wait3A_850 = tpu.memref_squeeze %dma_wait3A_849 : memref<1x1024xf32, #tpu.memory_space<hbm>> -> memref<1024xf32, #tpu.memory_space<hbm>>
        tpu.wait_dma2 semaphore(%arg8 : memref<!tpu.dma_semaphore, #tpu.memory_space<semaphore_mem>>) src(%dma_wait3A_850 : memref<1024xf32, #tpu.memory_space<hbm>>) dst(%dma_wait3A_847 : memref<1024xf32, #tpu.memory_space<vmem>>)
        %dma_wait3A_851 = arith.constant 0 : i32
        %dma_wait3A_852 = arith.constant 0 : i32
        %dma_wait3A_853 = arith.constant 0 : i32
        %dma_wait3A_854 = tpu.memref_slice %arg6[%dma_wait3A_852, %dma_wait3A_853] : memref<64x1024xf32, #tpu.memory_space<vmem>> -> memref<1x1024xf32, #tpu.memory_space<vmem>>
        %dma_wait3A_855 = tpu.memref_squeeze %dma_wait3A_854 : memref<1x1024xf32, #tpu.memory_space<vmem>> -> memref<1024xf32, #tpu.memory_space<vmem>>
        %dma_wait3A_856 = arith.constant 0 : i32
        %dma_wait3A_857 = tpu.memref_slice %arg2[%dma_wait3A_851, %dma_wait3A_856] : memref<64x1024xf32, #tpu.memory_space<hbm>> -> memref<1x1024xf32, #tpu.memory_space<hbm>>
        %dma_wait3A_858 = tpu.memref_squeeze %dma_wait3A_857 : memref<1x1024xf32, #tpu.memory_space<hbm>> -> memref<1024xf32, #tpu.memory_space<hbm>>
        %dma_wait3A_859 = arith.constant 0 : i32
        %dma_wait3A_860 = tpu.memref_slice %arg6[%dma_wait3A_852, %dma_wait3A_859] : memref<64x1024xf32, #tpu.memory_space<vmem>> -> memref<1x1024xf32, #tpu.memory_space<vmem>>
        %dma_wait3A_861 = tpu.memref_squeeze %dma_wait3A_860 : memref<1x1024xf32, #tpu.memory_space<vmem>> -> memref<1024xf32, #tpu.memory_space<vmem>>
        %dma_wait3A_862 = arith.constant 0 : i32
        %dma_wait3A_863 = tpu.memref_slice %arg2[%dma_wait3A_851, %dma_wait3A_862] : memref<64x1024xf32, #tpu.memory_space<hbm>> -> memref<1x1024xf32, #tpu.memory_space<hbm>>
        %dma_wait3A_864 = tpu.memref_squeeze %dma_wait3A_863 : memref<1x1024xf32, #tpu.memory_space<hbm>> -> memref<1024xf32, #tpu.memory_space<hbm>>
        tpu.wait_dma2 semaphore(%arg8 : memref<!tpu.dma_semaphore, #tpu.memory_space<semaphore_mem>>) src(%dma_wait3A_864 : memref<1024xf32, #tpu.memory_space<hbm>>) dst(%dma_wait3A_861 : memref<1024xf32, #tpu.memory_space<vmem>>)
        %dma_wait3A_865 = arith.constant 0 : i32
        %dma_wait3A_866 = arith.constant 0 : i32
        %dma_wait3A_867 = arith.constant 0 : i32
        %dma_wait3A_868 = tpu.memref_slice %arg6[%dma_wait3A_866, %dma_wait3A_867] : memref<64x1024xf32, #tpu.memory_space<vmem>> -> memref<1x1024xf32, #tpu.memory_space<vmem>>
        %dma_wait3A_869 = tpu.memref_squeeze %dma_wait3A_868 : memref<1x1024xf32, #tpu.memory_space<vmem>> -> memref<1024xf32, #tpu.memory_space<vmem>>
        %dma_wait3A_870 = arith.constant 0 : i32
        %dma_wait3A_871 = tpu.memref_slice %arg2[%dma_wait3A_865, %dma_wait3A_870] : memref<64x1024xf32, #tpu.memory_space<hbm>> -> memref<1x1024xf32, #tpu.memory_space<hbm>>
        %dma_wait3A_872 = tpu.memref_squeeze %dma_wait3A_871 : memref<1x1024xf32, #tpu.memory_space<hbm>> -> memref<1024xf32, #tpu.memory_space<hbm>>
        %dma_wait3A_873 = arith.constant 0 : i32
        %dma_wait3A_874 = tpu.memref_slice %arg6[%dma_wait3A_866, %dma_wait3A_873] : memref<64x1024xf32, #tpu.memory_space<vmem>> -> memref<1x1024xf32, #tpu.memory_space<vmem>>
        %dma_wait3A_875 = tpu.memref_squeeze %dma_wait3A_874 : memref<1x1024xf32, #tpu.memory_space<vmem>> -> memref<1024xf32, #tpu.memory_space<vmem>>
        %dma_wait3A_876 = arith.constant 0 : i32
        %dma_wait3A_877 = tpu.memref_slice %arg2[%dma_wait3A_865, %dma_wait3A_876] : memref<64x1024xf32, #tpu.memory_space<hbm>> -> memref<1x1024xf32, #tpu.memory_space<hbm>>
        %dma_wait3A_878 = tpu.memref_squeeze %dma_wait3A_877 : memref<1x1024xf32, #tpu.memory_space<hbm>> -> memref<1024xf32, #tpu.memory_space<hbm>>
        tpu.wait_dma2 semaphore(%arg8 : memref<!tpu.dma_semaphore, #tpu.memory_space<semaphore_mem>>) src(%dma_wait3A_878 : memref<1024xf32, #tpu.memory_space<hbm>>) dst(%dma_wait3A_875 : memref<1024xf32, #tpu.memory_space<vmem>>)
        %dma_wait3A_879 = arith.constant 0 : i32
        %dma_wait3A_880 = arith.constant 0 : i32
        %dma_wait3A_881 = arith.constant 0 : i32
        %dma_wait3A_882 = tpu.memref_slice %arg6[%dma_wait3A_880, %dma_wait3A_881] : memref<64x1024xf32, #tpu.memory_space<vmem>> -> memref<1x1024xf32, #tpu.memory_space<vmem>>
        %dma_wait3A_883 = tpu.memref_squeeze %dma_wait3A_882 : memref<1x1024xf32, #tpu.memory_space<vmem>> -> memref<1024xf32, #tpu.memory_space<vmem>>
        %dma_wait3A_884 = arith.constant 0 : i32
        %dma_wait3A_885 = tpu.memref_slice %arg2[%dma_wait3A_879, %dma_wait3A_884] : memref<64x1024xf32, #tpu.memory_space<hbm>> -> memref<1x1024xf32, #tpu.memory_space<hbm>>
        %dma_wait3A_886 = tpu.memref_squeeze %dma_wait3A_885 : memref<1x1024xf32, #tpu.memory_space<hbm>> -> memref<1024xf32, #tpu.memory_space<hbm>>
        %dma_wait3A_887 = arith.constant 0 : i32
        %dma_wait3A_888 = tpu.memref_slice %arg6[%dma_wait3A_880, %dma_wait3A_887] : memref<64x1024xf32, #tpu.memory_space<vmem>> -> memref<1x1024xf32, #tpu.memory_space<vmem>>
        %dma_wait3A_889 = tpu.memref_squeeze %dma_wait3A_888 : memref<1x1024xf32, #tpu.memory_space<vmem>> -> memref<1024xf32, #tpu.memory_space<vmem>>
        %dma_wait3A_890 = arith.constant 0 : i32
        %dma_wait3A_891 = tpu.memref_slice %arg2[%dma_wait3A_879, %dma_wait3A_890] : memref<64x1024xf32, #tpu.memory_space<hbm>> -> memref<1x1024xf32, #tpu.memory_space<hbm>>
        %dma_wait3A_892 = tpu.memref_squeeze %dma_wait3A_891 : memref<1x1024xf32, #tpu.memory_space<hbm>> -> memref<1024xf32, #tpu.memory_space<hbm>>
        tpu.wait_dma2 semaphore(%arg8 : memref<!tpu.dma_semaphore, #tpu.memory_space<semaphore_mem>>) src(%dma_wait3A_892 : memref<1024xf32, #tpu.memory_space<hbm>>) dst(%dma_wait3A_889 : memref<1024xf32, #tpu.memory_space<vmem>>)
        %dma_wait3A_893 = arith.constant 0 : i32
        %dma_wait3A_894 = arith.constant 0 : i32
        %dma_wait3A_895 = arith.constant 0 : i32
        %dma_wait3A_896 = tpu.memref_slice %arg6[%dma_wait3A_894, %dma_wait3A_895] : memref<64x1024xf32, #tpu.memory_space<vmem>> -> memref<1x1024xf32, #tpu.memory_space<vmem>>
        %dma_wait3A_897 = tpu.memref_squeeze %dma_wait3A_896 : memref<1x1024xf32, #tpu.memory_space<vmem>> -> memref<1024xf32, #tpu.memory_space<vmem>>
        %dma_wait3A_898 = arith.constant 0 : i32
        %dma_wait3A_899 = tpu.memref_slice %arg2[%dma_wait3A_893, %dma_wait3A_898] : memref<64x1024xf32, #tpu.memory_space<hbm>> -> memref<1x1024xf32, #tpu.memory_space<hbm>>
        %dma_wait3A_900 = tpu.memref_squeeze %dma_wait3A_899 : memref<1x1024xf32, #tpu.memory_space<hbm>> -> memref<1024xf32, #tpu.memory_space<hbm>>
        %dma_wait3A_901 = arith.constant 0 : i32
        %dma_wait3A_902 = tpu.memref_slice %arg6[%dma_wait3A_894, %dma_wait3A_901] : memref<64x1024xf32, #tpu.memory_space<vmem>> -> memref<1x1024xf32, #tpu.memory_space<vmem>>
        %dma_wait3A_903 = tpu.memref_squeeze %dma_wait3A_902 : memref<1x1024xf32, #tpu.memory_space<vmem>> -> memref<1024xf32, #tpu.memory_space<vmem>>
        %dma_wait3A_904 = arith.constant 0 : i32
        %dma_wait3A_905 = tpu.memref_slice %arg2[%dma_wait3A_893, %dma_wait3A_904] : memref<64x1024xf32, #tpu.memory_space<hbm>> -> memref<1x1024xf32, #tpu.memory_space<hbm>>
        %dma_wait3A_906 = tpu.memref_squeeze %dma_wait3A_905 : memref<1x1024xf32, #tpu.memory_space<hbm>> -> memref<1024xf32, #tpu.memory_space<hbm>>
        tpu.wait_dma2 semaphore(%arg8 : memref<!tpu.dma_semaphore, #tpu.memory_space<semaphore_mem>>) src(%dma_wait3A_906 : memref<1024xf32, #tpu.memory_space<hbm>>) dst(%dma_wait3A_903 : memref<1024xf32, #tpu.memory_space<vmem>>)
        %dma_wait3A_907 = arith.constant 0 : i32
        %dma_wait3A_908 = arith.constant 0 : i32
        %dma_wait3A_909 = arith.constant 0 : i32
        %dma_wait3A_910 = tpu.memref_slice %arg6[%dma_wait3A_908, %dma_wait3A_909] : memref<64x1024xf32, #tpu.memory_space<vmem>> -> memref<1x1024xf32, #tpu.memory_space<vmem>>
        %dma_wait3A_911 = tpu.memref_squeeze %dma_wait3A_910 : memref<1x1024xf32, #tpu.memory_space<vmem>> -> memref<1024xf32, #tpu.memory_space<vmem>>
        %dma_wait3A_912 = arith.constant 0 : i32
        %dma_wait3A_913 = tpu.memref_slice %arg2[%dma_wait3A_907, %dma_wait3A_912] : memref<64x1024xf32, #tpu.memory_space<hbm>> -> memref<1x1024xf32, #tpu.memory_space<hbm>>
        %dma_wait3A_914 = tpu.memref_squeeze %dma_wait3A_913 : memref<1x1024xf32, #tpu.memory_space<hbm>> -> memref<1024xf32, #tpu.memory_space<hbm>>
        %dma_wait3A_915 = arith.constant 0 : i32
        %dma_wait3A_916 = tpu.memref_slice %arg6[%dma_wait3A_908, %dma_wait3A_915] : memref<64x1024xf32, #tpu.memory_space<vmem>> -> memref<1x1024xf32, #tpu.memory_space<vmem>>
        %dma_wait3A_917 = tpu.memref_squeeze %dma_wait3A_916 : memref<1x1024xf32, #tpu.memory_space<vmem>> -> memref<1024xf32, #tpu.memory_space<vmem>>
        %dma_wait3A_918 = arith.constant 0 : i32
        %dma_wait3A_919 = tpu.memref_slice %arg2[%dma_wait3A_907, %dma_wait3A_918] : memref<64x1024xf32, #tpu.memory_space<hbm>> -> memref<1x1024xf32, #tpu.memory_space<hbm>>
        %dma_wait3A_920 = tpu.memref_squeeze %dma_wait3A_919 : memref<1x1024xf32, #tpu.memory_space<hbm>> -> memref<1024xf32, #tpu.memory_space<hbm>>
        tpu.wait_dma2 semaphore(%arg8 : memref<!tpu.dma_semaphore, #tpu.memory_space<semaphore_mem>>) src(%dma_wait3A_920 : memref<1024xf32, #tpu.memory_space<hbm>>) dst(%dma_wait3A_917 : memref<1024xf32, #tpu.memory_space<vmem>>)
        %dma_wait3A_921 = arith.constant 0 : i32
        %dma_wait3A_922 = arith.constant 0 : i32
        %dma_wait3A_923 = arith.constant 0 : i32
        %dma_wait3A_924 = tpu.memref_slice %arg6[%dma_wait3A_922, %dma_wait3A_923] : memref<64x1024xf32, #tpu.memory_space<vmem>> -> memref<1x1024xf32, #tpu.memory_space<vmem>>
        %dma_wait3A_925 = tpu.memref_squeeze %dma_wait3A_924 : memref<1x1024xf32, #tpu.memory_space<vmem>> -> memref<1024xf32, #tpu.memory_space<vmem>>
        %dma_wait3A_926 = arith.constant 0 : i32
        %dma_wait3A_927 = tpu.memref_slice %arg2[%dma_wait3A_921, %dma_wait3A_926] : memref<64x1024xf32, #tpu.memory_space<hbm>> -> memref<1x1024xf32, #tpu.memory_space<hbm>>
        %dma_wait3A_928 = tpu.memref_squeeze %dma_wait3A_927 : memref<1x1024xf32, #tpu.memory_space<hbm>> -> memref<1024xf32, #tpu.memory_space<hbm>>
        %dma_wait3A_929 = arith.constant 0 : i32
        %dma_wait3A_930 = tpu.memref_slice %arg6[%dma_wait3A_922, %dma_wait3A_929] : memref<64x1024xf32, #tpu.memory_space<vmem>> -> memref<1x1024xf32, #tpu.memory_space<vmem>>
        %dma_wait3A_931 = tpu.memref_squeeze %dma_wait3A_930 : memref<1x1024xf32, #tpu.memory_space<vmem>> -> memref<1024xf32, #tpu.memory_space<vmem>>
        %dma_wait3A_932 = arith.constant 0 : i32
        %dma_wait3A_933 = tpu.memref_slice %arg2[%dma_wait3A_921, %dma_wait3A_932] : memref<64x1024xf32, #tpu.memory_space<hbm>> -> memref<1x1024xf32, #tpu.memory_space<hbm>>
        %dma_wait3A_934 = tpu.memref_squeeze %dma_wait3A_933 : memref<1x1024xf32, #tpu.memory_space<hbm>> -> memref<1024xf32, #tpu.memory_space<hbm>>
        tpu.wait_dma2 semaphore(%arg8 : memref<!tpu.dma_semaphore, #tpu.memory_space<semaphore_mem>>) src(%dma_wait3A_934 : memref<1024xf32, #tpu.memory_space<hbm>>) dst(%dma_wait3A_931 : memref<1024xf32, #tpu.memory_space<vmem>>)
        %dma_wait3A_935 = arith.constant 0 : i32
        %dma_wait3A_936 = arith.constant 0 : i32
        %dma_wait3A_937 = arith.constant 0 : i32
        %dma_wait3A_938 = tpu.memref_slice %arg6[%dma_wait3A_936, %dma_wait3A_937] : memref<64x1024xf32, #tpu.memory_space<vmem>> -> memref<1x1024xf32, #tpu.memory_space<vmem>>
        %dma_wait3A_939 = tpu.memref_squeeze %dma_wait3A_938 : memref<1x1024xf32, #tpu.memory_space<vmem>> -> memref<1024xf32, #tpu.memory_space<vmem>>
        %dma_wait3A_940 = arith.constant 0 : i32
        %dma_wait3A_941 = tpu.memref_slice %arg2[%dma_wait3A_935, %dma_wait3A_940] : memref<64x1024xf32, #tpu.memory_space<hbm>> -> memref<1x1024xf32, #tpu.memory_space<hbm>>
        %dma_wait3A_942 = tpu.memref_squeeze %dma_wait3A_941 : memref<1x1024xf32, #tpu.memory_space<hbm>> -> memref<1024xf32, #tpu.memory_space<hbm>>
        %dma_wait3A_943 = arith.constant 0 : i32
        %dma_wait3A_944 = tpu.memref_slice %arg6[%dma_wait3A_936, %dma_wait3A_943] : memref<64x1024xf32, #tpu.memory_space<vmem>> -> memref<1x1024xf32, #tpu.memory_space<vmem>>
        %dma_wait3A_945 = tpu.memref_squeeze %dma_wait3A_944 : memref<1x1024xf32, #tpu.memory_space<vmem>> -> memref<1024xf32, #tpu.memory_space<vmem>>
        %dma_wait3A_946 = arith.constant 0 : i32
        %dma_wait3A_947 = tpu.memref_slice %arg2[%dma_wait3A_935, %dma_wait3A_946] : memref<64x1024xf32, #tpu.memory_space<hbm>> -> memref<1x1024xf32, #tpu.memory_space<hbm>>
        %dma_wait3A_948 = tpu.memref_squeeze %dma_wait3A_947 : memref<1x1024xf32, #tpu.memory_space<hbm>> -> memref<1024xf32, #tpu.memory_space<hbm>>
        tpu.wait_dma2 semaphore(%arg8 : memref<!tpu.dma_semaphore, #tpu.memory_space<semaphore_mem>>) src(%dma_wait3A_948 : memref<1024xf32, #tpu.memory_space<hbm>>) dst(%dma_wait3A_945 : memref<1024xf32, #tpu.memory_space<vmem>>)
        %dma_wait3A_949 = arith.constant 0 : i32
        %dma_wait3A_950 = arith.constant 0 : i32
        %dma_wait3A_951 = arith.constant 0 : i32
        %dma_wait3A_952 = tpu.memref_slice %arg6[%dma_wait3A_950, %dma_wait3A_951] : memref<64x1024xf32, #tpu.memory_space<vmem>> -> memref<1x1024xf32, #tpu.memory_space<vmem>>
        %dma_wait3A_953 = tpu.memref_squeeze %dma_wait3A_952 : memref<1x1024xf32, #tpu.memory_space<vmem>> -> memref<1024xf32, #tpu.memory_space<vmem>>
        %dma_wait3A_954 = arith.constant 0 : i32
        %dma_wait3A_955 = tpu.memref_slice %arg2[%dma_wait3A_949, %dma_wait3A_954] : memref<64x1024xf32, #tpu.memory_space<hbm>> -> memref<1x1024xf32, #tpu.memory_space<hbm>>
        %dma_wait3A_956 = tpu.memref_squeeze %dma_wait3A_955 : memref<1x1024xf32, #tpu.memory_space<hbm>> -> memref<1024xf32, #tpu.memory_space<hbm>>
        %dma_wait3A_957 = arith.constant 0 : i32
        %dma_wait3A_958 = tpu.memref_slice %arg6[%dma_wait3A_950, %dma_wait3A_957] : memref<64x1024xf32, #tpu.memory_space<vmem>> -> memref<1x1024xf32, #tpu.memory_space<vmem>>
        %dma_wait3A_959 = tpu.memref_squeeze %dma_wait3A_958 : memref<1x1024xf32, #tpu.memory_space<vmem>> -> memref<1024xf32, #tpu.memory_space<vmem>>
        %dma_wait3A_960 = arith.constant 0 : i32
        %dma_wait3A_961 = tpu.memref_slice %arg2[%dma_wait3A_949, %dma_wait3A_960] : memref<64x1024xf32, #tpu.memory_space<hbm>> -> memref<1x1024xf32, #tpu.memory_space<hbm>>
        %dma_wait3A_962 = tpu.memref_squeeze %dma_wait3A_961 : memref<1x1024xf32, #tpu.memory_space<hbm>> -> memref<1024xf32, #tpu.memory_space<hbm>>
        tpu.wait_dma2 semaphore(%arg8 : memref<!tpu.dma_semaphore, #tpu.memory_space<semaphore_mem>>) src(%dma_wait3A_962 : memref<1024xf32, #tpu.memory_space<hbm>>) dst(%dma_wait3A_959 : memref<1024xf32, #tpu.memory_space<vmem>>)
        %dma_wait3A_963 = arith.constant 0 : i32
        %dma_wait3A_964 = arith.constant 0 : i32
        %dma_wait3A_965 = arith.constant 0 : i32
        %dma_wait3A_966 = tpu.memref_slice %arg6[%dma_wait3A_964, %dma_wait3A_965] : memref<64x1024xf32, #tpu.memory_space<vmem>> -> memref<1x1024xf32, #tpu.memory_space<vmem>>
        %dma_wait3A_967 = tpu.memref_squeeze %dma_wait3A_966 : memref<1x1024xf32, #tpu.memory_space<vmem>> -> memref<1024xf32, #tpu.memory_space<vmem>>
        %dma_wait3A_968 = arith.constant 0 : i32
        %dma_wait3A_969 = tpu.memref_slice %arg2[%dma_wait3A_963, %dma_wait3A_968] : memref<64x1024xf32, #tpu.memory_space<hbm>> -> memref<1x1024xf32, #tpu.memory_space<hbm>>
        %dma_wait3A_970 = tpu.memref_squeeze %dma_wait3A_969 : memref<1x1024xf32, #tpu.memory_space<hbm>> -> memref<1024xf32, #tpu.memory_space<hbm>>
        %dma_wait3A_971 = arith.constant 0 : i32
        %dma_wait3A_972 = tpu.memref_slice %arg6[%dma_wait3A_964, %dma_wait3A_971] : memref<64x1024xf32, #tpu.memory_space<vmem>> -> memref<1x1024xf32, #tpu.memory_space<vmem>>
        %dma_wait3A_973 = tpu.memref_squeeze %dma_wait3A_972 : memref<1x1024xf32, #tpu.memory_space<vmem>> -> memref<1024xf32, #tpu.memory_space<vmem>>
        %dma_wait3A_974 = arith.constant 0 : i32
        %dma_wait3A_975 = tpu.memref_slice %arg2[%dma_wait3A_963, %dma_wait3A_974] : memref<64x1024xf32, #tpu.memory_space<hbm>> -> memref<1x1024xf32, #tpu.memory_space<hbm>>
        %dma_wait3A_976 = tpu.memref_squeeze %dma_wait3A_975 : memref<1x1024xf32, #tpu.memory_space<hbm>> -> memref<1024xf32, #tpu.memory_space<hbm>>
        tpu.wait_dma2 semaphore(%arg8 : memref<!tpu.dma_semaphore, #tpu.memory_space<semaphore_mem>>) src(%dma_wait3A_976 : memref<1024xf32, #tpu.memory_space<hbm>>) dst(%dma_wait3A_973 : memref<1024xf32, #tpu.memory_space<vmem>>)
        %dma_wait3A_977 = arith.constant 0 : i32
        %dma_wait3A_978 = arith.constant 0 : i32
        %dma_wait3A_979 = arith.constant 0 : i32
        %dma_wait3A_980 = tpu.memref_slice %arg6[%dma_wait3A_978, %dma_wait3A_979] : memref<64x1024xf32, #tpu.memory_space<vmem>> -> memref<1x1024xf32, #tpu.memory_space<vmem>>
        %dma_wait3A_981 = tpu.memref_squeeze %dma_wait3A_980 : memref<1x1024xf32, #tpu.memory_space<vmem>> -> memref<1024xf32, #tpu.memory_space<vmem>>
        %dma_wait3A_982 = arith.constant 0 : i32
        %dma_wait3A_983 = tpu.memref_slice %arg2[%dma_wait3A_977, %dma_wait3A_982] : memref<64x1024xf32, #tpu.memory_space<hbm>> -> memref<1x1024xf32, #tpu.memory_space<hbm>>
        %dma_wait3A_984 = tpu.memref_squeeze %dma_wait3A_983 : memref<1x1024xf32, #tpu.memory_space<hbm>> -> memref<1024xf32, #tpu.memory_space<hbm>>
        %dma_wait3A_985 = arith.constant 0 : i32
        %dma_wait3A_986 = tpu.memref_slice %arg6[%dma_wait3A_978, %dma_wait3A_985] : memref<64x1024xf32, #tpu.memory_space<vmem>> -> memref<1x1024xf32, #tpu.memory_space<vmem>>
        %dma_wait3A_987 = tpu.memref_squeeze %dma_wait3A_986 : memref<1x1024xf32, #tpu.memory_space<vmem>> -> memref<1024xf32, #tpu.memory_space<vmem>>
        %dma_wait3A_988 = arith.constant 0 : i32
        %dma_wait3A_989 = tpu.memref_slice %arg2[%dma_wait3A_977, %dma_wait3A_988] : memref<64x1024xf32, #tpu.memory_space<hbm>> -> memref<1x1024xf32, #tpu.memory_space<hbm>>
        %dma_wait3A_990 = tpu.memref_squeeze %dma_wait3A_989 : memref<1x1024xf32, #tpu.memory_space<hbm>> -> memref<1024xf32, #tpu.memory_space<hbm>>
        tpu.wait_dma2 semaphore(%arg8 : memref<!tpu.dma_semaphore, #tpu.memory_space<semaphore_mem>>) src(%dma_wait3A_990 : memref<1024xf32, #tpu.memory_space<hbm>>) dst(%dma_wait3A_987 : memref<1024xf32, #tpu.memory_space<vmem>>)
        %dma_wait3A_991 = arith.constant 0 : i32
        %dma_wait3A_992 = arith.constant 0 : i32
        %dma_wait3A_993 = arith.constant 0 : i32
        %dma_wait3A_994 = tpu.memref_slice %arg6[%dma_wait3A_992, %dma_wait3A_993] : memref<64x1024xf32, #tpu.memory_space<vmem>> -> memref<1x1024xf32, #tpu.memory_space<vmem>>
        %dma_wait3A_995 = tpu.memref_squeeze %dma_wait3A_994 : memref<1x1024xf32, #tpu.memory_space<vmem>> -> memref<1024xf32, #tpu.memory_space<vmem>>
        %dma_wait3A_996 = arith.constant 0 : i32
        %dma_wait3A_997 = tpu.memref_slice %arg2[%dma_wait3A_991, %dma_wait3A_996] : memref<64x1024xf32, #tpu.memory_space<hbm>> -> memref<1x1024xf32, #tpu.memory_space<hbm>>
        %dma_wait3A_998 = tpu.memref_squeeze %dma_wait3A_997 : memref<1x1024xf32, #tpu.memory_space<hbm>> -> memref<1024xf32, #tpu.memory_space<hbm>>
        %dma_wait3A_999 = arith.constant 0 : i32
        %dma_wait3A_1000 = tpu.memref_slice %arg6[%dma_wait3A_992, %dma_wait3A_999] : memref<64x1024xf32, #tpu.memory_space<vmem>> -> memref<1x1024xf32, #tpu.memory_space<vmem>>
        %dma_wait3A_1001 = tpu.memref_squeeze %dma_wait3A_1000 : memref<1x1024xf32, #tpu.memory_space<vmem>> -> memref<1024xf32, #tpu.memory_space<vmem>>
        %dma_wait3A_1002 = arith.constant 0 : i32
        %dma_wait3A_1003 = tpu.memref_slice %arg2[%dma_wait3A_991, %dma_wait3A_1002] : memref<64x1024xf32, #tpu.memory_space<hbm>> -> memref<1x1024xf32, #tpu.memory_space<hbm>>
        %dma_wait3A_1004 = tpu.memref_squeeze %dma_wait3A_1003 : memref<1x1024xf32, #tpu.memory_space<hbm>> -> memref<1024xf32, #tpu.memory_space<hbm>>
        tpu.wait_dma2 semaphore(%arg8 : memref<!tpu.dma_semaphore, #tpu.memory_space<semaphore_mem>>) src(%dma_wait3A_1004 : memref<1024xf32, #tpu.memory_space<hbm>>) dst(%dma_wait3A_1001 : memref<1024xf32, #tpu.memory_space<vmem>>)
        %dma_wait3A_1005 = arith.constant 0 : i32
        %dma_wait3A_1006 = arith.constant 0 : i32
        %dma_wait3A_1007 = arith.constant 0 : i32
        %dma_wait3A_1008 = tpu.memref_slice %arg6[%dma_wait3A_1006, %dma_wait3A_1007] : memref<64x1024xf32, #tpu.memory_space<vmem>> -> memref<1x1024xf32, #tpu.memory_space<vmem>>
        %dma_wait3A_1009 = tpu.memref_squeeze %dma_wait3A_1008 : memref<1x1024xf32, #tpu.memory_space<vmem>> -> memref<1024xf32, #tpu.memory_space<vmem>>
        %dma_wait3A_1010 = arith.constant 0 : i32
        %dma_wait3A_1011 = tpu.memref_slice %arg2[%dma_wait3A_1005, %dma_wait3A_1010] : memref<64x1024xf32, #tpu.memory_space<hbm>> -> memref<1x1024xf32, #tpu.memory_space<hbm>>
        %dma_wait3A_1012 = tpu.memref_squeeze %dma_wait3A_1011 : memref<1x1024xf32, #tpu.memory_space<hbm>> -> memref<1024xf32, #tpu.memory_space<hbm>>
        %dma_wait3A_1013 = arith.constant 0 : i32
        %dma_wait3A_1014 = tpu.memref_slice %arg6[%dma_wait3A_1006, %dma_wait3A_1013] : memref<64x1024xf32, #tpu.memory_space<vmem>> -> memref<1x1024xf32, #tpu.memory_space<vmem>>
        %dma_wait3A_1015 = tpu.memref_squeeze %dma_wait3A_1014 : memref<1x1024xf32, #tpu.memory_space<vmem>> -> memref<1024xf32, #tpu.memory_space<vmem>>
        %dma_wait3A_1016 = arith.constant 0 : i32
        %dma_wait3A_1017 = tpu.memref_slice %arg2[%dma_wait3A_1005, %dma_wait3A_1016] : memref<64x1024xf32, #tpu.memory_space<hbm>> -> memref<1x1024xf32, #tpu.memory_space<hbm>>
        %dma_wait3A_1018 = tpu.memref_squeeze %dma_wait3A_1017 : memref<1x1024xf32, #tpu.memory_space<hbm>> -> memref<1024xf32, #tpu.memory_space<hbm>>
        tpu.wait_dma2 semaphore(%arg8 : memref<!tpu.dma_semaphore, #tpu.memory_space<semaphore_mem>>) src(%dma_wait3A_1018 : memref<1024xf32, #tpu.memory_space<hbm>>) dst(%dma_wait3A_1015 : memref<1024xf32, #tpu.memory_space<vmem>>)
        %dma_wait3A_1019 = arith.constant 0 : i32
        %dma_wait3A_1020 = arith.constant 0 : i32
        %dma_wait3A_1021 = arith.constant 0 : i32
        %dma_wait3A_1022 = tpu.memref_slice %arg6[%dma_wait3A_1020, %dma_wait3A_1021] : memref<64x1024xf32, #tpu.memory_space<vmem>> -> memref<1x1024xf32, #tpu.memory_space<vmem>>
        %dma_wait3A_1023 = tpu.memref_squeeze %dma_wait3A_1022 : memref<1x1024xf32, #tpu.memory_space<vmem>> -> memref<1024xf32, #tpu.memory_space<vmem>>
        %dma_wait3A_1024 = arith.constant 0 : i32
        %dma_wait3A_1025 = tpu.memref_slice %arg2[%dma_wait3A_1019, %dma_wait3A_1024] : memref<64x1024xf32, #tpu.memory_space<hbm>> -> memref<1x1024xf32, #tpu.memory_space<hbm>>
        %dma_wait3A_1026 = tpu.memref_squeeze %dma_wait3A_1025 : memref<1x1024xf32, #tpu.memory_space<hbm>> -> memref<1024xf32, #tpu.memory_space<hbm>>
        %dma_wait3A_1027 = arith.constant 0 : i32
        %dma_wait3A_1028 = tpu.memref_slice %arg6[%dma_wait3A_1020, %dma_wait3A_1027] : memref<64x1024xf32, #tpu.memory_space<vmem>> -> memref<1x1024xf32, #tpu.memory_space<vmem>>
        %dma_wait3A_1029 = tpu.memref_squeeze %dma_wait3A_1028 : memref<1x1024xf32, #tpu.memory_space<vmem>> -> memref<1024xf32, #tpu.memory_space<vmem>>
        %dma_wait3A_1030 = arith.constant 0 : i32
        %dma_wait3A_1031 = tpu.memref_slice %arg2[%dma_wait3A_1019, %dma_wait3A_1030] : memref<64x1024xf32, #tpu.memory_space<hbm>> -> memref<1x1024xf32, #tpu.memory_space<hbm>>
        %dma_wait3A_1032 = tpu.memref_squeeze %dma_wait3A_1031 : memref<1x1024xf32, #tpu.memory_space<hbm>> -> memref<1024xf32, #tpu.memory_space<hbm>>
        tpu.wait_dma2 semaphore(%arg8 : memref<!tpu.dma_semaphore, #tpu.memory_space<semaphore_mem>>) src(%dma_wait3A_1032 : memref<1024xf32, #tpu.memory_space<hbm>>) dst(%dma_wait3A_1029 : memref<1024xf32, #tpu.memory_space<vmem>>)
      } else {
      }
    }
    %scan3A_49 = arith.constant 16 : i32
    %dma_wait3A_50 = arith.constant 0 : i32
    %dma_wait3A_51 = arith.constant 0 : i32
    %dma_wait3A_52 = arith.constant 0 : i32
    %dma_wait3A_53 = tpu.memref_slice %arg6[%dma_wait3A_51, %dma_wait3A_52] : memref<64x1024xf32, #tpu.memory_space<vmem>> -> memref<1x1024xf32, #tpu.memory_space<vmem>>
    %dma_wait3A_54 = tpu.memref_squeeze %dma_wait3A_53 : memref<1x1024xf32, #tpu.memory_space<vmem>> -> memref<1024xf32, #tpu.memory_space<vmem>>
    %dma_wait3A_55 = arith.constant 0 : i32
    %dma_wait3A_56 = tpu.memref_slice %arg2[%dma_wait3A_50, %dma_wait3A_55] : memref<64x1024xf32, #tpu.memory_space<hbm>> -> memref<1x1024xf32, #tpu.memory_space<hbm>>
    %dma_wait3A_57 = tpu.memref_squeeze %dma_wait3A_56 : memref<1x1024xf32, #tpu.memory_space<hbm>> -> memref<1024xf32, #tpu.memory_space<hbm>>
    %dma_wait3A_58 = arith.constant 0 : i32
    %dma_wait3A_59 = tpu.memref_slice %arg6[%dma_wait3A_51, %dma_wait3A_58] : memref<64x1024xf32, #tpu.memory_space<vmem>> -> memref<1x1024xf32, #tpu.memory_space<vmem>>
    %dma_wait3A_60 = tpu.memref_squeeze %dma_wait3A_59 : memref<1x1024xf32, #tpu.memory_space<vmem>> -> memref<1024xf32, #tpu.memory_space<vmem>>
    %dma_wait3A_61 = arith.constant 0 : i32
    %dma_wait3A_62 = tpu.memref_slice %arg2[%dma_wait3A_50, %dma_wait3A_61] : memref<64x1024xf32, #tpu.memory_space<hbm>> -> memref<1x1024xf32, #tpu.memory_space<hbm>>
    %dma_wait3A_63 = tpu.memref_squeeze %dma_wait3A_62 : memref<1x1024xf32, #tpu.memory_space<hbm>> -> memref<1024xf32, #tpu.memory_space<hbm>>
    tpu.wait_dma2 semaphore(%arg8 : memref<!tpu.dma_semaphore, #tpu.memory_space<semaphore_mem>>) src(%dma_wait3A_63 : memref<1024xf32, #tpu.memory_space<hbm>>) dst(%dma_wait3A_60 : memref<1024xf32, #tpu.memory_space<vmem>>)
    %dma_wait3A_64 = arith.constant 0 : i32
    %dma_wait3A_65 = arith.constant 0 : i32
    %dma_wait3A_66 = arith.constant 0 : i32
    %dma_wait3A_67 = tpu.memref_slice %arg6[%dma_wait3A_65, %dma_wait3A_66] : memref<64x1024xf32, #tpu.memory_space<vmem>> -> memref<1x1024xf32, #tpu.memory_space<vmem>>
    %dma_wait3A_68 = tpu.memref_squeeze %dma_wait3A_67 : memref<1x1024xf32, #tpu.memory_space<vmem>> -> memref<1024xf32, #tpu.memory_space<vmem>>
    %dma_wait3A_69 = arith.constant 0 : i32
    %dma_wait3A_70 = tpu.memref_slice %arg2[%dma_wait3A_64, %dma_wait3A_69] : memref<64x1024xf32, #tpu.memory_space<hbm>> -> memref<1x1024xf32, #tpu.memory_space<hbm>>
    %dma_wait3A_71 = tpu.memref_squeeze %dma_wait3A_70 : memref<1x1024xf32, #tpu.memory_space<hbm>> -> memref<1024xf32, #tpu.memory_space<hbm>>
    %dma_wait3A_72 = arith.constant 0 : i32
    %dma_wait3A_73 = tpu.memref_slice %arg6[%dma_wait3A_65, %dma_wait3A_72] : memref<64x1024xf32, #tpu.memory_space<vmem>> -> memref<1x1024xf32, #tpu.memory_space<vmem>>
    %dma_wait3A_74 = tpu.memref_squeeze %dma_wait3A_73 : memref<1x1024xf32, #tpu.memory_space<vmem>> -> memref<1024xf32, #tpu.memory_space<vmem>>
    %dma_wait3A_75 = arith.constant 0 : i32
    %dma_wait3A_76 = tpu.memref_slice %arg2[%dma_wait3A_64, %dma_wait3A_75] : memref<64x1024xf32, #tpu.memory_space<hbm>> -> memref<1x1024xf32, #tpu.memory_space<hbm>>
    %dma_wait3A_77 = tpu.memref_squeeze %dma_wait3A_76 : memref<1x1024xf32, #tpu.memory_space<hbm>> -> memref<1024xf32, #tpu.memory_space<hbm>>
    tpu.wait_dma2 semaphore(%arg8 : memref<!tpu.dma_semaphore, #tpu.memory_space<semaphore_mem>>) src(%dma_wait3A_77 : memref<1024xf32, #tpu.memory_space<hbm>>) dst(%dma_wait3A_74 : memref<1024xf32, #tpu.memory_space<vmem>>)
    %dma_wait3A_78 = arith.constant 0 : i32
    %dma_wait3A_79 = arith.constant 0 : i32
    %dma_wait3A_80 = arith.constant 0 : i32
    %dma_wait3A_81 = tpu.memref_slice %arg6[%dma_wait3A_79, %dma_wait3A_80] : memref<64x1024xf32, #tpu.memory_space<vmem>> -> memref<1x1024xf32, #tpu.memory_space<vmem>>
    %dma_wait3A_82 = tpu.memref_squeeze %dma_wait3A_81 : memref<1x1024xf32, #tpu.memory_space<vmem>> -> memref<1024xf32, #tpu.memory_space<vmem>>
    %dma_wait3A_83 = arith.constant 0 : i32
    %dma_wait3A_84 = tpu.memref_slice %arg2[%dma_wait3A_78, %dma_wait3A_83] : memref<64x1024xf32, #tpu.memory_space<hbm>> -> memref<1x1024xf32, #tpu.memory_space<hbm>>
    %dma_wait3A_85 = tpu.memref_squeeze %dma_wait3A_84 : memref<1x1024xf32, #tpu.memory_space<hbm>> -> memref<1024xf32, #tpu.memory_space<hbm>>
    %dma_wait3A_86 = arith.constant 0 : i32
    %dma_wait3A_87 = tpu.memref_slice %arg6[%dma_wait3A_79, %dma_wait3A_86] : memref<64x1024xf32, #tpu.memory_space<vmem>> -> memref<1x1024xf32, #tpu.memory_space<vmem>>
    %dma_wait3A_88 = tpu.memref_squeeze %dma_wait3A_87 : memref<1x1024xf32, #tpu.memory_space<vmem>> -> memref<1024xf32, #tpu.memory_space<vmem>>
    %dma_wait3A_89 = arith.constant 0 : i32
    %dma_wait3A_90 = tpu.memref_slice %arg2[%dma_wait3A_78, %dma_wait3A_89] : memref<64x1024xf32, #tpu.memory_space<hbm>> -> memref<1x1024xf32, #tpu.memory_space<hbm>>
    %dma_wait3A_91 = tpu.memref_squeeze %dma_wait3A_90 : memref<1x1024xf32, #tpu.memory_space<hbm>> -> memref<1024xf32, #tpu.memory_space<hbm>>
    tpu.wait_dma2 semaphore(%arg8 : memref<!tpu.dma_semaphore, #tpu.memory_space<semaphore_mem>>) src(%dma_wait3A_91 : memref<1024xf32, #tpu.memory_space<hbm>>) dst(%dma_wait3A_88 : memref<1024xf32, #tpu.memory_space<vmem>>)
    %dma_wait3A_92 = arith.constant 0 : i32
    %dma_wait3A_93 = arith.constant 0 : i32
    %dma_wait3A_94 = arith.constant 0 : i32
    %dma_wait3A_95 = tpu.memref_slice %arg6[%dma_wait3A_93, %dma_wait3A_94] : memref<64x1024xf32, #tpu.memory_space<vmem>> -> memref<1x1024xf32, #tpu.memory_space<vmem>>
    %dma_wait3A_96 = tpu.memref_squeeze %dma_wait3A_95 : memref<1x1024xf32, #tpu.memory_space<vmem>> -> memref<1024xf32, #tpu.memory_space<vmem>>
    %dma_wait3A_97 = arith.constant 0 : i32
    %dma_wait3A_98 = tpu.memref_slice %arg2[%dma_wait3A_92, %dma_wait3A_97] : memref<64x1024xf32, #tpu.memory_space<hbm>> -> memref<1x1024xf32, #tpu.memory_space<hbm>>
    %dma_wait3A_99 = tpu.memref_squeeze %dma_wait3A_98 : memref<1x1024xf32, #tpu.memory_space<hbm>> -> memref<1024xf32, #tpu.memory_space<hbm>>
    %dma_wait3A_100 = arith.constant 0 : i32
    %dma_wait3A_101 = tpu.memref_slice %arg6[%dma_wait3A_93, %dma_wait3A_100] : memref<64x1024xf32, #tpu.memory_space<vmem>> -> memref<1x1024xf32, #tpu.memory_space<vmem>>
    %dma_wait3A_102 = tpu.memref_squeeze %dma_wait3A_101 : memref<1x1024xf32, #tpu.memory_space<vmem>> -> memref<1024xf32, #tpu.memory_space<vmem>>
    %dma_wait3A_103 = arith.constant 0 : i32
    %dma_wait3A_104 = tpu.memref_slice %arg2[%dma_wait3A_92, %dma_wait3A_103] : memref<64x1024xf32, #tpu.memory_space<hbm>> -> memref<1x1024xf32, #tpu.memory_space<hbm>>
    %dma_wait3A_105 = tpu.memref_squeeze %dma_wait3A_104 : memref<1x1024xf32, #tpu.memory_space<hbm>> -> memref<1024xf32, #tpu.memory_space<hbm>>
    tpu.wait_dma2 semaphore(%arg8 : memref<!tpu.dma_semaphore, #tpu.memory_space<semaphore_mem>>) src(%dma_wait3A_105 : memref<1024xf32, #tpu.memory_space<hbm>>) dst(%dma_wait3A_102 : memref<1024xf32, #tpu.memory_space<vmem>>)
    %dma_wait3A_106 = arith.constant 0 : i32
    %dma_wait3A_107 = arith.constant 0 : i32
    %dma_wait3A_108 = arith.constant 0 : i32
    %dma_wait3A_109 = tpu.memref_slice %arg6[%dma_wait3A_107, %dma_wait3A_108] : memref<64x1024xf32, #tpu.memory_space<vmem>> -> memref<1x1024xf32, #tpu.memory_space<vmem>>
    %dma_wait3A_110 = tpu.memref_squeeze %dma_wait3A_109 : memref<1x1024xf32, #tpu.memory_space<vmem>> -> memref<1024xf32, #tpu.memory_space<vmem>>
    %dma_wait3A_111 = arith.constant 0 : i32
    %dma_wait3A_112 = tpu.memref_slice %arg2[%dma_wait3A_106, %dma_wait3A_111] : memref<64x1024xf32, #tpu.memory_space<hbm>> -> memref<1x1024xf32, #tpu.memory_space<hbm>>
    %dma_wait3A_113 = tpu.memref_squeeze %dma_wait3A_112 : memref<1x1024xf32, #tpu.memory_space<hbm>> -> memref<1024xf32, #tpu.memory_space<hbm>>
    %dma_wait3A_114 = arith.constant 0 : i32
    %dma_wait3A_115 = tpu.memref_slice %arg6[%dma_wait3A_107, %dma_wait3A_114] : memref<64x1024xf32, #tpu.memory_space<vmem>> -> memref<1x1024xf32, #tpu.memory_space<vmem>>
    %dma_wait3A_116 = tpu.memref_squeeze %dma_wait3A_115 : memref<1x1024xf32, #tpu.memory_space<vmem>> -> memref<1024xf32, #tpu.memory_space<vmem>>
    %dma_wait3A_117 = arith.constant 0 : i32
    %dma_wait3A_118 = tpu.memref_slice %arg2[%dma_wait3A_106, %dma_wait3A_117] : memref<64x1024xf32, #tpu.memory_space<hbm>> -> memref<1x1024xf32, #tpu.memory_space<hbm>>
    %dma_wait3A_119 = tpu.memref_squeeze %dma_wait3A_118 : memref<1x1024xf32, #tpu.memory_space<hbm>> -> memref<1024xf32, #tpu.memory_space<hbm>>
    tpu.wait_dma2 semaphore(%arg8 : memref<!tpu.dma_semaphore, #tpu.memory_space<semaphore_mem>>) src(%dma_wait3A_119 : memref<1024xf32, #tpu.memory_space<hbm>>) dst(%dma_wait3A_116 : memref<1024xf32, #tpu.memory_space<vmem>>)
    %dma_wait3A_120 = arith.constant 0 : i32
    %dma_wait3A_121 = arith.constant 0 : i32
    %dma_wait3A_122 = arith.constant 0 : i32
    %dma_wait3A_123 = tpu.memref_slice %arg6[%dma_wait3A_121, %dma_wait3A_122] : memref<64x1024xf32, #tpu.memory_space<vmem>> -> memref<1x1024xf32, #tpu.memory_space<vmem>>
    %dma_wait3A_124 = tpu.memref_squeeze %dma_wait3A_123 : memref<1x1024xf32, #tpu.memory_space<vmem>> -> memref<1024xf32, #tpu.memory_space<vmem>>
    %dma_wait3A_125 = arith.constant 0 : i32
    %dma_wait3A_126 = tpu.memref_slice %arg2[%dma_wait3A_120, %dma_wait3A_125] : memref<64x1024xf32, #tpu.memory_space<hbm>> -> memref<1x1024xf32, #tpu.memory_space<hbm>>
    %dma_wait3A_127 = tpu.memref_squeeze %dma_wait3A_126 : memref<1x1024xf32, #tpu.memory_space<hbm>> -> memref<1024xf32, #tpu.memory_space<hbm>>
    %dma_wait3A_128 = arith.constant 0 : i32
    %dma_wait3A_129 = tpu.memref_slice %arg6[%dma_wait3A_121, %dma_wait3A_128] : memref<64x1024xf32, #tpu.memory_space<vmem>> -> memref<1x1024xf32, #tpu.memory_space<vmem>>
    %dma_wait3A_130 = tpu.memref_squeeze %dma_wait3A_129 : memref<1x1024xf32, #tpu.memory_space<vmem>> -> memref<1024xf32, #tpu.memory_space<vmem>>
    %dma_wait3A_131 = arith.constant 0 : i32
    %dma_wait3A_132 = tpu.memref_slice %arg2[%dma_wait3A_120, %dma_wait3A_131] : memref<64x1024xf32, #tpu.memory_space<hbm>> -> memref<1x1024xf32, #tpu.memory_space<hbm>>
    %dma_wait3A_133 = tpu.memref_squeeze %dma_wait3A_132 : memref<1x1024xf32, #tpu.memory_space<hbm>> -> memref<1024xf32, #tpu.memory_space<hbm>>
    tpu.wait_dma2 semaphore(%arg8 : memref<!tpu.dma_semaphore, #tpu.memory_space<semaphore_mem>>) src(%dma_wait3A_133 : memref<1024xf32, #tpu.memory_space<hbm>>) dst(%dma_wait3A_130 : memref<1024xf32, #tpu.memory_space<vmem>>)
    %dma_wait3A_134 = arith.constant 0 : i32
    %dma_wait3A_135 = arith.constant 0 : i32
    %dma_wait3A_136 = arith.constant 0 : i32
    %dma_wait3A_137 = tpu.memref_slice %arg6[%dma_wait3A_135, %dma_wait3A_136] : memref<64x1024xf32, #tpu.memory_space<vmem>> -> memref<1x1024xf32, #tpu.memory_space<vmem>>
    %dma_wait3A_138 = tpu.memref_squeeze %dma_wait3A_137 : memref<1x1024xf32, #tpu.memory_space<vmem>> -> memref<1024xf32, #tpu.memory_space<vmem>>
    %dma_wait3A_139 = arith.constant 0 : i32
    %dma_wait3A_140 = tpu.memref_slice %arg2[%dma_wait3A_134, %dma_wait3A_139] : memref<64x1024xf32, #tpu.memory_space<hbm>> -> memref<1x1024xf32, #tpu.memory_space<hbm>>
    %dma_wait3A_141 = tpu.memref_squeeze %dma_wait3A_140 : memref<1x1024xf32, #tpu.memory_space<hbm>> -> memref<1024xf32, #tpu.memory_space<hbm>>
    %dma_wait3A_142 = arith.constant 0 : i32
    %dma_wait3A_143 = tpu.memref_slice %arg6[%dma_wait3A_135, %dma_wait3A_142] : memref<64x1024xf32, #tpu.memory_space<vmem>> -> memref<1x1024xf32, #tpu.memory_space<vmem>>
    %dma_wait3A_144 = tpu.memref_squeeze %dma_wait3A_143 : memref<1x1024xf32, #tpu.memory_space<vmem>> -> memref<1024xf32, #tpu.memory_space<vmem>>
    %dma_wait3A_145 = arith.constant 0 : i32
    %dma_wait3A_146 = tpu.memref_slice %arg2[%dma_wait3A_134, %dma_wait3A_145] : memref<64x1024xf32, #tpu.memory_space<hbm>> -> memref<1x1024xf32, #tpu.memory_space<hbm>>
    %dma_wait3A_147 = tpu.memref_squeeze %dma_wait3A_146 : memref<1x1024xf32, #tpu.memory_space<hbm>> -> memref<1024xf32, #tpu.memory_space<hbm>>
    tpu.wait_dma2 semaphore(%arg8 : memref<!tpu.dma_semaphore, #tpu.memory_space<semaphore_mem>>) src(%dma_wait3A_147 : memref<1024xf32, #tpu.memory_space<hbm>>) dst(%dma_wait3A_144 : memref<1024xf32, #tpu.memory_space<vmem>>)
    %dma_wait3A_148 = arith.constant 0 : i32
    %dma_wait3A_149 = arith.constant 0 : i32
    %dma_wait3A_150 = arith.constant 0 : i32
    %dma_wait3A_151 = tpu.memref_slice %arg6[%dma_wait3A_149, %dma_wait3A_150] : memref<64x1024xf32, #tpu.memory_space<vmem>> -> memref<1x1024xf32, #tpu.memory_space<vmem>>
    %dma_wait3A_152 = tpu.memref_squeeze %dma_wait3A_151 : memref<1x1024xf32, #tpu.memory_space<vmem>> -> memref<1024xf32, #tpu.memory_space<vmem>>
    %dma_wait3A_153 = arith.constant 0 : i32
    %dma_wait3A_154 = tpu.memref_slice %arg2[%dma_wait3A_148, %dma_wait3A_153] : memref<64x1024xf32, #tpu.memory_space<hbm>> -> memref<1x1024xf32, #tpu.memory_space<hbm>>
    %dma_wait3A_155 = tpu.memref_squeeze %dma_wait3A_154 : memref<1x1024xf32, #tpu.memory_space<hbm>> -> memref<1024xf32, #tpu.memory_space<hbm>>
    %dma_wait3A_156 = arith.constant 0 : i32
    %dma_wait3A_157 = tpu.memref_slice %arg6[%dma_wait3A_149, %dma_wait3A_156] : memref<64x1024xf32, #tpu.memory_space<vmem>> -> memref<1x1024xf32, #tpu.memory_space<vmem>>
    %dma_wait3A_158 = tpu.memref_squeeze %dma_wait3A_157 : memref<1x1024xf32, #tpu.memory_space<vmem>> -> memref<1024xf32, #tpu.memory_space<vmem>>
    %dma_wait3A_159 = arith.constant 0 : i32
    %dma_wait3A_160 = tpu.memref_slice %arg2[%dma_wait3A_148, %dma_wait3A_159] : memref<64x1024xf32, #tpu.memory_space<hbm>> -> memref<1x1024xf32, #tpu.memory_space<hbm>>
    %dma_wait3A_161 = tpu.memref_squeeze %dma_wait3A_160 : memref<1x1024xf32, #tpu.memory_space<hbm>> -> memref<1024xf32, #tpu.memory_space<hbm>>
    tpu.wait_dma2 semaphore(%arg8 : memref<!tpu.dma_semaphore, #tpu.memory_space<semaphore_mem>>) src(%dma_wait3A_161 : memref<1024xf32, #tpu.memory_space<hbm>>) dst(%dma_wait3A_158 : memref<1024xf32, #tpu.memory_space<vmem>>)
    %dma_wait3A_162 = arith.constant 0 : i32
    %dma_wait3A_163 = arith.constant 0 : i32
    %dma_wait3A_164 = arith.constant 0 : i32
    %dma_wait3A_165 = tpu.memref_slice %arg6[%dma_wait3A_163, %dma_wait3A_164] : memref<64x1024xf32, #tpu.memory_space<vmem>> -> memref<1x1024xf32, #tpu.memory_space<vmem>>
    %dma_wait3A_166 = tpu.memref_squeeze %dma_wait3A_165 : memref<1x1024xf32, #tpu.memory_space<vmem>> -> memref<1024xf32, #tpu.memory_space<vmem>>
    %dma_wait3A_167 = arith.constant 0 : i32
    %dma_wait3A_168 = tpu.memref_slice %arg2[%dma_wait3A_162, %dma_wait3A_167] : memref<64x1024xf32, #tpu.memory_space<hbm>> -> memref<1x1024xf32, #tpu.memory_space<hbm>>
    %dma_wait3A_169 = tpu.memref_squeeze %dma_wait3A_168 : memref<1x1024xf32, #tpu.memory_space<hbm>> -> memref<1024xf32, #tpu.memory_space<hbm>>
    %dma_wait3A_170 = arith.constant 0 : i32
    %dma_wait3A_171 = tpu.memref_slice %arg6[%dma_wait3A_163, %dma_wait3A_170] : memref<64x1024xf32, #tpu.memory_space<vmem>> -> memref<1x1024xf32, #tpu.memory_space<vmem>>
    %dma_wait3A_172 = tpu.memref_squeeze %dma_wait3A_171 : memref<1x1024xf32, #tpu.memory_space<vmem>> -> memref<1024xf32, #tpu.memory_space<vmem>>
    %dma_wait3A_173 = arith.constant 0 : i32
    %dma_wait3A_174 = tpu.memref_slice %arg2[%dma_wait3A_162, %dma_wait3A_173] : memref<64x1024xf32, #tpu.memory_space<hbm>> -> memref<1x1024xf32, #tpu.memory_space<hbm>>
    %dma_wait3A_175 = tpu.memref_squeeze %dma_wait3A_174 : memref<1x1024xf32, #tpu.memory_space<hbm>> -> memref<1024xf32, #tpu.memory_space<hbm>>
    tpu.wait_dma2 semaphore(%arg8 : memref<!tpu.dma_semaphore, #tpu.memory_space<semaphore_mem>>) src(%dma_wait3A_175 : memref<1024xf32, #tpu.memory_space<hbm>>) dst(%dma_wait3A_172 : memref<1024xf32, #tpu.memory_space<vmem>>)
    %dma_wait3A_176 = arith.constant 0 : i32
    %dma_wait3A_177 = arith.constant 0 : i32
    %dma_wait3A_178 = arith.constant 0 : i32
    %dma_wait3A_179 = tpu.memref_slice %arg6[%dma_wait3A_177, %dma_wait3A_178] : memref<64x1024xf32, #tpu.memory_space<vmem>> -> memref<1x1024xf32, #tpu.memory_space<vmem>>
    %dma_wait3A_180 = tpu.memref_squeeze %dma_wait3A_179 : memref<1x1024xf32, #tpu.memory_space<vmem>> -> memref<1024xf32, #tpu.memory_space<vmem>>
    %dma_wait3A_181 = arith.constant 0 : i32
    %dma_wait3A_182 = tpu.memref_slice %arg2[%dma_wait3A_176, %dma_wait3A_181] : memref<64x1024xf32, #tpu.memory_space<hbm>> -> memref<1x1024xf32, #tpu.memory_space<hbm>>
    %dma_wait3A_183 = tpu.memref_squeeze %dma_wait3A_182 : memref<1x1024xf32, #tpu.memory_space<hbm>> -> memref<1024xf32, #tpu.memory_space<hbm>>
    %dma_wait3A_184 = arith.constant 0 : i32
    %dma_wait3A_185 = tpu.memref_slice %arg6[%dma_wait3A_177, %dma_wait3A_184] : memref<64x1024xf32, #tpu.memory_space<vmem>> -> memref<1x1024xf32, #tpu.memory_space<vmem>>
    %dma_wait3A_186 = tpu.memref_squeeze %dma_wait3A_185 : memref<1x1024xf32, #tpu.memory_space<vmem>> -> memref<1024xf32, #tpu.memory_space<vmem>>
    %dma_wait3A_187 = arith.constant 0 : i32
    %dma_wait3A_188 = tpu.memref_slice %arg2[%dma_wait3A_176, %dma_wait3A_187] : memref<64x1024xf32, #tpu.memory_space<hbm>> -> memref<1x1024xf32, #tpu.memory_space<hbm>>
    %dma_wait3A_189 = tpu.memref_squeeze %dma_wait3A_188 : memref<1x1024xf32, #tpu.memory_space<hbm>> -> memref<1024xf32, #tpu.memory_space<hbm>>
    tpu.wait_dma2 semaphore(%arg8 : memref<!tpu.dma_semaphore, #tpu.memory_space<semaphore_mem>>) src(%dma_wait3A_189 : memref<1024xf32, #tpu.memory_space<hbm>>) dst(%dma_wait3A_186 : memref<1024xf32, #tpu.memory_space<vmem>>)
    %dma_wait3A_190 = arith.constant 0 : i32
    %dma_wait3A_191 = arith.constant 0 : i32
    %dma_wait3A_192 = arith.constant 0 : i32
    %dma_wait3A_193 = tpu.memref_slice %arg6[%dma_wait3A_191, %dma_wait3A_192] : memref<64x1024xf32, #tpu.memory_space<vmem>> -> memref<1x1024xf32, #tpu.memory_space<vmem>>
    %dma_wait3A_194 = tpu.memref_squeeze %dma_wait3A_193 : memref<1x1024xf32, #tpu.memory_space<vmem>> -> memref<1024xf32, #tpu.memory_space<vmem>>
    %dma_wait3A_195 = arith.constant 0 : i32
    %dma_wait3A_196 = tpu.memref_slice %arg2[%dma_wait3A_190, %dma_wait3A_195] : memref<64x1024xf32, #tpu.memory_space<hbm>> -> memref<1x1024xf32, #tpu.memory_space<hbm>>
    %dma_wait3A_197 = tpu.memref_squeeze %dma_wait3A_196 : memref<1x1024xf32, #tpu.memory_space<hbm>> -> memref<1024xf32, #tpu.memory_space<hbm>>
    %dma_wait3A_198 = arith.constant 0 : i32
    %dma_wait3A_199 = tpu.memref_slice %arg6[%dma_wait3A_191, %dma_wait3A_198] : memref<64x1024xf32, #tpu.memory_space<vmem>> -> memref<1x1024xf32, #tpu.memory_space<vmem>>
    %dma_wait3A_200 = tpu.memref_squeeze %dma_wait3A_199 : memref<1x1024xf32, #tpu.memory_space<vmem>> -> memref<1024xf32, #tpu.memory_space<vmem>>
    %dma_wait3A_201 = arith.constant 0 : i32
    %dma_wait3A_202 = tpu.memref_slice %arg2[%dma_wait3A_190, %dma_wait3A_201] : memref<64x1024xf32, #tpu.memory_space<hbm>> -> memref<1x1024xf32, #tpu.memory_space<hbm>>
    %dma_wait3A_203 = tpu.memref_squeeze %dma_wait3A_202 : memref<1x1024xf32, #tpu.memory_space<hbm>> -> memref<1024xf32, #tpu.memory_space<hbm>>
    tpu.wait_dma2 semaphore(%arg8 : memref<!tpu.dma_semaphore, #tpu.memory_space<semaphore_mem>>) src(%dma_wait3A_203 : memref<1024xf32, #tpu.memory_space<hbm>>) dst(%dma_wait3A_200 : memref<1024xf32, #tpu.memory_space<vmem>>)
    %dma_wait3A_204 = arith.constant 0 : i32
    %dma_wait3A_205 = arith.constant 0 : i32
    %dma_wait3A_206 = arith.constant 0 : i32
    %dma_wait3A_207 = tpu.memref_slice %arg6[%dma_wait3A_205, %dma_wait3A_206] : memref<64x1024xf32, #tpu.memory_space<vmem>> -> memref<1x1024xf32, #tpu.memory_space<vmem>>
    %dma_wait3A_208 = tpu.memref_squeeze %dma_wait3A_207 : memref<1x1024xf32, #tpu.memory_space<vmem>> -> memref<1024xf32, #tpu.memory_space<vmem>>
    %dma_wait3A_209 = arith.constant 0 : i32
    %dma_wait3A_210 = tpu.memref_slice %arg2[%dma_wait3A_204, %dma_wait3A_209] : memref<64x1024xf32, #tpu.memory_space<hbm>> -> memref<1x1024xf32, #tpu.memory_space<hbm>>
    %dma_wait3A_211 = tpu.memref_squeeze %dma_wait3A_210 : memref<1x1024xf32, #tpu.memory_space<hbm>> -> memref<1024xf32, #tpu.memory_space<hbm>>
    %dma_wait3A_212 = arith.constant 0 : i32
    %dma_wait3A_213 = tpu.memref_slice %arg6[%dma_wait3A_205, %dma_wait3A_212] : memref<64x1024xf32, #tpu.memory_space<vmem>> -> memref<1x1024xf32, #tpu.memory_space<vmem>>
    %dma_wait3A_214 = tpu.memref_squeeze %dma_wait3A_213 : memref<1x1024xf32, #tpu.memory_space<vmem>> -> memref<1024xf32, #tpu.memory_space<vmem>>
    %dma_wait3A_215 = arith.constant 0 : i32
    %dma_wait3A_216 = tpu.memref_slice %arg2[%dma_wait3A_204, %dma_wait3A_215] : memref<64x1024xf32, #tpu.memory_space<hbm>> -> memref<1x1024xf32, #tpu.memory_space<hbm>>
    %dma_wait3A_217 = tpu.memref_squeeze %dma_wait3A_216 : memref<1x1024xf32, #tpu.memory_space<hbm>> -> memref<1024xf32, #tpu.memory_space<hbm>>
    tpu.wait_dma2 semaphore(%arg8 : memref<!tpu.dma_semaphore, #tpu.memory_space<semaphore_mem>>) src(%dma_wait3A_217 : memref<1024xf32, #tpu.memory_space<hbm>>) dst(%dma_wait3A_214 : memref<1024xf32, #tpu.memory_space<vmem>>)
    %dma_wait3A_218 = arith.constant 0 : i32
    %dma_wait3A_219 = arith.constant 0 : i32
    %dma_wait3A_220 = arith.constant 0 : i32
    %dma_wait3A_221 = tpu.memref_slice %arg6[%dma_wait3A_219, %dma_wait3A_220] : memref<64x1024xf32, #tpu.memory_space<vmem>> -> memref<1x1024xf32, #tpu.memory_space<vmem>>
    %dma_wait3A_222 = tpu.memref_squeeze %dma_wait3A_221 : memref<1x1024xf32, #tpu.memory_space<vmem>> -> memref<1024xf32, #tpu.memory_space<vmem>>
    %dma_wait3A_223 = arith.constant 0 : i32
    %dma_wait3A_224 = tpu.memref_slice %arg2[%dma_wait3A_218, %dma_wait3A_223] : memref<64x1024xf32, #tpu.memory_space<hbm>> -> memref<1x1024xf32, #tpu.memory_space<hbm>>
    %dma_wait3A_225 = tpu.memref_squeeze %dma_wait3A_224 : memref<1x1024xf32, #tpu.memory_space<hbm>> -> memref<1024xf32, #tpu.memory_space<hbm>>
    %dma_wait3A_226 = arith.constant 0 : i32
    %dma_wait3A_227 = tpu.memref_slice %arg6[%dma_wait3A_219, %dma_wait3A_226] : memref<64x1024xf32, #tpu.memory_space<vmem>> -> memref<1x1024xf32, #tpu.memory_space<vmem>>
    %dma_wait3A_228 = tpu.memref_squeeze %dma_wait3A_227 : memref<1x1024xf32, #tpu.memory_space<vmem>> -> memref<1024xf32, #tpu.memory_space<vmem>>
    %dma_wait3A_229 = arith.constant 0 : i32
    %dma_wait3A_230 = tpu.memref_slice %arg2[%dma_wait3A_218, %dma_wait3A_229] : memref<64x1024xf32, #tpu.memory_space<hbm>> -> memref<1x1024xf32, #tpu.memory_space<hbm>>
    %dma_wait3A_231 = tpu.memref_squeeze %dma_wait3A_230 : memref<1x1024xf32, #tpu.memory_space<hbm>> -> memref<1024xf32, #tpu.memory_space<hbm>>
    tpu.wait_dma2 semaphore(%arg8 : memref<!tpu.dma_semaphore, #tpu.memory_space<semaphore_mem>>) src(%dma_wait3A_231 : memref<1024xf32, #tpu.memory_space<hbm>>) dst(%dma_wait3A_228 : memref<1024xf32, #tpu.memory_space<vmem>>)
    %dma_wait3A_232 = arith.constant 0 : i32
    %dma_wait3A_233 = arith.constant 0 : i32
    %dma_wait3A_234 = arith.constant 0 : i32
    %dma_wait3A_235 = tpu.memref_slice %arg6[%dma_wait3A_233, %dma_wait3A_234] : memref<64x1024xf32, #tpu.memory_space<vmem>> -> memref<1x1024xf32, #tpu.memory_space<vmem>>
    %dma_wait3A_236 = tpu.memref_squeeze %dma_wait3A_235 : memref<1x1024xf32, #tpu.memory_space<vmem>> -> memref<1024xf32, #tpu.memory_space<vmem>>
    %dma_wait3A_237 = arith.constant 0 : i32
    %dma_wait3A_238 = tpu.memref_slice %arg2[%dma_wait3A_232, %dma_wait3A_237] : memref<64x1024xf32, #tpu.memory_space<hbm>> -> memref<1x1024xf32, #tpu.memory_space<hbm>>
    %dma_wait3A_239 = tpu.memref_squeeze %dma_wait3A_238 : memref<1x1024xf32, #tpu.memory_space<hbm>> -> memref<1024xf32, #tpu.memory_space<hbm>>
    %dma_wait3A_240 = arith.constant 0 : i32
    %dma_wait3A_241 = tpu.memref_slice %arg6[%dma_wait3A_233, %dma_wait3A_240] : memref<64x1024xf32, #tpu.memory_space<vmem>> -> memref<1x1024xf32, #tpu.memory_space<vmem>>
    %dma_wait3A_242 = tpu.memref_squeeze %dma_wait3A_241 : memref<1x1024xf32, #tpu.memory_space<vmem>> -> memref<1024xf32, #tpu.memory_space<vmem>>
    %dma_wait3A_243 = arith.constant 0 : i32
    %dma_wait3A_244 = tpu.memref_slice %arg2[%dma_wait3A_232, %dma_wait3A_243] : memref<64x1024xf32, #tpu.memory_space<hbm>> -> memref<1x1024xf32, #tpu.memory_space<hbm>>
    %dma_wait3A_245 = tpu.memref_squeeze %dma_wait3A_244 : memref<1x1024xf32, #tpu.memory_space<hbm>> -> memref<1024xf32, #tpu.memory_space<hbm>>
    tpu.wait_dma2 semaphore(%arg8 : memref<!tpu.dma_semaphore, #tpu.memory_space<semaphore_mem>>) src(%dma_wait3A_245 : memref<1024xf32, #tpu.memory_space<hbm>>) dst(%dma_wait3A_242 : memref<1024xf32, #tpu.memory_space<vmem>>)
    %dma_wait3A_246 = arith.constant 0 : i32
    %dma_wait3A_247 = arith.constant 0 : i32
    %dma_wait3A_248 = arith.constant 0 : i32
    %dma_wait3A_249 = tpu.memref_slice %arg6[%dma_wait3A_247, %dma_wait3A_248] : memref<64x1024xf32, #tpu.memory_space<vmem>> -> memref<1x1024xf32, #tpu.memory_space<vmem>>
    %dma_wait3A_250 = tpu.memref_squeeze %dma_wait3A_249 : memref<1x1024xf32, #tpu.memory_space<vmem>> -> memref<1024xf32, #tpu.memory_space<vmem>>
    %dma_wait3A_251 = arith.constant 0 : i32
    %dma_wait3A_252 = tpu.memref_slice %arg2[%dma_wait3A_246, %dma_wait3A_251] : memref<64x1024xf32, #tpu.memory_space<hbm>> -> memref<1x1024xf32, #tpu.memory_space<hbm>>
    %dma_wait3A_253 = tpu.memref_squeeze %dma_wait3A_252 : memref<1x1024xf32, #tpu.memory_space<hbm>> -> memref<1024xf32, #tpu.memory_space<hbm>>
    %dma_wait3A_254 = arith.constant 0 : i32
    %dma_wait3A_255 = tpu.memref_slice %arg6[%dma_wait3A_247, %dma_wait3A_254] : memref<64x1024xf32, #tpu.memory_space<vmem>> -> memref<1x1024xf32, #tpu.memory_space<vmem>>
    %dma_wait3A_256 = tpu.memref_squeeze %dma_wait3A_255 : memref<1x1024xf32, #tpu.memory_space<vmem>> -> memref<1024xf32, #tpu.memory_space<vmem>>
    %dma_wait3A_257 = arith.constant 0 : i32
    %dma_wait3A_258 = tpu.memref_slice %arg2[%dma_wait3A_246, %dma_wait3A_257] : memref<64x1024xf32, #tpu.memory_space<hbm>> -> memref<1x1024xf32, #tpu.memory_space<hbm>>
    %dma_wait3A_259 = tpu.memref_squeeze %dma_wait3A_258 : memref<1x1024xf32, #tpu.memory_space<hbm>> -> memref<1024xf32, #tpu.memory_space<hbm>>
    tpu.wait_dma2 semaphore(%arg8 : memref<!tpu.dma_semaphore, #tpu.memory_space<semaphore_mem>>) src(%dma_wait3A_259 : memref<1024xf32, #tpu.memory_space<hbm>>) dst(%dma_wait3A_256 : memref<1024xf32, #tpu.memory_space<vmem>>)
    %dma_wait3A_260 = arith.constant 0 : i32
    %dma_wait3A_261 = arith.constant 0 : i32
    %dma_wait3A_262 = arith.constant 0 : i32
    %dma_wait3A_263 = tpu.memref_slice %arg6[%dma_wait3A_261, %dma_wait3A_262] : memref<64x1024xf32, #tpu.memory_space<vmem>> -> memref<1x1024xf32, #tpu.memory_space<vmem>>
    %dma_wait3A_264 = tpu.memref_squeeze %dma_wait3A_263 : memref<1x1024xf32, #tpu.memory_space<vmem>> -> memref<1024xf32, #tpu.memory_space<vmem>>
    %dma_wait3A_265 = arith.constant 0 : i32
    %dma_wait3A_266 = tpu.memref_slice %arg2[%dma_wait3A_260, %dma_wait3A_265] : memref<64x1024xf32, #tpu.memory_space<hbm>> -> memref<1x1024xf32, #tpu.memory_space<hbm>>
    %dma_wait3A_267 = tpu.memref_squeeze %dma_wait3A_266 : memref<1x1024xf32, #tpu.memory_space<hbm>> -> memref<1024xf32, #tpu.memory_space<hbm>>
    %dma_wait3A_268 = arith.constant 0 : i32
    %dma_wait3A_269 = tpu.memref_slice %arg6[%dma_wait3A_261, %dma_wait3A_268] : memref<64x1024xf32, #tpu.memory_space<vmem>> -> memref<1x1024xf32, #tpu.memory_space<vmem>>
    %dma_wait3A_270 = tpu.memref_squeeze %dma_wait3A_269 : memref<1x1024xf32, #tpu.memory_space<vmem>> -> memref<1024xf32, #tpu.memory_space<vmem>>
    %dma_wait3A_271 = arith.constant 0 : i32
    %dma_wait3A_272 = tpu.memref_slice %arg2[%dma_wait3A_260, %dma_wait3A_271] : memref<64x1024xf32, #tpu.memory_space<hbm>> -> memref<1x1024xf32, #tpu.memory_space<hbm>>
    %dma_wait3A_273 = tpu.memref_squeeze %dma_wait3A_272 : memref<1x1024xf32, #tpu.memory_space<hbm>> -> memref<1024xf32, #tpu.memory_space<hbm>>
    tpu.wait_dma2 semaphore(%arg8 : memref<!tpu.dma_semaphore, #tpu.memory_space<semaphore_mem>>) src(%dma_wait3A_273 : memref<1024xf32, #tpu.memory_space<hbm>>) dst(%dma_wait3A_270 : memref<1024xf32, #tpu.memory_space<vmem>>)
    %dma_wait3A_274 = arith.constant 0 : i32
    %dma_wait3A_275 = arith.constant 0 : i32
    %dma_wait3A_276 = arith.constant 0 : i32
    %dma_wait3A_277 = tpu.memref_slice %arg6[%dma_wait3A_275, %dma_wait3A_276] : memref<64x1024xf32, #tpu.memory_space<vmem>> -> memref<1x1024xf32, #tpu.memory_space<vmem>>
    %dma_wait3A_278 = tpu.memref_squeeze %dma_wait3A_277 : memref<1x1024xf32, #tpu.memory_space<vmem>> -> memref<1024xf32, #tpu.memory_space<vmem>>
    %dma_wait3A_279 = arith.constant 0 : i32
    %dma_wait3A_280 = tpu.memref_slice %arg2[%dma_wait3A_274, %dma_wait3A_279] : memref<64x1024xf32, #tpu.memory_space<hbm>> -> memref<1x1024xf32, #tpu.memory_space<hbm>>
    %dma_wait3A_281 = tpu.memref_squeeze %dma_wait3A_280 : memref<1x1024xf32, #tpu.memory_space<hbm>> -> memref<1024xf32, #tpu.memory_space<hbm>>
    %dma_wait3A_282 = arith.constant 0 : i32
    %dma_wait3A_283 = tpu.memref_slice %arg6[%dma_wait3A_275, %dma_wait3A_282] : memref<64x1024xf32, #tpu.memory_space<vmem>> -> memref<1x1024xf32, #tpu.memory_space<vmem>>
    %dma_wait3A_284 = tpu.memref_squeeze %dma_wait3A_283 : memref<1x1024xf32, #tpu.memory_space<vmem>> -> memref<1024xf32, #tpu.memory_space<vmem>>
    %dma_wait3A_285 = arith.constant 0 : i32
    %dma_wait3A_286 = tpu.memref_slice %arg2[%dma_wait3A_274, %dma_wait3A_285] : memref<64x1024xf32, #tpu.memory_space<hbm>> -> memref<1x1024xf32, #tpu.memory_space<hbm>>
    %dma_wait3A_287 = tpu.memref_squeeze %dma_wait3A_286 : memref<1x1024xf32, #tpu.memory_space<hbm>> -> memref<1024xf32, #tpu.memory_space<hbm>>
    tpu.wait_dma2 semaphore(%arg8 : memref<!tpu.dma_semaphore, #tpu.memory_space<semaphore_mem>>) src(%dma_wait3A_287 : memref<1024xf32, #tpu.memory_space<hbm>>) dst(%dma_wait3A_284 : memref<1024xf32, #tpu.memory_space<vmem>>)
    %dma_wait3A_288 = arith.constant 0 : i32
    %dma_wait3A_289 = arith.constant 0 : i32
    %dma_wait3A_290 = arith.constant 0 : i32
    %dma_wait3A_291 = tpu.memref_slice %arg6[%dma_wait3A_289, %dma_wait3A_290] : memref<64x1024xf32, #tpu.memory_space<vmem>> -> memref<1x1024xf32, #tpu.memory_space<vmem>>
    %dma_wait3A_292 = tpu.memref_squeeze %dma_wait3A_291 : memref<1x1024xf32, #tpu.memory_space<vmem>> -> memref<1024xf32, #tpu.memory_space<vmem>>
    %dma_wait3A_293 = arith.constant 0 : i32
    %dma_wait3A_294 = tpu.memref_slice %arg2[%dma_wait3A_288, %dma_wait3A_293] : memref<64x1024xf32, #tpu.memory_space<hbm>> -> memref<1x1024xf32, #tpu.memory_space<hbm>>
    %dma_wait3A_295 = tpu.memref_squeeze %dma_wait3A_294 : memref<1x1024xf32, #tpu.memory_space<hbm>> -> memref<1024xf32, #tpu.memory_space<hbm>>
    %dma_wait3A_296 = arith.constant 0 : i32
    %dma_wait3A_297 = tpu.memref_slice %arg6[%dma_wait3A_289, %dma_wait3A_296] : memref<64x1024xf32, #tpu.memory_space<vmem>> -> memref<1x1024xf32, #tpu.memory_space<vmem>>
    %dma_wait3A_298 = tpu.memref_squeeze %dma_wait3A_297 : memref<1x1024xf32, #tpu.memory_space<vmem>> -> memref<1024xf32, #tpu.memory_space<vmem>>
    %dma_wait3A_299 = arith.constant 0 : i32
    %dma_wait3A_300 = tpu.memref_slice %arg2[%dma_wait3A_288, %dma_wait3A_299] : memref<64x1024xf32, #tpu.memory_space<hbm>> -> memref<1x1024xf32, #tpu.memory_space<hbm>>
    %dma_wait3A_301 = tpu.memref_squeeze %dma_wait3A_300 : memref<1x1024xf32, #tpu.memory_space<hbm>> -> memref<1024xf32, #tpu.memory_space<hbm>>
    tpu.wait_dma2 semaphore(%arg8 : memref<!tpu.dma_semaphore, #tpu.memory_space<semaphore_mem>>) src(%dma_wait3A_301 : memref<1024xf32, #tpu.memory_space<hbm>>) dst(%dma_wait3A_298 : memref<1024xf32, #tpu.memory_space<vmem>>)
    %dma_wait3A_302 = arith.constant 0 : i32
    %dma_wait3A_303 = arith.constant 0 : i32
    %dma_wait3A_304 = arith.constant 0 : i32
    %dma_wait3A_305 = tpu.memref_slice %arg6[%dma_wait3A_303, %dma_wait3A_304] : memref<64x1024xf32, #tpu.memory_space<vmem>> -> memref<1x1024xf32, #tpu.memory_space<vmem>>
    %dma_wait3A_306 = tpu.memref_squeeze %dma_wait3A_305 : memref<1x1024xf32, #tpu.memory_space<vmem>> -> memref<1024xf32, #tpu.memory_space<vmem>>
    %dma_wait3A_307 = arith.constant 0 : i32
    %dma_wait3A_308 = tpu.memref_slice %arg2[%dma_wait3A_302, %dma_wait3A_307] : memref<64x1024xf32, #tpu.memory_space<hbm>> -> memref<1x1024xf32, #tpu.memory_space<hbm>>
    %dma_wait3A_309 = tpu.memref_squeeze %dma_wait3A_308 : memref<1x1024xf32, #tpu.memory_space<hbm>> -> memref<1024xf32, #tpu.memory_space<hbm>>
    %dma_wait3A_310 = arith.constant 0 : i32
    %dma_wait3A_311 = tpu.memref_slice %arg6[%dma_wait3A_303, %dma_wait3A_310] : memref<64x1024xf32, #tpu.memory_space<vmem>> -> memref<1x1024xf32, #tpu.memory_space<vmem>>
    %dma_wait3A_312 = tpu.memref_squeeze %dma_wait3A_311 : memref<1x1024xf32, #tpu.memory_space<vmem>> -> memref<1024xf32, #tpu.memory_space<vmem>>
    %dma_wait3A_313 = arith.constant 0 : i32
    %dma_wait3A_314 = tpu.memref_slice %arg2[%dma_wait3A_302, %dma_wait3A_313] : memref<64x1024xf32, #tpu.memory_space<hbm>> -> memref<1x1024xf32, #tpu.memory_space<hbm>>
    %dma_wait3A_315 = tpu.memref_squeeze %dma_wait3A_314 : memref<1x1024xf32, #tpu.memory_space<hbm>> -> memref<1024xf32, #tpu.memory_space<hbm>>
    tpu.wait_dma2 semaphore(%arg8 : memref<!tpu.dma_semaphore, #tpu.memory_space<semaphore_mem>>) src(%dma_wait3A_315 : memref<1024xf32, #tpu.memory_space<hbm>>) dst(%dma_wait3A_312 : memref<1024xf32, #tpu.memory_space<vmem>>)
    %dma_wait3A_316 = arith.constant 0 : i32
    %dma_wait3A_317 = arith.constant 0 : i32
    %dma_wait3A_318 = arith.constant 0 : i32
    %dma_wait3A_319 = tpu.memref_slice %arg6[%dma_wait3A_317, %dma_wait3A_318] : memref<64x1024xf32, #tpu.memory_space<vmem>> -> memref<1x1024xf32, #tpu.memory_space<vmem>>
    %dma_wait3A_320 = tpu.memref_squeeze %dma_wait3A_319 : memref<1x1024xf32, #tpu.memory_space<vmem>> -> memref<1024xf32, #tpu.memory_space<vmem>>
    %dma_wait3A_321 = arith.constant 0 : i32
    %dma_wait3A_322 = tpu.memref_slice %arg2[%dma_wait3A_316, %dma_wait3A_321] : memref<64x1024xf32, #tpu.memory_space<hbm>> -> memref<1x1024xf32, #tpu.memory_space<hbm>>
    %dma_wait3A_323 = tpu.memref_squeeze %dma_wait3A_322 : memref<1x1024xf32, #tpu.memory_space<hbm>> -> memref<1024xf32, #tpu.memory_space<hbm>>
    %dma_wait3A_324 = arith.constant 0 : i32
    %dma_wait3A_325 = tpu.memref_slice %arg6[%dma_wait3A_317, %dma_wait3A_324] : memref<64x1024xf32, #tpu.memory_space<vmem>> -> memref<1x1024xf32, #tpu.memory_space<vmem>>
    %dma_wait3A_326 = tpu.memref_squeeze %dma_wait3A_325 : memref<1x1024xf32, #tpu.memory_space<vmem>> -> memref<1024xf32, #tpu.memory_space<vmem>>
    %dma_wait3A_327 = arith.constant 0 : i32
    %dma_wait3A_328 = tpu.memref_slice %arg2[%dma_wait3A_316, %dma_wait3A_327] : memref<64x1024xf32, #tpu.memory_space<hbm>> -> memref<1x1024xf32, #tpu.memory_space<hbm>>
    %dma_wait3A_329 = tpu.memref_squeeze %dma_wait3A_328 : memref<1x1024xf32, #tpu.memory_space<hbm>> -> memref<1024xf32, #tpu.memory_space<hbm>>
    tpu.wait_dma2 semaphore(%arg8 : memref<!tpu.dma_semaphore, #tpu.memory_space<semaphore_mem>>) src(%dma_wait3A_329 : memref<1024xf32, #tpu.memory_space<hbm>>) dst(%dma_wait3A_326 : memref<1024xf32, #tpu.memory_space<vmem>>)
    %dma_wait3A_330 = arith.constant 0 : i32
    %dma_wait3A_331 = arith.constant 0 : i32
    %dma_wait3A_332 = arith.constant 0 : i32
    %dma_wait3A_333 = tpu.memref_slice %arg6[%dma_wait3A_331, %dma_wait3A_332] : memref<64x1024xf32, #tpu.memory_space<vmem>> -> memref<1x1024xf32, #tpu.memory_space<vmem>>
    %dma_wait3A_334 = tpu.memref_squeeze %dma_wait3A_333 : memref<1x1024xf32, #tpu.memory_space<vmem>> -> memref<1024xf32, #tpu.memory_space<vmem>>
    %dma_wait3A_335 = arith.constant 0 : i32
    %dma_wait3A_336 = tpu.memref_slice %arg2[%dma_wait3A_330, %dma_wait3A_335] : memref<64x1024xf32, #tpu.memory_space<hbm>> -> memref<1x1024xf32, #tpu.memory_space<hbm>>
    %dma_wait3A_337 = tpu.memref_squeeze %dma_wait3A_336 : memref<1x1024xf32, #tpu.memory_space<hbm>> -> memref<1024xf32, #tpu.memory_space<hbm>>
    %dma_wait3A_338 = arith.constant 0 : i32
    %dma_wait3A_339 = tpu.memref_slice %arg6[%dma_wait3A_331, %dma_wait3A_338] : memref<64x1024xf32, #tpu.memory_space<vmem>> -> memref<1x1024xf32, #tpu.memory_space<vmem>>
    %dma_wait3A_340 = tpu.memref_squeeze %dma_wait3A_339 : memref<1x1024xf32, #tpu.memory_space<vmem>> -> memref<1024xf32, #tpu.memory_space<vmem>>
    %dma_wait3A_341 = arith.constant 0 : i32
    %dma_wait3A_342 = tpu.memref_slice %arg2[%dma_wait3A_330, %dma_wait3A_341] : memref<64x1024xf32, #tpu.memory_space<hbm>> -> memref<1x1024xf32, #tpu.memory_space<hbm>>
    %dma_wait3A_343 = tpu.memref_squeeze %dma_wait3A_342 : memref<1x1024xf32, #tpu.memory_space<hbm>> -> memref<1024xf32, #tpu.memory_space<hbm>>
    tpu.wait_dma2 semaphore(%arg8 : memref<!tpu.dma_semaphore, #tpu.memory_space<semaphore_mem>>) src(%dma_wait3A_343 : memref<1024xf32, #tpu.memory_space<hbm>>) dst(%dma_wait3A_340 : memref<1024xf32, #tpu.memory_space<vmem>>)
    %dma_wait3A_344 = arith.constant 0 : i32
    %dma_wait3A_345 = arith.constant 0 : i32
    %dma_wait3A_346 = arith.constant 0 : i32
    %dma_wait3A_347 = tpu.memref_slice %arg6[%dma_wait3A_345, %dma_wait3A_346] : memref<64x1024xf32, #tpu.memory_space<vmem>> -> memref<1x1024xf32, #tpu.memory_space<vmem>>
    %dma_wait3A_348 = tpu.memref_squeeze %dma_wait3A_347 : memref<1x1024xf32, #tpu.memory_space<vmem>> -> memref<1024xf32, #tpu.memory_space<vmem>>
    %dma_wait3A_349 = arith.constant 0 : i32
    %dma_wait3A_350 = tpu.memref_slice %arg2[%dma_wait3A_344, %dma_wait3A_349] : memref<64x1024xf32, #tpu.memory_space<hbm>> -> memref<1x1024xf32, #tpu.memory_space<hbm>>
    %dma_wait3A_351 = tpu.memref_squeeze %dma_wait3A_350 : memref<1x1024xf32, #tpu.memory_space<hbm>> -> memref<1024xf32, #tpu.memory_space<hbm>>
    %dma_wait3A_352 = arith.constant 0 : i32
    %dma_wait3A_353 = tpu.memref_slice %arg6[%dma_wait3A_345, %dma_wait3A_352] : memref<64x1024xf32, #tpu.memory_space<vmem>> -> memref<1x1024xf32, #tpu.memory_space<vmem>>
    %dma_wait3A_354 = tpu.memref_squeeze %dma_wait3A_353 : memref<1x1024xf32, #tpu.memory_space<vmem>> -> memref<1024xf32, #tpu.memory_space<vmem>>
    %dma_wait3A_355 = arith.constant 0 : i32
    %dma_wait3A_356 = tpu.memref_slice %arg2[%dma_wait3A_344, %dma_wait3A_355] : memref<64x1024xf32, #tpu.memory_space<hbm>> -> memref<1x1024xf32, #tpu.memory_space<hbm>>
    %dma_wait3A_357 = tpu.memref_squeeze %dma_wait3A_356 : memref<1x1024xf32, #tpu.memory_space<hbm>> -> memref<1024xf32, #tpu.memory_space<hbm>>
    tpu.wait_dma2 semaphore(%arg8 : memref<!tpu.dma_semaphore, #tpu.memory_space<semaphore_mem>>) src(%dma_wait3A_357 : memref<1024xf32, #tpu.memory_space<hbm>>) dst(%dma_wait3A_354 : memref<1024xf32, #tpu.memory_space<vmem>>)
    %dma_wait3A_358 = arith.constant 0 : i32
    %dma_wait3A_359 = arith.constant 0 : i32
    %dma_wait3A_360 = arith.constant 0 : i32
    %dma_wait3A_361 = tpu.memref_slice %arg6[%dma_wait3A_359, %dma_wait3A_360] : memref<64x1024xf32, #tpu.memory_space<vmem>> -> memref<1x1024xf32, #tpu.memory_space<vmem>>
    %dma_wait3A_362 = tpu.memref_squeeze %dma_wait3A_361 : memref<1x1024xf32, #tpu.memory_space<vmem>> -> memref<1024xf32, #tpu.memory_space<vmem>>
    %dma_wait3A_363 = arith.constant 0 : i32
    %dma_wait3A_364 = tpu.memref_slice %arg2[%dma_wait3A_358, %dma_wait3A_363] : memref<64x1024xf32, #tpu.memory_space<hbm>> -> memref<1x1024xf32, #tpu.memory_space<hbm>>
    %dma_wait3A_365 = tpu.memref_squeeze %dma_wait3A_364 : memref<1x1024xf32, #tpu.memory_space<hbm>> -> memref<1024xf32, #tpu.memory_space<hbm>>
    %dma_wait3A_366 = arith.constant 0 : i32
    %dma_wait3A_367 = tpu.memref_slice %arg6[%dma_wait3A_359, %dma_wait3A_366] : memref<64x1024xf32, #tpu.memory_space<vmem>> -> memref<1x1024xf32, #tpu.memory_space<vmem>>
    %dma_wait3A_368 = tpu.memref_squeeze %dma_wait3A_367 : memref<1x1024xf32, #tpu.memory_space<vmem>> -> memref<1024xf32, #tpu.memory_space<vmem>>
    %dma_wait3A_369 = arith.constant 0 : i32
    %dma_wait3A_370 = tpu.memref_slice %arg2[%dma_wait3A_358, %dma_wait3A_369] : memref<64x1024xf32, #tpu.memory_space<hbm>> -> memref<1x1024xf32, #tpu.memory_space<hbm>>
    %dma_wait3A_371 = tpu.memref_squeeze %dma_wait3A_370 : memref<1x1024xf32, #tpu.memory_space<hbm>> -> memref<1024xf32, #tpu.memory_space<hbm>>
    tpu.wait_dma2 semaphore(%arg8 : memref<!tpu.dma_semaphore, #tpu.memory_space<semaphore_mem>>) src(%dma_wait3A_371 : memref<1024xf32, #tpu.memory_space<hbm>>) dst(%dma_wait3A_368 : memref<1024xf32, #tpu.memory_space<vmem>>)
    %dma_wait3A_372 = arith.constant 0 : i32
    %dma_wait3A_373 = arith.constant 0 : i32
    %dma_wait3A_374 = arith.constant 0 : i32
    %dma_wait3A_375 = tpu.memref_slice %arg6[%dma_wait3A_373, %dma_wait3A_374] : memref<64x1024xf32, #tpu.memory_space<vmem>> -> memref<1x1024xf32, #tpu.memory_space<vmem>>
    %dma_wait3A_376 = tpu.memref_squeeze %dma_wait3A_375 : memref<1x1024xf32, #tpu.memory_space<vmem>> -> memref<1024xf32, #tpu.memory_space<vmem>>
    %dma_wait3A_377 = arith.constant 0 : i32
    %dma_wait3A_378 = tpu.memref_slice %arg2[%dma_wait3A_372, %dma_wait3A_377] : memref<64x1024xf32, #tpu.memory_space<hbm>> -> memref<1x1024xf32, #tpu.memory_space<hbm>>
    %dma_wait3A_379 = tpu.memref_squeeze %dma_wait3A_378 : memref<1x1024xf32, #tpu.memory_space<hbm>> -> memref<1024xf32, #tpu.memory_space<hbm>>
    %dma_wait3A_380 = arith.constant 0 : i32
    %dma_wait3A_381 = tpu.memref_slice %arg6[%dma_wait3A_373, %dma_wait3A_380] : memref<64x1024xf32, #tpu.memory_space<vmem>> -> memref<1x1024xf32, #tpu.memory_space<vmem>>
    %dma_wait3A_382 = tpu.memref_squeeze %dma_wait3A_381 : memref<1x1024xf32, #tpu.memory_space<vmem>> -> memref<1024xf32, #tpu.memory_space<vmem>>
    %dma_wait3A_383 = arith.constant 0 : i32
    %dma_wait3A_384 = tpu.memref_slice %arg2[%dma_wait3A_372, %dma_wait3A_383] : memref<64x1024xf32, #tpu.memory_space<hbm>> -> memref<1x1024xf32, #tpu.memory_space<hbm>>
    %dma_wait3A_385 = tpu.memref_squeeze %dma_wait3A_384 : memref<1x1024xf32, #tpu.memory_space<hbm>> -> memref<1024xf32, #tpu.memory_space<hbm>>
    tpu.wait_dma2 semaphore(%arg8 : memref<!tpu.dma_semaphore, #tpu.memory_space<semaphore_mem>>) src(%dma_wait3A_385 : memref<1024xf32, #tpu.memory_space<hbm>>) dst(%dma_wait3A_382 : memref<1024xf32, #tpu.memory_space<vmem>>)
    %dma_wait3A_386 = arith.constant 0 : i32
    %dma_wait3A_387 = arith.constant 0 : i32
    %dma_wait3A_388 = arith.constant 0 : i32
    %dma_wait3A_389 = tpu.memref_slice %arg6[%dma_wait3A_387, %dma_wait3A_388] : memref<64x1024xf32, #tpu.memory_space<vmem>> -> memref<1x1024xf32, #tpu.memory_space<vmem>>
    %dma_wait3A_390 = tpu.memref_squeeze %dma_wait3A_389 : memref<1x1024xf32, #tpu.memory_space<vmem>> -> memref<1024xf32, #tpu.memory_space<vmem>>
    %dma_wait3A_391 = arith.constant 0 : i32
    %dma_wait3A_392 = tpu.memref_slice %arg2[%dma_wait3A_386, %dma_wait3A_391] : memref<64x1024xf32, #tpu.memory_space<hbm>> -> memref<1x1024xf32, #tpu.memory_space<hbm>>
    %dma_wait3A_393 = tpu.memref_squeeze %dma_wait3A_392 : memref<1x1024xf32, #tpu.memory_space<hbm>> -> memref<1024xf32, #tpu.memory_space<hbm>>
    %dma_wait3A_394 = arith.constant 0 : i32
    %dma_wait3A_395 = tpu.memref_slice %arg6[%dma_wait3A_387, %dma_wait3A_394] : memref<64x1024xf32, #tpu.memory_space<vmem>> -> memref<1x1024xf32, #tpu.memory_space<vmem>>
    %dma_wait3A_396 = tpu.memref_squeeze %dma_wait3A_395 : memref<1x1024xf32, #tpu.memory_space<vmem>> -> memref<1024xf32, #tpu.memory_space<vmem>>
    %dma_wait3A_397 = arith.constant 0 : i32
    %dma_wait3A_398 = tpu.memref_slice %arg2[%dma_wait3A_386, %dma_wait3A_397] : memref<64x1024xf32, #tpu.memory_space<hbm>> -> memref<1x1024xf32, #tpu.memory_space<hbm>>
    %dma_wait3A_399 = tpu.memref_squeeze %dma_wait3A_398 : memref<1x1024xf32, #tpu.memory_space<hbm>> -> memref<1024xf32, #tpu.memory_space<hbm>>
    tpu.wait_dma2 semaphore(%arg8 : memref<!tpu.dma_semaphore, #tpu.memory_space<semaphore_mem>>) src(%dma_wait3A_399 : memref<1024xf32, #tpu.memory_space<hbm>>) dst(%dma_wait3A_396 : memref<1024xf32, #tpu.memory_space<vmem>>)
    %dma_wait3A_400 = arith.constant 0 : i32
    %dma_wait3A_401 = arith.constant 0 : i32
    %dma_wait3A_402 = arith.constant 0 : i32
    %dma_wait3A_403 = tpu.memref_slice %arg6[%dma_wait3A_401, %dma_wait3A_402] : memref<64x1024xf32, #tpu.memory_space<vmem>> -> memref<1x1024xf32, #tpu.memory_space<vmem>>
    %dma_wait3A_404 = tpu.memref_squeeze %dma_wait3A_403 : memref<1x1024xf32, #tpu.memory_space<vmem>> -> memref<1024xf32, #tpu.memory_space<vmem>>
    %dma_wait3A_405 = arith.constant 0 : i32
    %dma_wait3A_406 = tpu.memref_slice %arg2[%dma_wait3A_400, %dma_wait3A_405] : memref<64x1024xf32, #tpu.memory_space<hbm>> -> memref<1x1024xf32, #tpu.memory_space<hbm>>
    %dma_wait3A_407 = tpu.memref_squeeze %dma_wait3A_406 : memref<1x1024xf32, #tpu.memory_space<hbm>> -> memref<1024xf32, #tpu.memory_space<hbm>>
    %dma_wait3A_408 = arith.constant 0 : i32
    %dma_wait3A_409 = tpu.memref_slice %arg6[%dma_wait3A_401, %dma_wait3A_408] : memref<64x1024xf32, #tpu.memory_space<vmem>> -> memref<1x1024xf32, #tpu.memory_space<vmem>>
    %dma_wait3A_410 = tpu.memref_squeeze %dma_wait3A_409 : memref<1x1024xf32, #tpu.memory_space<vmem>> -> memref<1024xf32, #tpu.memory_space<vmem>>
    %dma_wait3A_411 = arith.constant 0 : i32
    %dma_wait3A_412 = tpu.memref_slice %arg2[%dma_wait3A_400, %dma_wait3A_411] : memref<64x1024xf32, #tpu.memory_space<hbm>> -> memref<1x1024xf32, #tpu.memory_space<hbm>>
    %dma_wait3A_413 = tpu.memref_squeeze %dma_wait3A_412 : memref<1x1024xf32, #tpu.memory_space<hbm>> -> memref<1024xf32, #tpu.memory_space<hbm>>
    tpu.wait_dma2 semaphore(%arg8 : memref<!tpu.dma_semaphore, #tpu.memory_space<semaphore_mem>>) src(%dma_wait3A_413 : memref<1024xf32, #tpu.memory_space<hbm>>) dst(%dma_wait3A_410 : memref<1024xf32, #tpu.memory_space<vmem>>)
    %dma_wait3A_414 = arith.constant 0 : i32
    %dma_wait3A_415 = arith.constant 0 : i32
    %dma_wait3A_416 = arith.constant 0 : i32
    %dma_wait3A_417 = tpu.memref_slice %arg6[%dma_wait3A_415, %dma_wait3A_416] : memref<64x1024xf32, #tpu.memory_space<vmem>> -> memref<1x1024xf32, #tpu.memory_space<vmem>>
    %dma_wait3A_418 = tpu.memref_squeeze %dma_wait3A_417 : memref<1x1024xf32, #tpu.memory_space<vmem>> -> memref<1024xf32, #tpu.memory_space<vmem>>
    %dma_wait3A_419 = arith.constant 0 : i32
    %dma_wait3A_420 = tpu.memref_slice %arg2[%dma_wait3A_414, %dma_wait3A_419] : memref<64x1024xf32, #tpu.memory_space<hbm>> -> memref<1x1024xf32, #tpu.memory_space<hbm>>
    %dma_wait3A_421 = tpu.memref_squeeze %dma_wait3A_420 : memref<1x1024xf32, #tpu.memory_space<hbm>> -> memref<1024xf32, #tpu.memory_space<hbm>>
    %dma_wait3A_422 = arith.constant 0 : i32
    %dma_wait3A_423 = tpu.memref_slice %arg6[%dma_wait3A_415, %dma_wait3A_422] : memref<64x1024xf32, #tpu.memory_space<vmem>> -> memref<1x1024xf32, #tpu.memory_space<vmem>>
    %dma_wait3A_424 = tpu.memref_squeeze %dma_wait3A_423 : memref<1x1024xf32, #tpu.memory_space<vmem>> -> memref<1024xf32, #tpu.memory_space<vmem>>
    %dma_wait3A_425 = arith.constant 0 : i32
    %dma_wait3A_426 = tpu.memref_slice %arg2[%dma_wait3A_414, %dma_wait3A_425] : memref<64x1024xf32, #tpu.memory_space<hbm>> -> memref<1x1024xf32, #tpu.memory_space<hbm>>
    %dma_wait3A_427 = tpu.memref_squeeze %dma_wait3A_426 : memref<1x1024xf32, #tpu.memory_space<hbm>> -> memref<1024xf32, #tpu.memory_space<hbm>>
    tpu.wait_dma2 semaphore(%arg8 : memref<!tpu.dma_semaphore, #tpu.memory_space<semaphore_mem>>) src(%dma_wait3A_427 : memref<1024xf32, #tpu.memory_space<hbm>>) dst(%dma_wait3A_424 : memref<1024xf32, #tpu.memory_space<vmem>>)
    %dma_wait3A_428 = arith.constant 0 : i32
    %dma_wait3A_429 = arith.constant 0 : i32
    %dma_wait3A_430 = arith.constant 0 : i32
    %dma_wait3A_431 = tpu.memref_slice %arg6[%dma_wait3A_429, %dma_wait3A_430] : memref<64x1024xf32, #tpu.memory_space<vmem>> -> memref<1x1024xf32, #tpu.memory_space<vmem>>
    %dma_wait3A_432 = tpu.memref_squeeze %dma_wait3A_431 : memref<1x1024xf32, #tpu.memory_space<vmem>> -> memref<1024xf32, #tpu.memory_space<vmem>>
    %dma_wait3A_433 = arith.constant 0 : i32
    %dma_wait3A_434 = tpu.memref_slice %arg2[%dma_wait3A_428, %dma_wait3A_433] : memref<64x1024xf32, #tpu.memory_space<hbm>> -> memref<1x1024xf32, #tpu.memory_space<hbm>>
    %dma_wait3A_435 = tpu.memref_squeeze %dma_wait3A_434 : memref<1x1024xf32, #tpu.memory_space<hbm>> -> memref<1024xf32, #tpu.memory_space<hbm>>
    %dma_wait3A_436 = arith.constant 0 : i32
    %dma_wait3A_437 = tpu.memref_slice %arg6[%dma_wait3A_429, %dma_wait3A_436] : memref<64x1024xf32, #tpu.memory_space<vmem>> -> memref<1x1024xf32, #tpu.memory_space<vmem>>
    %dma_wait3A_438 = tpu.memref_squeeze %dma_wait3A_437 : memref<1x1024xf32, #tpu.memory_space<vmem>> -> memref<1024xf32, #tpu.memory_space<vmem>>
    %dma_wait3A_439 = arith.constant 0 : i32
    %dma_wait3A_440 = tpu.memref_slice %arg2[%dma_wait3A_428, %dma_wait3A_439] : memref<64x1024xf32, #tpu.memory_space<hbm>> -> memref<1x1024xf32, #tpu.memory_space<hbm>>
    %dma_wait3A_441 = tpu.memref_squeeze %dma_wait3A_440 : memref<1x1024xf32, #tpu.memory_space<hbm>> -> memref<1024xf32, #tpu.memory_space<hbm>>
    tpu.wait_dma2 semaphore(%arg8 : memref<!tpu.dma_semaphore, #tpu.memory_space<semaphore_mem>>) src(%dma_wait3A_441 : memref<1024xf32, #tpu.memory_space<hbm>>) dst(%dma_wait3A_438 : memref<1024xf32, #tpu.memory_space<vmem>>)
    %dma_wait3A_442 = arith.constant 0 : i32
    %dma_wait3A_443 = arith.constant 0 : i32
    %dma_wait3A_444 = arith.constant 0 : i32
    %dma_wait3A_445 = tpu.memref_slice %arg6[%dma_wait3A_443, %dma_wait3A_444] : memref<64x1024xf32, #tpu.memory_space<vmem>> -> memref<1x1024xf32, #tpu.memory_space<vmem>>
    %dma_wait3A_446 = tpu.memref_squeeze %dma_wait3A_445 : memref<1x1024xf32, #tpu.memory_space<vmem>> -> memref<1024xf32, #tpu.memory_space<vmem>>
    %dma_wait3A_447 = arith.constant 0 : i32
    %dma_wait3A_448 = tpu.memref_slice %arg2[%dma_wait3A_442, %dma_wait3A_447] : memref<64x1024xf32, #tpu.memory_space<hbm>> -> memref<1x1024xf32, #tpu.memory_space<hbm>>
    %dma_wait3A_449 = tpu.memref_squeeze %dma_wait3A_448 : memref<1x1024xf32, #tpu.memory_space<hbm>> -> memref<1024xf32, #tpu.memory_space<hbm>>
    %dma_wait3A_450 = arith.constant 0 : i32
    %dma_wait3A_451 = tpu.memref_slice %arg6[%dma_wait3A_443, %dma_wait3A_450] : memref<64x1024xf32, #tpu.memory_space<vmem>> -> memref<1x1024xf32, #tpu.memory_space<vmem>>
    %dma_wait3A_452 = tpu.memref_squeeze %dma_wait3A_451 : memref<1x1024xf32, #tpu.memory_space<vmem>> -> memref<1024xf32, #tpu.memory_space<vmem>>
    %dma_wait3A_453 = arith.constant 0 : i32
    %dma_wait3A_454 = tpu.memref_slice %arg2[%dma_wait3A_442, %dma_wait3A_453] : memref<64x1024xf32, #tpu.memory_space<hbm>> -> memref<1x1024xf32, #tpu.memory_space<hbm>>
    %dma_wait3A_455 = tpu.memref_squeeze %dma_wait3A_454 : memref<1x1024xf32, #tpu.memory_space<hbm>> -> memref<1024xf32, #tpu.memory_space<hbm>>
    tpu.wait_dma2 semaphore(%arg8 : memref<!tpu.dma_semaphore, #tpu.memory_space<semaphore_mem>>) src(%dma_wait3A_455 : memref<1024xf32, #tpu.memory_space<hbm>>) dst(%dma_wait3A_452 : memref<1024xf32, #tpu.memory_space<vmem>>)
    %dma_wait3A_456 = arith.constant 0 : i32
    %dma_wait3A_457 = arith.constant 0 : i32
    %dma_wait3A_458 = arith.constant 0 : i32
    %dma_wait3A_459 = tpu.memref_slice %arg6[%dma_wait3A_457, %dma_wait3A_458] : memref<64x1024xf32, #tpu.memory_space<vmem>> -> memref<1x1024xf32, #tpu.memory_space<vmem>>
    %dma_wait3A_460 = tpu.memref_squeeze %dma_wait3A_459 : memref<1x1024xf32, #tpu.memory_space<vmem>> -> memref<1024xf32, #tpu.memory_space<vmem>>
    %dma_wait3A_461 = arith.constant 0 : i32
    %dma_wait3A_462 = tpu.memref_slice %arg2[%dma_wait3A_456, %dma_wait3A_461] : memref<64x1024xf32, #tpu.memory_space<hbm>> -> memref<1x1024xf32, #tpu.memory_space<hbm>>
    %dma_wait3A_463 = tpu.memref_squeeze %dma_wait3A_462 : memref<1x1024xf32, #tpu.memory_space<hbm>> -> memref<1024xf32, #tpu.memory_space<hbm>>
    %dma_wait3A_464 = arith.constant 0 : i32
    %dma_wait3A_465 = tpu.memref_slice %arg6[%dma_wait3A_457, %dma_wait3A_464] : memref<64x1024xf32, #tpu.memory_space<vmem>> -> memref<1x1024xf32, #tpu.memory_space<vmem>>
    %dma_wait3A_466 = tpu.memref_squeeze %dma_wait3A_465 : memref<1x1024xf32, #tpu.memory_space<vmem>> -> memref<1024xf32, #tpu.memory_space<vmem>>
    %dma_wait3A_467 = arith.constant 0 : i32
    %dma_wait3A_468 = tpu.memref_slice %arg2[%dma_wait3A_456, %dma_wait3A_467] : memref<64x1024xf32, #tpu.memory_space<hbm>> -> memref<1x1024xf32, #tpu.memory_space<hbm>>
    %dma_wait3A_469 = tpu.memref_squeeze %dma_wait3A_468 : memref<1x1024xf32, #tpu.memory_space<hbm>> -> memref<1024xf32, #tpu.memory_space<hbm>>
    tpu.wait_dma2 semaphore(%arg8 : memref<!tpu.dma_semaphore, #tpu.memory_space<semaphore_mem>>) src(%dma_wait3A_469 : memref<1024xf32, #tpu.memory_space<hbm>>) dst(%dma_wait3A_466 : memref<1024xf32, #tpu.memory_space<vmem>>)
    %dma_wait3A_470 = arith.constant 0 : i32
    %dma_wait3A_471 = arith.constant 0 : i32
    %dma_wait3A_472 = arith.constant 0 : i32
    %dma_wait3A_473 = tpu.memref_slice %arg6[%dma_wait3A_471, %dma_wait3A_472] : memref<64x1024xf32, #tpu.memory_space<vmem>> -> memref<1x1024xf32, #tpu.memory_space<vmem>>
    %dma_wait3A_474 = tpu.memref_squeeze %dma_wait3A_473 : memref<1x1024xf32, #tpu.memory_space<vmem>> -> memref<1024xf32, #tpu.memory_space<vmem>>
    %dma_wait3A_475 = arith.constant 0 : i32
    %dma_wait3A_476 = tpu.memref_slice %arg2[%dma_wait3A_470, %dma_wait3A_475] : memref<64x1024xf32, #tpu.memory_space<hbm>> -> memref<1x1024xf32, #tpu.memory_space<hbm>>
    %dma_wait3A_477 = tpu.memref_squeeze %dma_wait3A_476 : memref<1x1024xf32, #tpu.memory_space<hbm>> -> memref<1024xf32, #tpu.memory_space<hbm>>
    %dma_wait3A_478 = arith.constant 0 : i32
    %dma_wait3A_479 = tpu.memref_slice %arg6[%dma_wait3A_471, %dma_wait3A_478] : memref<64x1024xf32, #tpu.memory_space<vmem>> -> memref<1x1024xf32, #tpu.memory_space<vmem>>
    %dma_wait3A_480 = tpu.memref_squeeze %dma_wait3A_479 : memref<1x1024xf32, #tpu.memory_space<vmem>> -> memref<1024xf32, #tpu.memory_space<vmem>>
    %dma_wait3A_481 = arith.constant 0 : i32
    %dma_wait3A_482 = tpu.memref_slice %arg2[%dma_wait3A_470, %dma_wait3A_481] : memref<64x1024xf32, #tpu.memory_space<hbm>> -> memref<1x1024xf32, #tpu.memory_space<hbm>>
    %dma_wait3A_483 = tpu.memref_squeeze %dma_wait3A_482 : memref<1x1024xf32, #tpu.memory_space<hbm>> -> memref<1024xf32, #tpu.memory_space<hbm>>
    tpu.wait_dma2 semaphore(%arg8 : memref<!tpu.dma_semaphore, #tpu.memory_space<semaphore_mem>>) src(%dma_wait3A_483 : memref<1024xf32, #tpu.memory_space<hbm>>) dst(%dma_wait3A_480 : memref<1024xf32, #tpu.memory_space<vmem>>)
    %dma_wait3A_484 = arith.constant 0 : i32
    %dma_wait3A_485 = arith.constant 0 : i32
    %dma_wait3A_486 = arith.constant 0 : i32
    %dma_wait3A_487 = tpu.memref_slice %arg6[%dma_wait3A_485, %dma_wait3A_486] : memref<64x1024xf32, #tpu.memory_space<vmem>> -> memref<1x1024xf32, #tpu.memory_space<vmem>>
    %dma_wait3A_488 = tpu.memref_squeeze %dma_wait3A_487 : memref<1x1024xf32, #tpu.memory_space<vmem>> -> memref<1024xf32, #tpu.memory_space<vmem>>
    %dma_wait3A_489 = arith.constant 0 : i32
    %dma_wait3A_490 = tpu.memref_slice %arg2[%dma_wait3A_484, %dma_wait3A_489] : memref<64x1024xf32, #tpu.memory_space<hbm>> -> memref<1x1024xf32, #tpu.memory_space<hbm>>
    %dma_wait3A_491 = tpu.memref_squeeze %dma_wait3A_490 : memref<1x1024xf32, #tpu.memory_space<hbm>> -> memref<1024xf32, #tpu.memory_space<hbm>>
    %dma_wait3A_492 = arith.constant 0 : i32
    %dma_wait3A_493 = tpu.memref_slice %arg6[%dma_wait3A_485, %dma_wait3A_492] : memref<64x1024xf32, #tpu.memory_space<vmem>> -> memref<1x1024xf32, #tpu.memory_space<vmem>>
    %dma_wait3A_494 = tpu.memref_squeeze %dma_wait3A_493 : memref<1x1024xf32, #tpu.memory_space<vmem>> -> memref<1024xf32, #tpu.memory_space<vmem>>
    %dma_wait3A_495 = arith.constant 0 : i32
    %dma_wait3A_496 = tpu.memref_slice %arg2[%dma_wait3A_484, %dma_wait3A_495] : memref<64x1024xf32, #tpu.memory_space<hbm>> -> memref<1x1024xf32, #tpu.memory_space<hbm>>
    %dma_wait3A_497 = tpu.memref_squeeze %dma_wait3A_496 : memref<1x1024xf32, #tpu.memory_space<hbm>> -> memref<1024xf32, #tpu.memory_space<hbm>>
    tpu.wait_dma2 semaphore(%arg8 : memref<!tpu.dma_semaphore, #tpu.memory_space<semaphore_mem>>) src(%dma_wait3A_497 : memref<1024xf32, #tpu.memory_space<hbm>>) dst(%dma_wait3A_494 : memref<1024xf32, #tpu.memory_space<vmem>>)
    return
  }
}

module attributes {stable_mosaic.version = 14 : i64} {
  func.func @_mean_body(%arg0: memref<64x1024xf32, #tpu.memory_space<vmem>>, %arg1: memref<4x2048xi32, #tpu.memory_space<vmem>>, %arg2: memref<4x2048xf32, #tpu.memory_space<vmem>>) attributes {dimension_semantics = [], scalar_prefetch = 0 : i64, scratch_operands = 0 : i64, tpu.core_type = #tpu.core_type<tc>} {
    %get3A = arith.constant 0 : index
    %get3A_0 = arith.constant 0 : index
    %get3A_1 = vector.load %arg0[%get3A, %get3A_0] : memref<64x1024xf32, #tpu.memory_space<vmem>>, vector<64x1024xf32>
    %reduce_sum3A = arith.constant dense<0.000000e+00> : vector<64xf32>
    %reduce_sum3A_2 = vector.multi_reduction <add>, %get3A_1, %reduce_sum3A [1] : vector<64x1024xf32> to vector<64xf32>
    %broadcast_in_dim3A = vector.shape_cast %reduce_sum3A_2 : vector<64xf32> to vector<64x1xf32>
    %div3A = arith.constant 1.024000e+03 : f32
    %div3A_3 = vector.broadcast %div3A : f32 to vector<64x1xf32>
    %div3A_4 = arith.divf %broadcast_in_dim3A, %div3A_3 : vector<64x1xf32>
    %get3A_5 = arith.constant 0 : index
    %get3A_6 = arith.constant 0 : index
    %get3A_7 = vector.load %arg1[%get3A_5, %get3A_6] : memref<4x2048xi32, #tpu.memory_space<vmem>>, vector<4x2048xi32>
    %broadcast_in_dim3A_8 = arith.constant 0.000000e+00 : f32
    %broadcast_in_dim3A_9 = vector.broadcast %broadcast_in_dim3A_8 : f32 to vector<4x2048xf32>
    %eq3A = arith.constant 0 : i32
    %eq3A_10 = vector.broadcast %eq3A : i32 to vector<4x2048xi32>
    %eq3A_11 = arith.cmpi eq, %get3A_7, %eq3A_10 : vector<4x2048xi32>
    %slice3A = vector.extract_strided_slice %div3A_4 {offsets = [0, 0], sizes = [1, 1], strides = [1, 1]} : vector<64x1xf32> to vector<1x1xf32>
    %squeeze3A = vector.extract %slice3A[0, 0] : f32 from vector<1x1xf32>
    %jit3A = arith.constant 0.000000e+00 : f32
    %broadcast_in_dim3A_12 = vector.broadcast %squeeze3A : f32 to vector<4x2048xf32>
    %broadcast_in_dim3A_13 = vector.broadcast %jit3A : f32 to vector<4x2048xf32>
    %select_n3A = arith.select %eq3A_11, %broadcast_in_dim3A_12, %broadcast_in_dim3A_13 : vector<4x2048xi1>, vector<4x2048xf32>
    %add3A = arith.addf %broadcast_in_dim3A_9, %select_n3A : vector<4x2048xf32>
    %eq3A_14 = arith.constant 1 : i32
    %eq3A_15 = vector.broadcast %eq3A_14 : i32 to vector<4x2048xi32>
    %eq3A_16 = arith.cmpi eq, %get3A_7, %eq3A_15 : vector<4x2048xi32>
    %slice3A_17 = vector.extract_strided_slice %div3A_4 {offsets = [1, 0], sizes = [1, 1], strides = [1, 1]} : vector<64x1xf32> to vector<1x1xf32>
    %squeeze3A_18 = vector.extract %slice3A_17[0, 0] : f32 from vector<1x1xf32>
    %jit3A_19 = arith.constant 0.000000e+00 : f32
    %broadcast_in_dim3A_20 = vector.broadcast %squeeze3A_18 : f32 to vector<4x2048xf32>
    %broadcast_in_dim3A_21 = vector.broadcast %jit3A_19 : f32 to vector<4x2048xf32>
    %select_n3A_22 = arith.select %eq3A_16, %broadcast_in_dim3A_20, %broadcast_in_dim3A_21 : vector<4x2048xi1>, vector<4x2048xf32>
    %add3A_23 = arith.addf %add3A, %select_n3A_22 : vector<4x2048xf32>
    %eq3A_24 = arith.constant 2 : i32
    %eq3A_25 = vector.broadcast %eq3A_24 : i32 to vector<4x2048xi32>
    %eq3A_26 = arith.cmpi eq, %get3A_7, %eq3A_25 : vector<4x2048xi32>
    %slice3A_27 = vector.extract_strided_slice %div3A_4 {offsets = [2, 0], sizes = [1, 1], strides = [1, 1]} : vector<64x1xf32> to vector<1x1xf32>
    %squeeze3A_28 = vector.extract %slice3A_27[0, 0] : f32 from vector<1x1xf32>
    %jit3A_29 = arith.constant 0.000000e+00 : f32
    %broadcast_in_dim3A_30 = vector.broadcast %squeeze3A_28 : f32 to vector<4x2048xf32>
    %broadcast_in_dim3A_31 = vector.broadcast %jit3A_29 : f32 to vector<4x2048xf32>
    %select_n3A_32 = arith.select %eq3A_26, %broadcast_in_dim3A_30, %broadcast_in_dim3A_31 : vector<4x2048xi1>, vector<4x2048xf32>
    %add3A_33 = arith.addf %add3A_23, %select_n3A_32 : vector<4x2048xf32>
    %eq3A_34 = arith.constant 3 : i32
    %eq3A_35 = vector.broadcast %eq3A_34 : i32 to vector<4x2048xi32>
    %eq3A_36 = arith.cmpi eq, %get3A_7, %eq3A_35 : vector<4x2048xi32>
    %slice3A_37 = vector.extract_strided_slice %div3A_4 {offsets = [3, 0], sizes = [1, 1], strides = [1, 1]} : vector<64x1xf32> to vector<1x1xf32>
    %squeeze3A_38 = vector.extract %slice3A_37[0, 0] : f32 from vector<1x1xf32>
    %jit3A_39 = arith.constant 0.000000e+00 : f32
    %broadcast_in_dim3A_40 = vector.broadcast %squeeze3A_38 : f32 to vector<4x2048xf32>
    %broadcast_in_dim3A_41 = vector.broadcast %jit3A_39 : f32 to vector<4x2048xf32>
    %select_n3A_42 = arith.select %eq3A_36, %broadcast_in_dim3A_40, %broadcast_in_dim3A_41 : vector<4x2048xi1>, vector<4x2048xf32>
    %add3A_43 = arith.addf %add3A_33, %select_n3A_42 : vector<4x2048xf32>
    %eq3A_44 = arith.constant 4 : i32
    %eq3A_45 = vector.broadcast %eq3A_44 : i32 to vector<4x2048xi32>
    %eq3A_46 = arith.cmpi eq, %get3A_7, %eq3A_45 : vector<4x2048xi32>
    %slice3A_47 = vector.extract_strided_slice %div3A_4 {offsets = [4, 0], sizes = [1, 1], strides = [1, 1]} : vector<64x1xf32> to vector<1x1xf32>
    %squeeze3A_48 = vector.extract %slice3A_47[0, 0] : f32 from vector<1x1xf32>
    %jit3A_49 = arith.constant 0.000000e+00 : f32
    %broadcast_in_dim3A_50 = vector.broadcast %squeeze3A_48 : f32 to vector<4x2048xf32>
    %broadcast_in_dim3A_51 = vector.broadcast %jit3A_49 : f32 to vector<4x2048xf32>
    %select_n3A_52 = arith.select %eq3A_46, %broadcast_in_dim3A_50, %broadcast_in_dim3A_51 : vector<4x2048xi1>, vector<4x2048xf32>
    %add3A_53 = arith.addf %add3A_43, %select_n3A_52 : vector<4x2048xf32>
    %eq3A_54 = arith.constant 5 : i32
    %eq3A_55 = vector.broadcast %eq3A_54 : i32 to vector<4x2048xi32>
    %eq3A_56 = arith.cmpi eq, %get3A_7, %eq3A_55 : vector<4x2048xi32>
    %slice3A_57 = vector.extract_strided_slice %div3A_4 {offsets = [5, 0], sizes = [1, 1], strides = [1, 1]} : vector<64x1xf32> to vector<1x1xf32>
    %squeeze3A_58 = vector.extract %slice3A_57[0, 0] : f32 from vector<1x1xf32>
    %jit3A_59 = arith.constant 0.000000e+00 : f32
    %broadcast_in_dim3A_60 = vector.broadcast %squeeze3A_58 : f32 to vector<4x2048xf32>
    %broadcast_in_dim3A_61 = vector.broadcast %jit3A_59 : f32 to vector<4x2048xf32>
    %select_n3A_62 = arith.select %eq3A_56, %broadcast_in_dim3A_60, %broadcast_in_dim3A_61 : vector<4x2048xi1>, vector<4x2048xf32>
    %add3A_63 = arith.addf %add3A_53, %select_n3A_62 : vector<4x2048xf32>
    %eq3A_64 = arith.constant 6 : i32
    %eq3A_65 = vector.broadcast %eq3A_64 : i32 to vector<4x2048xi32>
    %eq3A_66 = arith.cmpi eq, %get3A_7, %eq3A_65 : vector<4x2048xi32>
    %slice3A_67 = vector.extract_strided_slice %div3A_4 {offsets = [6, 0], sizes = [1, 1], strides = [1, 1]} : vector<64x1xf32> to vector<1x1xf32>
    %squeeze3A_68 = vector.extract %slice3A_67[0, 0] : f32 from vector<1x1xf32>
    %jit3A_69 = arith.constant 0.000000e+00 : f32
    %broadcast_in_dim3A_70 = vector.broadcast %squeeze3A_68 : f32 to vector<4x2048xf32>
    %broadcast_in_dim3A_71 = vector.broadcast %jit3A_69 : f32 to vector<4x2048xf32>
    %select_n3A_72 = arith.select %eq3A_66, %broadcast_in_dim3A_70, %broadcast_in_dim3A_71 : vector<4x2048xi1>, vector<4x2048xf32>
    %add3A_73 = arith.addf %add3A_63, %select_n3A_72 : vector<4x2048xf32>
    %eq3A_74 = arith.constant 7 : i32
    %eq3A_75 = vector.broadcast %eq3A_74 : i32 to vector<4x2048xi32>
    %eq3A_76 = arith.cmpi eq, %get3A_7, %eq3A_75 : vector<4x2048xi32>
    %slice3A_77 = vector.extract_strided_slice %div3A_4 {offsets = [7, 0], sizes = [1, 1], strides = [1, 1]} : vector<64x1xf32> to vector<1x1xf32>
    %squeeze3A_78 = vector.extract %slice3A_77[0, 0] : f32 from vector<1x1xf32>
    %jit3A_79 = arith.constant 0.000000e+00 : f32
    %broadcast_in_dim3A_80 = vector.broadcast %squeeze3A_78 : f32 to vector<4x2048xf32>
    %broadcast_in_dim3A_81 = vector.broadcast %jit3A_79 : f32 to vector<4x2048xf32>
    %select_n3A_82 = arith.select %eq3A_76, %broadcast_in_dim3A_80, %broadcast_in_dim3A_81 : vector<4x2048xi1>, vector<4x2048xf32>
    %add3A_83 = arith.addf %add3A_73, %select_n3A_82 : vector<4x2048xf32>
    %eq3A_84 = arith.constant 8 : i32
    %eq3A_85 = vector.broadcast %eq3A_84 : i32 to vector<4x2048xi32>
    %eq3A_86 = arith.cmpi eq, %get3A_7, %eq3A_85 : vector<4x2048xi32>
    %slice3A_87 = vector.extract_strided_slice %div3A_4 {offsets = [8, 0], sizes = [1, 1], strides = [1, 1]} : vector<64x1xf32> to vector<1x1xf32>
    %squeeze3A_88 = vector.extract %slice3A_87[0, 0] : f32 from vector<1x1xf32>
    %jit3A_89 = arith.constant 0.000000e+00 : f32
    %broadcast_in_dim3A_90 = vector.broadcast %squeeze3A_88 : f32 to vector<4x2048xf32>
    %broadcast_in_dim3A_91 = vector.broadcast %jit3A_89 : f32 to vector<4x2048xf32>
    %select_n3A_92 = arith.select %eq3A_86, %broadcast_in_dim3A_90, %broadcast_in_dim3A_91 : vector<4x2048xi1>, vector<4x2048xf32>
    %add3A_93 = arith.addf %add3A_83, %select_n3A_92 : vector<4x2048xf32>
    %eq3A_94 = arith.constant 9 : i32
    %eq3A_95 = vector.broadcast %eq3A_94 : i32 to vector<4x2048xi32>
    %eq3A_96 = arith.cmpi eq, %get3A_7, %eq3A_95 : vector<4x2048xi32>
    %slice3A_97 = vector.extract_strided_slice %div3A_4 {offsets = [9, 0], sizes = [1, 1], strides = [1, 1]} : vector<64x1xf32> to vector<1x1xf32>
    %squeeze3A_98 = vector.extract %slice3A_97[0, 0] : f32 from vector<1x1xf32>
    %jit3A_99 = arith.constant 0.000000e+00 : f32
    %broadcast_in_dim3A_100 = vector.broadcast %squeeze3A_98 : f32 to vector<4x2048xf32>
    %broadcast_in_dim3A_101 = vector.broadcast %jit3A_99 : f32 to vector<4x2048xf32>
    %select_n3A_102 = arith.select %eq3A_96, %broadcast_in_dim3A_100, %broadcast_in_dim3A_101 : vector<4x2048xi1>, vector<4x2048xf32>
    %add3A_103 = arith.addf %add3A_93, %select_n3A_102 : vector<4x2048xf32>
    %eq3A_104 = arith.constant 10 : i32
    %eq3A_105 = vector.broadcast %eq3A_104 : i32 to vector<4x2048xi32>
    %eq3A_106 = arith.cmpi eq, %get3A_7, %eq3A_105 : vector<4x2048xi32>
    %slice3A_107 = vector.extract_strided_slice %div3A_4 {offsets = [10, 0], sizes = [1, 1], strides = [1, 1]} : vector<64x1xf32> to vector<1x1xf32>
    %squeeze3A_108 = vector.extract %slice3A_107[0, 0] : f32 from vector<1x1xf32>
    %jit3A_109 = arith.constant 0.000000e+00 : f32
    %broadcast_in_dim3A_110 = vector.broadcast %squeeze3A_108 : f32 to vector<4x2048xf32>
    %broadcast_in_dim3A_111 = vector.broadcast %jit3A_109 : f32 to vector<4x2048xf32>
    %select_n3A_112 = arith.select %eq3A_106, %broadcast_in_dim3A_110, %broadcast_in_dim3A_111 : vector<4x2048xi1>, vector<4x2048xf32>
    %add3A_113 = arith.addf %add3A_103, %select_n3A_112 : vector<4x2048xf32>
    %eq3A_114 = arith.constant 11 : i32
    %eq3A_115 = vector.broadcast %eq3A_114 : i32 to vector<4x2048xi32>
    %eq3A_116 = arith.cmpi eq, %get3A_7, %eq3A_115 : vector<4x2048xi32>
    %slice3A_117 = vector.extract_strided_slice %div3A_4 {offsets = [11, 0], sizes = [1, 1], strides = [1, 1]} : vector<64x1xf32> to vector<1x1xf32>
    %squeeze3A_118 = vector.extract %slice3A_117[0, 0] : f32 from vector<1x1xf32>
    %jit3A_119 = arith.constant 0.000000e+00 : f32
    %broadcast_in_dim3A_120 = vector.broadcast %squeeze3A_118 : f32 to vector<4x2048xf32>
    %broadcast_in_dim3A_121 = vector.broadcast %jit3A_119 : f32 to vector<4x2048xf32>
    %select_n3A_122 = arith.select %eq3A_116, %broadcast_in_dim3A_120, %broadcast_in_dim3A_121 : vector<4x2048xi1>, vector<4x2048xf32>
    %add3A_123 = arith.addf %add3A_113, %select_n3A_122 : vector<4x2048xf32>
    %eq3A_124 = arith.constant 12 : i32
    %eq3A_125 = vector.broadcast %eq3A_124 : i32 to vector<4x2048xi32>
    %eq3A_126 = arith.cmpi eq, %get3A_7, %eq3A_125 : vector<4x2048xi32>
    %slice3A_127 = vector.extract_strided_slice %div3A_4 {offsets = [12, 0], sizes = [1, 1], strides = [1, 1]} : vector<64x1xf32> to vector<1x1xf32>
    %squeeze3A_128 = vector.extract %slice3A_127[0, 0] : f32 from vector<1x1xf32>
    %jit3A_129 = arith.constant 0.000000e+00 : f32
    %broadcast_in_dim3A_130 = vector.broadcast %squeeze3A_128 : f32 to vector<4x2048xf32>
    %broadcast_in_dim3A_131 = vector.broadcast %jit3A_129 : f32 to vector<4x2048xf32>
    %select_n3A_132 = arith.select %eq3A_126, %broadcast_in_dim3A_130, %broadcast_in_dim3A_131 : vector<4x2048xi1>, vector<4x2048xf32>
    %add3A_133 = arith.addf %add3A_123, %select_n3A_132 : vector<4x2048xf32>
    %eq3A_134 = arith.constant 13 : i32
    %eq3A_135 = vector.broadcast %eq3A_134 : i32 to vector<4x2048xi32>
    %eq3A_136 = arith.cmpi eq, %get3A_7, %eq3A_135 : vector<4x2048xi32>
    %slice3A_137 = vector.extract_strided_slice %div3A_4 {offsets = [13, 0], sizes = [1, 1], strides = [1, 1]} : vector<64x1xf32> to vector<1x1xf32>
    %squeeze3A_138 = vector.extract %slice3A_137[0, 0] : f32 from vector<1x1xf32>
    %jit3A_139 = arith.constant 0.000000e+00 : f32
    %broadcast_in_dim3A_140 = vector.broadcast %squeeze3A_138 : f32 to vector<4x2048xf32>
    %broadcast_in_dim3A_141 = vector.broadcast %jit3A_139 : f32 to vector<4x2048xf32>
    %select_n3A_142 = arith.select %eq3A_136, %broadcast_in_dim3A_140, %broadcast_in_dim3A_141 : vector<4x2048xi1>, vector<4x2048xf32>
    %add3A_143 = arith.addf %add3A_133, %select_n3A_142 : vector<4x2048xf32>
    %eq3A_144 = arith.constant 14 : i32
    %eq3A_145 = vector.broadcast %eq3A_144 : i32 to vector<4x2048xi32>
    %eq3A_146 = arith.cmpi eq, %get3A_7, %eq3A_145 : vector<4x2048xi32>
    %slice3A_147 = vector.extract_strided_slice %div3A_4 {offsets = [14, 0], sizes = [1, 1], strides = [1, 1]} : vector<64x1xf32> to vector<1x1xf32>
    %squeeze3A_148 = vector.extract %slice3A_147[0, 0] : f32 from vector<1x1xf32>
    %jit3A_149 = arith.constant 0.000000e+00 : f32
    %broadcast_in_dim3A_150 = vector.broadcast %squeeze3A_148 : f32 to vector<4x2048xf32>
    %broadcast_in_dim3A_151 = vector.broadcast %jit3A_149 : f32 to vector<4x2048xf32>
    %select_n3A_152 = arith.select %eq3A_146, %broadcast_in_dim3A_150, %broadcast_in_dim3A_151 : vector<4x2048xi1>, vector<4x2048xf32>
    %add3A_153 = arith.addf %add3A_143, %select_n3A_152 : vector<4x2048xf32>
    %eq3A_154 = arith.constant 15 : i32
    %eq3A_155 = vector.broadcast %eq3A_154 : i32 to vector<4x2048xi32>
    %eq3A_156 = arith.cmpi eq, %get3A_7, %eq3A_155 : vector<4x2048xi32>
    %slice3A_157 = vector.extract_strided_slice %div3A_4 {offsets = [15, 0], sizes = [1, 1], strides = [1, 1]} : vector<64x1xf32> to vector<1x1xf32>
    %squeeze3A_158 = vector.extract %slice3A_157[0, 0] : f32 from vector<1x1xf32>
    %jit3A_159 = arith.constant 0.000000e+00 : f32
    %broadcast_in_dim3A_160 = vector.broadcast %squeeze3A_158 : f32 to vector<4x2048xf32>
    %broadcast_in_dim3A_161 = vector.broadcast %jit3A_159 : f32 to vector<4x2048xf32>
    %select_n3A_162 = arith.select %eq3A_156, %broadcast_in_dim3A_160, %broadcast_in_dim3A_161 : vector<4x2048xi1>, vector<4x2048xf32>
    %add3A_163 = arith.addf %add3A_153, %select_n3A_162 : vector<4x2048xf32>
    %eq3A_164 = arith.constant 16 : i32
    %eq3A_165 = vector.broadcast %eq3A_164 : i32 to vector<4x2048xi32>
    %eq3A_166 = arith.cmpi eq, %get3A_7, %eq3A_165 : vector<4x2048xi32>
    %slice3A_167 = vector.extract_strided_slice %div3A_4 {offsets = [16, 0], sizes = [1, 1], strides = [1, 1]} : vector<64x1xf32> to vector<1x1xf32>
    %squeeze3A_168 = vector.extract %slice3A_167[0, 0] : f32 from vector<1x1xf32>
    %jit3A_169 = arith.constant 0.000000e+00 : f32
    %broadcast_in_dim3A_170 = vector.broadcast %squeeze3A_168 : f32 to vector<4x2048xf32>
    %broadcast_in_dim3A_171 = vector.broadcast %jit3A_169 : f32 to vector<4x2048xf32>
    %select_n3A_172 = arith.select %eq3A_166, %broadcast_in_dim3A_170, %broadcast_in_dim3A_171 : vector<4x2048xi1>, vector<4x2048xf32>
    %add3A_173 = arith.addf %add3A_163, %select_n3A_172 : vector<4x2048xf32>
    %eq3A_174 = arith.constant 17 : i32
    %eq3A_175 = vector.broadcast %eq3A_174 : i32 to vector<4x2048xi32>
    %eq3A_176 = arith.cmpi eq, %get3A_7, %eq3A_175 : vector<4x2048xi32>
    %slice3A_177 = vector.extract_strided_slice %div3A_4 {offsets = [17, 0], sizes = [1, 1], strides = [1, 1]} : vector<64x1xf32> to vector<1x1xf32>
    %squeeze3A_178 = vector.extract %slice3A_177[0, 0] : f32 from vector<1x1xf32>
    %jit3A_179 = arith.constant 0.000000e+00 : f32
    %broadcast_in_dim3A_180 = vector.broadcast %squeeze3A_178 : f32 to vector<4x2048xf32>
    %broadcast_in_dim3A_181 = vector.broadcast %jit3A_179 : f32 to vector<4x2048xf32>
    %select_n3A_182 = arith.select %eq3A_176, %broadcast_in_dim3A_180, %broadcast_in_dim3A_181 : vector<4x2048xi1>, vector<4x2048xf32>
    %add3A_183 = arith.addf %add3A_173, %select_n3A_182 : vector<4x2048xf32>
    %eq3A_184 = arith.constant 18 : i32
    %eq3A_185 = vector.broadcast %eq3A_184 : i32 to vector<4x2048xi32>
    %eq3A_186 = arith.cmpi eq, %get3A_7, %eq3A_185 : vector<4x2048xi32>
    %slice3A_187 = vector.extract_strided_slice %div3A_4 {offsets = [18, 0], sizes = [1, 1], strides = [1, 1]} : vector<64x1xf32> to vector<1x1xf32>
    %squeeze3A_188 = vector.extract %slice3A_187[0, 0] : f32 from vector<1x1xf32>
    %jit3A_189 = arith.constant 0.000000e+00 : f32
    %broadcast_in_dim3A_190 = vector.broadcast %squeeze3A_188 : f32 to vector<4x2048xf32>
    %broadcast_in_dim3A_191 = vector.broadcast %jit3A_189 : f32 to vector<4x2048xf32>
    %select_n3A_192 = arith.select %eq3A_186, %broadcast_in_dim3A_190, %broadcast_in_dim3A_191 : vector<4x2048xi1>, vector<4x2048xf32>
    %add3A_193 = arith.addf %add3A_183, %select_n3A_192 : vector<4x2048xf32>
    %eq3A_194 = arith.constant 19 : i32
    %eq3A_195 = vector.broadcast %eq3A_194 : i32 to vector<4x2048xi32>
    %eq3A_196 = arith.cmpi eq, %get3A_7, %eq3A_195 : vector<4x2048xi32>
    %slice3A_197 = vector.extract_strided_slice %div3A_4 {offsets = [19, 0], sizes = [1, 1], strides = [1, 1]} : vector<64x1xf32> to vector<1x1xf32>
    %squeeze3A_198 = vector.extract %slice3A_197[0, 0] : f32 from vector<1x1xf32>
    %jit3A_199 = arith.constant 0.000000e+00 : f32
    %broadcast_in_dim3A_200 = vector.broadcast %squeeze3A_198 : f32 to vector<4x2048xf32>
    %broadcast_in_dim3A_201 = vector.broadcast %jit3A_199 : f32 to vector<4x2048xf32>
    %select_n3A_202 = arith.select %eq3A_196, %broadcast_in_dim3A_200, %broadcast_in_dim3A_201 : vector<4x2048xi1>, vector<4x2048xf32>
    %add3A_203 = arith.addf %add3A_193, %select_n3A_202 : vector<4x2048xf32>
    %eq3A_204 = arith.constant 20 : i32
    %eq3A_205 = vector.broadcast %eq3A_204 : i32 to vector<4x2048xi32>
    %eq3A_206 = arith.cmpi eq, %get3A_7, %eq3A_205 : vector<4x2048xi32>
    %slice3A_207 = vector.extract_strided_slice %div3A_4 {offsets = [20, 0], sizes = [1, 1], strides = [1, 1]} : vector<64x1xf32> to vector<1x1xf32>
    %squeeze3A_208 = vector.extract %slice3A_207[0, 0] : f32 from vector<1x1xf32>
    %jit3A_209 = arith.constant 0.000000e+00 : f32
    %broadcast_in_dim3A_210 = vector.broadcast %squeeze3A_208 : f32 to vector<4x2048xf32>
    %broadcast_in_dim3A_211 = vector.broadcast %jit3A_209 : f32 to vector<4x2048xf32>
    %select_n3A_212 = arith.select %eq3A_206, %broadcast_in_dim3A_210, %broadcast_in_dim3A_211 : vector<4x2048xi1>, vector<4x2048xf32>
    %add3A_213 = arith.addf %add3A_203, %select_n3A_212 : vector<4x2048xf32>
    %eq3A_214 = arith.constant 21 : i32
    %eq3A_215 = vector.broadcast %eq3A_214 : i32 to vector<4x2048xi32>
    %eq3A_216 = arith.cmpi eq, %get3A_7, %eq3A_215 : vector<4x2048xi32>
    %slice3A_217 = vector.extract_strided_slice %div3A_4 {offsets = [21, 0], sizes = [1, 1], strides = [1, 1]} : vector<64x1xf32> to vector<1x1xf32>
    %squeeze3A_218 = vector.extract %slice3A_217[0, 0] : f32 from vector<1x1xf32>
    %jit3A_219 = arith.constant 0.000000e+00 : f32
    %broadcast_in_dim3A_220 = vector.broadcast %squeeze3A_218 : f32 to vector<4x2048xf32>
    %broadcast_in_dim3A_221 = vector.broadcast %jit3A_219 : f32 to vector<4x2048xf32>
    %select_n3A_222 = arith.select %eq3A_216, %broadcast_in_dim3A_220, %broadcast_in_dim3A_221 : vector<4x2048xi1>, vector<4x2048xf32>
    %add3A_223 = arith.addf %add3A_213, %select_n3A_222 : vector<4x2048xf32>
    %eq3A_224 = arith.constant 22 : i32
    %eq3A_225 = vector.broadcast %eq3A_224 : i32 to vector<4x2048xi32>
    %eq3A_226 = arith.cmpi eq, %get3A_7, %eq3A_225 : vector<4x2048xi32>
    %slice3A_227 = vector.extract_strided_slice %div3A_4 {offsets = [22, 0], sizes = [1, 1], strides = [1, 1]} : vector<64x1xf32> to vector<1x1xf32>
    %squeeze3A_228 = vector.extract %slice3A_227[0, 0] : f32 from vector<1x1xf32>
    %jit3A_229 = arith.constant 0.000000e+00 : f32
    %broadcast_in_dim3A_230 = vector.broadcast %squeeze3A_228 : f32 to vector<4x2048xf32>
    %broadcast_in_dim3A_231 = vector.broadcast %jit3A_229 : f32 to vector<4x2048xf32>
    %select_n3A_232 = arith.select %eq3A_226, %broadcast_in_dim3A_230, %broadcast_in_dim3A_231 : vector<4x2048xi1>, vector<4x2048xf32>
    %add3A_233 = arith.addf %add3A_223, %select_n3A_232 : vector<4x2048xf32>
    %eq3A_234 = arith.constant 23 : i32
    %eq3A_235 = vector.broadcast %eq3A_234 : i32 to vector<4x2048xi32>
    %eq3A_236 = arith.cmpi eq, %get3A_7, %eq3A_235 : vector<4x2048xi32>
    %slice3A_237 = vector.extract_strided_slice %div3A_4 {offsets = [23, 0], sizes = [1, 1], strides = [1, 1]} : vector<64x1xf32> to vector<1x1xf32>
    %squeeze3A_238 = vector.extract %slice3A_237[0, 0] : f32 from vector<1x1xf32>
    %jit3A_239 = arith.constant 0.000000e+00 : f32
    %broadcast_in_dim3A_240 = vector.broadcast %squeeze3A_238 : f32 to vector<4x2048xf32>
    %broadcast_in_dim3A_241 = vector.broadcast %jit3A_239 : f32 to vector<4x2048xf32>
    %select_n3A_242 = arith.select %eq3A_236, %broadcast_in_dim3A_240, %broadcast_in_dim3A_241 : vector<4x2048xi1>, vector<4x2048xf32>
    %add3A_243 = arith.addf %add3A_233, %select_n3A_242 : vector<4x2048xf32>
    %eq3A_244 = arith.constant 24 : i32
    %eq3A_245 = vector.broadcast %eq3A_244 : i32 to vector<4x2048xi32>
    %eq3A_246 = arith.cmpi eq, %get3A_7, %eq3A_245 : vector<4x2048xi32>
    %slice3A_247 = vector.extract_strided_slice %div3A_4 {offsets = [24, 0], sizes = [1, 1], strides = [1, 1]} : vector<64x1xf32> to vector<1x1xf32>
    %squeeze3A_248 = vector.extract %slice3A_247[0, 0] : f32 from vector<1x1xf32>
    %jit3A_249 = arith.constant 0.000000e+00 : f32
    %broadcast_in_dim3A_250 = vector.broadcast %squeeze3A_248 : f32 to vector<4x2048xf32>
    %broadcast_in_dim3A_251 = vector.broadcast %jit3A_249 : f32 to vector<4x2048xf32>
    %select_n3A_252 = arith.select %eq3A_246, %broadcast_in_dim3A_250, %broadcast_in_dim3A_251 : vector<4x2048xi1>, vector<4x2048xf32>
    %add3A_253 = arith.addf %add3A_243, %select_n3A_252 : vector<4x2048xf32>
    %eq3A_254 = arith.constant 25 : i32
    %eq3A_255 = vector.broadcast %eq3A_254 : i32 to vector<4x2048xi32>
    %eq3A_256 = arith.cmpi eq, %get3A_7, %eq3A_255 : vector<4x2048xi32>
    %slice3A_257 = vector.extract_strided_slice %div3A_4 {offsets = [25, 0], sizes = [1, 1], strides = [1, 1]} : vector<64x1xf32> to vector<1x1xf32>
    %squeeze3A_258 = vector.extract %slice3A_257[0, 0] : f32 from vector<1x1xf32>
    %jit3A_259 = arith.constant 0.000000e+00 : f32
    %broadcast_in_dim3A_260 = vector.broadcast %squeeze3A_258 : f32 to vector<4x2048xf32>
    %broadcast_in_dim3A_261 = vector.broadcast %jit3A_259 : f32 to vector<4x2048xf32>
    %select_n3A_262 = arith.select %eq3A_256, %broadcast_in_dim3A_260, %broadcast_in_dim3A_261 : vector<4x2048xi1>, vector<4x2048xf32>
    %add3A_263 = arith.addf %add3A_253, %select_n3A_262 : vector<4x2048xf32>
    %eq3A_264 = arith.constant 26 : i32
    %eq3A_265 = vector.broadcast %eq3A_264 : i32 to vector<4x2048xi32>
    %eq3A_266 = arith.cmpi eq, %get3A_7, %eq3A_265 : vector<4x2048xi32>
    %slice3A_267 = vector.extract_strided_slice %div3A_4 {offsets = [26, 0], sizes = [1, 1], strides = [1, 1]} : vector<64x1xf32> to vector<1x1xf32>
    %squeeze3A_268 = vector.extract %slice3A_267[0, 0] : f32 from vector<1x1xf32>
    %jit3A_269 = arith.constant 0.000000e+00 : f32
    %broadcast_in_dim3A_270 = vector.broadcast %squeeze3A_268 : f32 to vector<4x2048xf32>
    %broadcast_in_dim3A_271 = vector.broadcast %jit3A_269 : f32 to vector<4x2048xf32>
    %select_n3A_272 = arith.select %eq3A_266, %broadcast_in_dim3A_270, %broadcast_in_dim3A_271 : vector<4x2048xi1>, vector<4x2048xf32>
    %add3A_273 = arith.addf %add3A_263, %select_n3A_272 : vector<4x2048xf32>
    %eq3A_274 = arith.constant 27 : i32
    %eq3A_275 = vector.broadcast %eq3A_274 : i32 to vector<4x2048xi32>
    %eq3A_276 = arith.cmpi eq, %get3A_7, %eq3A_275 : vector<4x2048xi32>
    %slice3A_277 = vector.extract_strided_slice %div3A_4 {offsets = [27, 0], sizes = [1, 1], strides = [1, 1]} : vector<64x1xf32> to vector<1x1xf32>
    %squeeze3A_278 = vector.extract %slice3A_277[0, 0] : f32 from vector<1x1xf32>
    %jit3A_279 = arith.constant 0.000000e+00 : f32
    %broadcast_in_dim3A_280 = vector.broadcast %squeeze3A_278 : f32 to vector<4x2048xf32>
    %broadcast_in_dim3A_281 = vector.broadcast %jit3A_279 : f32 to vector<4x2048xf32>
    %select_n3A_282 = arith.select %eq3A_276, %broadcast_in_dim3A_280, %broadcast_in_dim3A_281 : vector<4x2048xi1>, vector<4x2048xf32>
    %add3A_283 = arith.addf %add3A_273, %select_n3A_282 : vector<4x2048xf32>
    %eq3A_284 = arith.constant 28 : i32
    %eq3A_285 = vector.broadcast %eq3A_284 : i32 to vector<4x2048xi32>
    %eq3A_286 = arith.cmpi eq, %get3A_7, %eq3A_285 : vector<4x2048xi32>
    %slice3A_287 = vector.extract_strided_slice %div3A_4 {offsets = [28, 0], sizes = [1, 1], strides = [1, 1]} : vector<64x1xf32> to vector<1x1xf32>
    %squeeze3A_288 = vector.extract %slice3A_287[0, 0] : f32 from vector<1x1xf32>
    %jit3A_289 = arith.constant 0.000000e+00 : f32
    %broadcast_in_dim3A_290 = vector.broadcast %squeeze3A_288 : f32 to vector<4x2048xf32>
    %broadcast_in_dim3A_291 = vector.broadcast %jit3A_289 : f32 to vector<4x2048xf32>
    %select_n3A_292 = arith.select %eq3A_286, %broadcast_in_dim3A_290, %broadcast_in_dim3A_291 : vector<4x2048xi1>, vector<4x2048xf32>
    %add3A_293 = arith.addf %add3A_283, %select_n3A_292 : vector<4x2048xf32>
    %eq3A_294 = arith.constant 29 : i32
    %eq3A_295 = vector.broadcast %eq3A_294 : i32 to vector<4x2048xi32>
    %eq3A_296 = arith.cmpi eq, %get3A_7, %eq3A_295 : vector<4x2048xi32>
    %slice3A_297 = vector.extract_strided_slice %div3A_4 {offsets = [29, 0], sizes = [1, 1], strides = [1, 1]} : vector<64x1xf32> to vector<1x1xf32>
    %squeeze3A_298 = vector.extract %slice3A_297[0, 0] : f32 from vector<1x1xf32>
    %jit3A_299 = arith.constant 0.000000e+00 : f32
    %broadcast_in_dim3A_300 = vector.broadcast %squeeze3A_298 : f32 to vector<4x2048xf32>
    %broadcast_in_dim3A_301 = vector.broadcast %jit3A_299 : f32 to vector<4x2048xf32>
    %select_n3A_302 = arith.select %eq3A_296, %broadcast_in_dim3A_300, %broadcast_in_dim3A_301 : vector<4x2048xi1>, vector<4x2048xf32>
    %add3A_303 = arith.addf %add3A_293, %select_n3A_302 : vector<4x2048xf32>
    %eq3A_304 = arith.constant 30 : i32
    %eq3A_305 = vector.broadcast %eq3A_304 : i32 to vector<4x2048xi32>
    %eq3A_306 = arith.cmpi eq, %get3A_7, %eq3A_305 : vector<4x2048xi32>
    %slice3A_307 = vector.extract_strided_slice %div3A_4 {offsets = [30, 0], sizes = [1, 1], strides = [1, 1]} : vector<64x1xf32> to vector<1x1xf32>
    %squeeze3A_308 = vector.extract %slice3A_307[0, 0] : f32 from vector<1x1xf32>
    %jit3A_309 = arith.constant 0.000000e+00 : f32
    %broadcast_in_dim3A_310 = vector.broadcast %squeeze3A_308 : f32 to vector<4x2048xf32>
    %broadcast_in_dim3A_311 = vector.broadcast %jit3A_309 : f32 to vector<4x2048xf32>
    %select_n3A_312 = arith.select %eq3A_306, %broadcast_in_dim3A_310, %broadcast_in_dim3A_311 : vector<4x2048xi1>, vector<4x2048xf32>
    %add3A_313 = arith.addf %add3A_303, %select_n3A_312 : vector<4x2048xf32>
    %eq3A_314 = arith.constant 31 : i32
    %eq3A_315 = vector.broadcast %eq3A_314 : i32 to vector<4x2048xi32>
    %eq3A_316 = arith.cmpi eq, %get3A_7, %eq3A_315 : vector<4x2048xi32>
    %slice3A_317 = vector.extract_strided_slice %div3A_4 {offsets = [31, 0], sizes = [1, 1], strides = [1, 1]} : vector<64x1xf32> to vector<1x1xf32>
    %squeeze3A_318 = vector.extract %slice3A_317[0, 0] : f32 from vector<1x1xf32>
    %jit3A_319 = arith.constant 0.000000e+00 : f32
    %broadcast_in_dim3A_320 = vector.broadcast %squeeze3A_318 : f32 to vector<4x2048xf32>
    %broadcast_in_dim3A_321 = vector.broadcast %jit3A_319 : f32 to vector<4x2048xf32>
    %select_n3A_322 = arith.select %eq3A_316, %broadcast_in_dim3A_320, %broadcast_in_dim3A_321 : vector<4x2048xi1>, vector<4x2048xf32>
    %add3A_323 = arith.addf %add3A_313, %select_n3A_322 : vector<4x2048xf32>
    %eq3A_324 = arith.constant 32 : i32
    %eq3A_325 = vector.broadcast %eq3A_324 : i32 to vector<4x2048xi32>
    %eq3A_326 = arith.cmpi eq, %get3A_7, %eq3A_325 : vector<4x2048xi32>
    %slice3A_327 = vector.extract_strided_slice %div3A_4 {offsets = [32, 0], sizes = [1, 1], strides = [1, 1]} : vector<64x1xf32> to vector<1x1xf32>
    %squeeze3A_328 = vector.extract %slice3A_327[0, 0] : f32 from vector<1x1xf32>
    %jit3A_329 = arith.constant 0.000000e+00 : f32
    %broadcast_in_dim3A_330 = vector.broadcast %squeeze3A_328 : f32 to vector<4x2048xf32>
    %broadcast_in_dim3A_331 = vector.broadcast %jit3A_329 : f32 to vector<4x2048xf32>
    %select_n3A_332 = arith.select %eq3A_326, %broadcast_in_dim3A_330, %broadcast_in_dim3A_331 : vector<4x2048xi1>, vector<4x2048xf32>
    %add3A_333 = arith.addf %add3A_323, %select_n3A_332 : vector<4x2048xf32>
    %eq3A_334 = arith.constant 33 : i32
    %eq3A_335 = vector.broadcast %eq3A_334 : i32 to vector<4x2048xi32>
    %eq3A_336 = arith.cmpi eq, %get3A_7, %eq3A_335 : vector<4x2048xi32>
    %slice3A_337 = vector.extract_strided_slice %div3A_4 {offsets = [33, 0], sizes = [1, 1], strides = [1, 1]} : vector<64x1xf32> to vector<1x1xf32>
    %squeeze3A_338 = vector.extract %slice3A_337[0, 0] : f32 from vector<1x1xf32>
    %jit3A_339 = arith.constant 0.000000e+00 : f32
    %broadcast_in_dim3A_340 = vector.broadcast %squeeze3A_338 : f32 to vector<4x2048xf32>
    %broadcast_in_dim3A_341 = vector.broadcast %jit3A_339 : f32 to vector<4x2048xf32>
    %select_n3A_342 = arith.select %eq3A_336, %broadcast_in_dim3A_340, %broadcast_in_dim3A_341 : vector<4x2048xi1>, vector<4x2048xf32>
    %add3A_343 = arith.addf %add3A_333, %select_n3A_342 : vector<4x2048xf32>
    %eq3A_344 = arith.constant 34 : i32
    %eq3A_345 = vector.broadcast %eq3A_344 : i32 to vector<4x2048xi32>
    %eq3A_346 = arith.cmpi eq, %get3A_7, %eq3A_345 : vector<4x2048xi32>
    %slice3A_347 = vector.extract_strided_slice %div3A_4 {offsets = [34, 0], sizes = [1, 1], strides = [1, 1]} : vector<64x1xf32> to vector<1x1xf32>
    %squeeze3A_348 = vector.extract %slice3A_347[0, 0] : f32 from vector<1x1xf32>
    %jit3A_349 = arith.constant 0.000000e+00 : f32
    %broadcast_in_dim3A_350 = vector.broadcast %squeeze3A_348 : f32 to vector<4x2048xf32>
    %broadcast_in_dim3A_351 = vector.broadcast %jit3A_349 : f32 to vector<4x2048xf32>
    %select_n3A_352 = arith.select %eq3A_346, %broadcast_in_dim3A_350, %broadcast_in_dim3A_351 : vector<4x2048xi1>, vector<4x2048xf32>
    %add3A_353 = arith.addf %add3A_343, %select_n3A_352 : vector<4x2048xf32>
    %eq3A_354 = arith.constant 35 : i32
    %eq3A_355 = vector.broadcast %eq3A_354 : i32 to vector<4x2048xi32>
    %eq3A_356 = arith.cmpi eq, %get3A_7, %eq3A_355 : vector<4x2048xi32>
    %slice3A_357 = vector.extract_strided_slice %div3A_4 {offsets = [35, 0], sizes = [1, 1], strides = [1, 1]} : vector<64x1xf32> to vector<1x1xf32>
    %squeeze3A_358 = vector.extract %slice3A_357[0, 0] : f32 from vector<1x1xf32>
    %jit3A_359 = arith.constant 0.000000e+00 : f32
    %broadcast_in_dim3A_360 = vector.broadcast %squeeze3A_358 : f32 to vector<4x2048xf32>
    %broadcast_in_dim3A_361 = vector.broadcast %jit3A_359 : f32 to vector<4x2048xf32>
    %select_n3A_362 = arith.select %eq3A_356, %broadcast_in_dim3A_360, %broadcast_in_dim3A_361 : vector<4x2048xi1>, vector<4x2048xf32>
    %add3A_363 = arith.addf %add3A_353, %select_n3A_362 : vector<4x2048xf32>
    %eq3A_364 = arith.constant 36 : i32
    %eq3A_365 = vector.broadcast %eq3A_364 : i32 to vector<4x2048xi32>
    %eq3A_366 = arith.cmpi eq, %get3A_7, %eq3A_365 : vector<4x2048xi32>
    %slice3A_367 = vector.extract_strided_slice %div3A_4 {offsets = [36, 0], sizes = [1, 1], strides = [1, 1]} : vector<64x1xf32> to vector<1x1xf32>
    %squeeze3A_368 = vector.extract %slice3A_367[0, 0] : f32 from vector<1x1xf32>
    %jit3A_369 = arith.constant 0.000000e+00 : f32
    %broadcast_in_dim3A_370 = vector.broadcast %squeeze3A_368 : f32 to vector<4x2048xf32>
    %broadcast_in_dim3A_371 = vector.broadcast %jit3A_369 : f32 to vector<4x2048xf32>
    %select_n3A_372 = arith.select %eq3A_366, %broadcast_in_dim3A_370, %broadcast_in_dim3A_371 : vector<4x2048xi1>, vector<4x2048xf32>
    %add3A_373 = arith.addf %add3A_363, %select_n3A_372 : vector<4x2048xf32>
    %eq3A_374 = arith.constant 37 : i32
    %eq3A_375 = vector.broadcast %eq3A_374 : i32 to vector<4x2048xi32>
    %eq3A_376 = arith.cmpi eq, %get3A_7, %eq3A_375 : vector<4x2048xi32>
    %slice3A_377 = vector.extract_strided_slice %div3A_4 {offsets = [37, 0], sizes = [1, 1], strides = [1, 1]} : vector<64x1xf32> to vector<1x1xf32>
    %squeeze3A_378 = vector.extract %slice3A_377[0, 0] : f32 from vector<1x1xf32>
    %jit3A_379 = arith.constant 0.000000e+00 : f32
    %broadcast_in_dim3A_380 = vector.broadcast %squeeze3A_378 : f32 to vector<4x2048xf32>
    %broadcast_in_dim3A_381 = vector.broadcast %jit3A_379 : f32 to vector<4x2048xf32>
    %select_n3A_382 = arith.select %eq3A_376, %broadcast_in_dim3A_380, %broadcast_in_dim3A_381 : vector<4x2048xi1>, vector<4x2048xf32>
    %add3A_383 = arith.addf %add3A_373, %select_n3A_382 : vector<4x2048xf32>
    %eq3A_384 = arith.constant 38 : i32
    %eq3A_385 = vector.broadcast %eq3A_384 : i32 to vector<4x2048xi32>
    %eq3A_386 = arith.cmpi eq, %get3A_7, %eq3A_385 : vector<4x2048xi32>
    %slice3A_387 = vector.extract_strided_slice %div3A_4 {offsets = [38, 0], sizes = [1, 1], strides = [1, 1]} : vector<64x1xf32> to vector<1x1xf32>
    %squeeze3A_388 = vector.extract %slice3A_387[0, 0] : f32 from vector<1x1xf32>
    %jit3A_389 = arith.constant 0.000000e+00 : f32
    %broadcast_in_dim3A_390 = vector.broadcast %squeeze3A_388 : f32 to vector<4x2048xf32>
    %broadcast_in_dim3A_391 = vector.broadcast %jit3A_389 : f32 to vector<4x2048xf32>
    %select_n3A_392 = arith.select %eq3A_386, %broadcast_in_dim3A_390, %broadcast_in_dim3A_391 : vector<4x2048xi1>, vector<4x2048xf32>
    %add3A_393 = arith.addf %add3A_383, %select_n3A_392 : vector<4x2048xf32>
    %eq3A_394 = arith.constant 39 : i32
    %eq3A_395 = vector.broadcast %eq3A_394 : i32 to vector<4x2048xi32>
    %eq3A_396 = arith.cmpi eq, %get3A_7, %eq3A_395 : vector<4x2048xi32>
    %slice3A_397 = vector.extract_strided_slice %div3A_4 {offsets = [39, 0], sizes = [1, 1], strides = [1, 1]} : vector<64x1xf32> to vector<1x1xf32>
    %squeeze3A_398 = vector.extract %slice3A_397[0, 0] : f32 from vector<1x1xf32>
    %jit3A_399 = arith.constant 0.000000e+00 : f32
    %broadcast_in_dim3A_400 = vector.broadcast %squeeze3A_398 : f32 to vector<4x2048xf32>
    %broadcast_in_dim3A_401 = vector.broadcast %jit3A_399 : f32 to vector<4x2048xf32>
    %select_n3A_402 = arith.select %eq3A_396, %broadcast_in_dim3A_400, %broadcast_in_dim3A_401 : vector<4x2048xi1>, vector<4x2048xf32>
    %add3A_403 = arith.addf %add3A_393, %select_n3A_402 : vector<4x2048xf32>
    %eq3A_404 = arith.constant 40 : i32
    %eq3A_405 = vector.broadcast %eq3A_404 : i32 to vector<4x2048xi32>
    %eq3A_406 = arith.cmpi eq, %get3A_7, %eq3A_405 : vector<4x2048xi32>
    %slice3A_407 = vector.extract_strided_slice %div3A_4 {offsets = [40, 0], sizes = [1, 1], strides = [1, 1]} : vector<64x1xf32> to vector<1x1xf32>
    %squeeze3A_408 = vector.extract %slice3A_407[0, 0] : f32 from vector<1x1xf32>
    %jit3A_409 = arith.constant 0.000000e+00 : f32
    %broadcast_in_dim3A_410 = vector.broadcast %squeeze3A_408 : f32 to vector<4x2048xf32>
    %broadcast_in_dim3A_411 = vector.broadcast %jit3A_409 : f32 to vector<4x2048xf32>
    %select_n3A_412 = arith.select %eq3A_406, %broadcast_in_dim3A_410, %broadcast_in_dim3A_411 : vector<4x2048xi1>, vector<4x2048xf32>
    %add3A_413 = arith.addf %add3A_403, %select_n3A_412 : vector<4x2048xf32>
    %eq3A_414 = arith.constant 41 : i32
    %eq3A_415 = vector.broadcast %eq3A_414 : i32 to vector<4x2048xi32>
    %eq3A_416 = arith.cmpi eq, %get3A_7, %eq3A_415 : vector<4x2048xi32>
    %slice3A_417 = vector.extract_strided_slice %div3A_4 {offsets = [41, 0], sizes = [1, 1], strides = [1, 1]} : vector<64x1xf32> to vector<1x1xf32>
    %squeeze3A_418 = vector.extract %slice3A_417[0, 0] : f32 from vector<1x1xf32>
    %jit3A_419 = arith.constant 0.000000e+00 : f32
    %broadcast_in_dim3A_420 = vector.broadcast %squeeze3A_418 : f32 to vector<4x2048xf32>
    %broadcast_in_dim3A_421 = vector.broadcast %jit3A_419 : f32 to vector<4x2048xf32>
    %select_n3A_422 = arith.select %eq3A_416, %broadcast_in_dim3A_420, %broadcast_in_dim3A_421 : vector<4x2048xi1>, vector<4x2048xf32>
    %add3A_423 = arith.addf %add3A_413, %select_n3A_422 : vector<4x2048xf32>
    %eq3A_424 = arith.constant 42 : i32
    %eq3A_425 = vector.broadcast %eq3A_424 : i32 to vector<4x2048xi32>
    %eq3A_426 = arith.cmpi eq, %get3A_7, %eq3A_425 : vector<4x2048xi32>
    %slice3A_427 = vector.extract_strided_slice %div3A_4 {offsets = [42, 0], sizes = [1, 1], strides = [1, 1]} : vector<64x1xf32> to vector<1x1xf32>
    %squeeze3A_428 = vector.extract %slice3A_427[0, 0] : f32 from vector<1x1xf32>
    %jit3A_429 = arith.constant 0.000000e+00 : f32
    %broadcast_in_dim3A_430 = vector.broadcast %squeeze3A_428 : f32 to vector<4x2048xf32>
    %broadcast_in_dim3A_431 = vector.broadcast %jit3A_429 : f32 to vector<4x2048xf32>
    %select_n3A_432 = arith.select %eq3A_426, %broadcast_in_dim3A_430, %broadcast_in_dim3A_431 : vector<4x2048xi1>, vector<4x2048xf32>
    %add3A_433 = arith.addf %add3A_423, %select_n3A_432 : vector<4x2048xf32>
    %eq3A_434 = arith.constant 43 : i32
    %eq3A_435 = vector.broadcast %eq3A_434 : i32 to vector<4x2048xi32>
    %eq3A_436 = arith.cmpi eq, %get3A_7, %eq3A_435 : vector<4x2048xi32>
    %slice3A_437 = vector.extract_strided_slice %div3A_4 {offsets = [43, 0], sizes = [1, 1], strides = [1, 1]} : vector<64x1xf32> to vector<1x1xf32>
    %squeeze3A_438 = vector.extract %slice3A_437[0, 0] : f32 from vector<1x1xf32>
    %jit3A_439 = arith.constant 0.000000e+00 : f32
    %broadcast_in_dim3A_440 = vector.broadcast %squeeze3A_438 : f32 to vector<4x2048xf32>
    %broadcast_in_dim3A_441 = vector.broadcast %jit3A_439 : f32 to vector<4x2048xf32>
    %select_n3A_442 = arith.select %eq3A_436, %broadcast_in_dim3A_440, %broadcast_in_dim3A_441 : vector<4x2048xi1>, vector<4x2048xf32>
    %add3A_443 = arith.addf %add3A_433, %select_n3A_442 : vector<4x2048xf32>
    %eq3A_444 = arith.constant 44 : i32
    %eq3A_445 = vector.broadcast %eq3A_444 : i32 to vector<4x2048xi32>
    %eq3A_446 = arith.cmpi eq, %get3A_7, %eq3A_445 : vector<4x2048xi32>
    %slice3A_447 = vector.extract_strided_slice %div3A_4 {offsets = [44, 0], sizes = [1, 1], strides = [1, 1]} : vector<64x1xf32> to vector<1x1xf32>
    %squeeze3A_448 = vector.extract %slice3A_447[0, 0] : f32 from vector<1x1xf32>
    %jit3A_449 = arith.constant 0.000000e+00 : f32
    %broadcast_in_dim3A_450 = vector.broadcast %squeeze3A_448 : f32 to vector<4x2048xf32>
    %broadcast_in_dim3A_451 = vector.broadcast %jit3A_449 : f32 to vector<4x2048xf32>
    %select_n3A_452 = arith.select %eq3A_446, %broadcast_in_dim3A_450, %broadcast_in_dim3A_451 : vector<4x2048xi1>, vector<4x2048xf32>
    %add3A_453 = arith.addf %add3A_443, %select_n3A_452 : vector<4x2048xf32>
    %eq3A_454 = arith.constant 45 : i32
    %eq3A_455 = vector.broadcast %eq3A_454 : i32 to vector<4x2048xi32>
    %eq3A_456 = arith.cmpi eq, %get3A_7, %eq3A_455 : vector<4x2048xi32>
    %slice3A_457 = vector.extract_strided_slice %div3A_4 {offsets = [45, 0], sizes = [1, 1], strides = [1, 1]} : vector<64x1xf32> to vector<1x1xf32>
    %squeeze3A_458 = vector.extract %slice3A_457[0, 0] : f32 from vector<1x1xf32>
    %jit3A_459 = arith.constant 0.000000e+00 : f32
    %broadcast_in_dim3A_460 = vector.broadcast %squeeze3A_458 : f32 to vector<4x2048xf32>
    %broadcast_in_dim3A_461 = vector.broadcast %jit3A_459 : f32 to vector<4x2048xf32>
    %select_n3A_462 = arith.select %eq3A_456, %broadcast_in_dim3A_460, %broadcast_in_dim3A_461 : vector<4x2048xi1>, vector<4x2048xf32>
    %add3A_463 = arith.addf %add3A_453, %select_n3A_462 : vector<4x2048xf32>
    %eq3A_464 = arith.constant 46 : i32
    %eq3A_465 = vector.broadcast %eq3A_464 : i32 to vector<4x2048xi32>
    %eq3A_466 = arith.cmpi eq, %get3A_7, %eq3A_465 : vector<4x2048xi32>
    %slice3A_467 = vector.extract_strided_slice %div3A_4 {offsets = [46, 0], sizes = [1, 1], strides = [1, 1]} : vector<64x1xf32> to vector<1x1xf32>
    %squeeze3A_468 = vector.extract %slice3A_467[0, 0] : f32 from vector<1x1xf32>
    %jit3A_469 = arith.constant 0.000000e+00 : f32
    %broadcast_in_dim3A_470 = vector.broadcast %squeeze3A_468 : f32 to vector<4x2048xf32>
    %broadcast_in_dim3A_471 = vector.broadcast %jit3A_469 : f32 to vector<4x2048xf32>
    %select_n3A_472 = arith.select %eq3A_466, %broadcast_in_dim3A_470, %broadcast_in_dim3A_471 : vector<4x2048xi1>, vector<4x2048xf32>
    %add3A_473 = arith.addf %add3A_463, %select_n3A_472 : vector<4x2048xf32>
    %eq3A_474 = arith.constant 47 : i32
    %eq3A_475 = vector.broadcast %eq3A_474 : i32 to vector<4x2048xi32>
    %eq3A_476 = arith.cmpi eq, %get3A_7, %eq3A_475 : vector<4x2048xi32>
    %slice3A_477 = vector.extract_strided_slice %div3A_4 {offsets = [47, 0], sizes = [1, 1], strides = [1, 1]} : vector<64x1xf32> to vector<1x1xf32>
    %squeeze3A_478 = vector.extract %slice3A_477[0, 0] : f32 from vector<1x1xf32>
    %jit3A_479 = arith.constant 0.000000e+00 : f32
    %broadcast_in_dim3A_480 = vector.broadcast %squeeze3A_478 : f32 to vector<4x2048xf32>
    %broadcast_in_dim3A_481 = vector.broadcast %jit3A_479 : f32 to vector<4x2048xf32>
    %select_n3A_482 = arith.select %eq3A_476, %broadcast_in_dim3A_480, %broadcast_in_dim3A_481 : vector<4x2048xi1>, vector<4x2048xf32>
    %add3A_483 = arith.addf %add3A_473, %select_n3A_482 : vector<4x2048xf32>
    %eq3A_484 = arith.constant 48 : i32
    %eq3A_485 = vector.broadcast %eq3A_484 : i32 to vector<4x2048xi32>
    %eq3A_486 = arith.cmpi eq, %get3A_7, %eq3A_485 : vector<4x2048xi32>
    %slice3A_487 = vector.extract_strided_slice %div3A_4 {offsets = [48, 0], sizes = [1, 1], strides = [1, 1]} : vector<64x1xf32> to vector<1x1xf32>
    %squeeze3A_488 = vector.extract %slice3A_487[0, 0] : f32 from vector<1x1xf32>
    %jit3A_489 = arith.constant 0.000000e+00 : f32
    %broadcast_in_dim3A_490 = vector.broadcast %squeeze3A_488 : f32 to vector<4x2048xf32>
    %broadcast_in_dim3A_491 = vector.broadcast %jit3A_489 : f32 to vector<4x2048xf32>
    %select_n3A_492 = arith.select %eq3A_486, %broadcast_in_dim3A_490, %broadcast_in_dim3A_491 : vector<4x2048xi1>, vector<4x2048xf32>
    %add3A_493 = arith.addf %add3A_483, %select_n3A_492 : vector<4x2048xf32>
    %eq3A_494 = arith.constant 49 : i32
    %eq3A_495 = vector.broadcast %eq3A_494 : i32 to vector<4x2048xi32>
    %eq3A_496 = arith.cmpi eq, %get3A_7, %eq3A_495 : vector<4x2048xi32>
    %slice3A_497 = vector.extract_strided_slice %div3A_4 {offsets = [49, 0], sizes = [1, 1], strides = [1, 1]} : vector<64x1xf32> to vector<1x1xf32>
    %squeeze3A_498 = vector.extract %slice3A_497[0, 0] : f32 from vector<1x1xf32>
    %jit3A_499 = arith.constant 0.000000e+00 : f32
    %broadcast_in_dim3A_500 = vector.broadcast %squeeze3A_498 : f32 to vector<4x2048xf32>
    %broadcast_in_dim3A_501 = vector.broadcast %jit3A_499 : f32 to vector<4x2048xf32>
    %select_n3A_502 = arith.select %eq3A_496, %broadcast_in_dim3A_500, %broadcast_in_dim3A_501 : vector<4x2048xi1>, vector<4x2048xf32>
    %add3A_503 = arith.addf %add3A_493, %select_n3A_502 : vector<4x2048xf32>
    %eq3A_504 = arith.constant 50 : i32
    %eq3A_505 = vector.broadcast %eq3A_504 : i32 to vector<4x2048xi32>
    %eq3A_506 = arith.cmpi eq, %get3A_7, %eq3A_505 : vector<4x2048xi32>
    %slice3A_507 = vector.extract_strided_slice %div3A_4 {offsets = [50, 0], sizes = [1, 1], strides = [1, 1]} : vector<64x1xf32> to vector<1x1xf32>
    %squeeze3A_508 = vector.extract %slice3A_507[0, 0] : f32 from vector<1x1xf32>
    %jit3A_509 = arith.constant 0.000000e+00 : f32
    %broadcast_in_dim3A_510 = vector.broadcast %squeeze3A_508 : f32 to vector<4x2048xf32>
    %broadcast_in_dim3A_511 = vector.broadcast %jit3A_509 : f32 to vector<4x2048xf32>
    %select_n3A_512 = arith.select %eq3A_506, %broadcast_in_dim3A_510, %broadcast_in_dim3A_511 : vector<4x2048xi1>, vector<4x2048xf32>
    %add3A_513 = arith.addf %add3A_503, %select_n3A_512 : vector<4x2048xf32>
    %eq3A_514 = arith.constant 51 : i32
    %eq3A_515 = vector.broadcast %eq3A_514 : i32 to vector<4x2048xi32>
    %eq3A_516 = arith.cmpi eq, %get3A_7, %eq3A_515 : vector<4x2048xi32>
    %slice3A_517 = vector.extract_strided_slice %div3A_4 {offsets = [51, 0], sizes = [1, 1], strides = [1, 1]} : vector<64x1xf32> to vector<1x1xf32>
    %squeeze3A_518 = vector.extract %slice3A_517[0, 0] : f32 from vector<1x1xf32>
    %jit3A_519 = arith.constant 0.000000e+00 : f32
    %broadcast_in_dim3A_520 = vector.broadcast %squeeze3A_518 : f32 to vector<4x2048xf32>
    %broadcast_in_dim3A_521 = vector.broadcast %jit3A_519 : f32 to vector<4x2048xf32>
    %select_n3A_522 = arith.select %eq3A_516, %broadcast_in_dim3A_520, %broadcast_in_dim3A_521 : vector<4x2048xi1>, vector<4x2048xf32>
    %add3A_523 = arith.addf %add3A_513, %select_n3A_522 : vector<4x2048xf32>
    %eq3A_524 = arith.constant 52 : i32
    %eq3A_525 = vector.broadcast %eq3A_524 : i32 to vector<4x2048xi32>
    %eq3A_526 = arith.cmpi eq, %get3A_7, %eq3A_525 : vector<4x2048xi32>
    %slice3A_527 = vector.extract_strided_slice %div3A_4 {offsets = [52, 0], sizes = [1, 1], strides = [1, 1]} : vector<64x1xf32> to vector<1x1xf32>
    %squeeze3A_528 = vector.extract %slice3A_527[0, 0] : f32 from vector<1x1xf32>
    %jit3A_529 = arith.constant 0.000000e+00 : f32
    %broadcast_in_dim3A_530 = vector.broadcast %squeeze3A_528 : f32 to vector<4x2048xf32>
    %broadcast_in_dim3A_531 = vector.broadcast %jit3A_529 : f32 to vector<4x2048xf32>
    %select_n3A_532 = arith.select %eq3A_526, %broadcast_in_dim3A_530, %broadcast_in_dim3A_531 : vector<4x2048xi1>, vector<4x2048xf32>
    %add3A_533 = arith.addf %add3A_523, %select_n3A_532 : vector<4x2048xf32>
    %eq3A_534 = arith.constant 53 : i32
    %eq3A_535 = vector.broadcast %eq3A_534 : i32 to vector<4x2048xi32>
    %eq3A_536 = arith.cmpi eq, %get3A_7, %eq3A_535 : vector<4x2048xi32>
    %slice3A_537 = vector.extract_strided_slice %div3A_4 {offsets = [53, 0], sizes = [1, 1], strides = [1, 1]} : vector<64x1xf32> to vector<1x1xf32>
    %squeeze3A_538 = vector.extract %slice3A_537[0, 0] : f32 from vector<1x1xf32>
    %jit3A_539 = arith.constant 0.000000e+00 : f32
    %broadcast_in_dim3A_540 = vector.broadcast %squeeze3A_538 : f32 to vector<4x2048xf32>
    %broadcast_in_dim3A_541 = vector.broadcast %jit3A_539 : f32 to vector<4x2048xf32>
    %select_n3A_542 = arith.select %eq3A_536, %broadcast_in_dim3A_540, %broadcast_in_dim3A_541 : vector<4x2048xi1>, vector<4x2048xf32>
    %add3A_543 = arith.addf %add3A_533, %select_n3A_542 : vector<4x2048xf32>
    %eq3A_544 = arith.constant 54 : i32
    %eq3A_545 = vector.broadcast %eq3A_544 : i32 to vector<4x2048xi32>
    %eq3A_546 = arith.cmpi eq, %get3A_7, %eq3A_545 : vector<4x2048xi32>
    %slice3A_547 = vector.extract_strided_slice %div3A_4 {offsets = [54, 0], sizes = [1, 1], strides = [1, 1]} : vector<64x1xf32> to vector<1x1xf32>
    %squeeze3A_548 = vector.extract %slice3A_547[0, 0] : f32 from vector<1x1xf32>
    %jit3A_549 = arith.constant 0.000000e+00 : f32
    %broadcast_in_dim3A_550 = vector.broadcast %squeeze3A_548 : f32 to vector<4x2048xf32>
    %broadcast_in_dim3A_551 = vector.broadcast %jit3A_549 : f32 to vector<4x2048xf32>
    %select_n3A_552 = arith.select %eq3A_546, %broadcast_in_dim3A_550, %broadcast_in_dim3A_551 : vector<4x2048xi1>, vector<4x2048xf32>
    %add3A_553 = arith.addf %add3A_543, %select_n3A_552 : vector<4x2048xf32>
    %eq3A_554 = arith.constant 55 : i32
    %eq3A_555 = vector.broadcast %eq3A_554 : i32 to vector<4x2048xi32>
    %eq3A_556 = arith.cmpi eq, %get3A_7, %eq3A_555 : vector<4x2048xi32>
    %slice3A_557 = vector.extract_strided_slice %div3A_4 {offsets = [55, 0], sizes = [1, 1], strides = [1, 1]} : vector<64x1xf32> to vector<1x1xf32>
    %squeeze3A_558 = vector.extract %slice3A_557[0, 0] : f32 from vector<1x1xf32>
    %jit3A_559 = arith.constant 0.000000e+00 : f32
    %broadcast_in_dim3A_560 = vector.broadcast %squeeze3A_558 : f32 to vector<4x2048xf32>
    %broadcast_in_dim3A_561 = vector.broadcast %jit3A_559 : f32 to vector<4x2048xf32>
    %select_n3A_562 = arith.select %eq3A_556, %broadcast_in_dim3A_560, %broadcast_in_dim3A_561 : vector<4x2048xi1>, vector<4x2048xf32>
    %add3A_563 = arith.addf %add3A_553, %select_n3A_562 : vector<4x2048xf32>
    %eq3A_564 = arith.constant 56 : i32
    %eq3A_565 = vector.broadcast %eq3A_564 : i32 to vector<4x2048xi32>
    %eq3A_566 = arith.cmpi eq, %get3A_7, %eq3A_565 : vector<4x2048xi32>
    %slice3A_567 = vector.extract_strided_slice %div3A_4 {offsets = [56, 0], sizes = [1, 1], strides = [1, 1]} : vector<64x1xf32> to vector<1x1xf32>
    %squeeze3A_568 = vector.extract %slice3A_567[0, 0] : f32 from vector<1x1xf32>
    %jit3A_569 = arith.constant 0.000000e+00 : f32
    %broadcast_in_dim3A_570 = vector.broadcast %squeeze3A_568 : f32 to vector<4x2048xf32>
    %broadcast_in_dim3A_571 = vector.broadcast %jit3A_569 : f32 to vector<4x2048xf32>
    %select_n3A_572 = arith.select %eq3A_566, %broadcast_in_dim3A_570, %broadcast_in_dim3A_571 : vector<4x2048xi1>, vector<4x2048xf32>
    %add3A_573 = arith.addf %add3A_563, %select_n3A_572 : vector<4x2048xf32>
    %eq3A_574 = arith.constant 57 : i32
    %eq3A_575 = vector.broadcast %eq3A_574 : i32 to vector<4x2048xi32>
    %eq3A_576 = arith.cmpi eq, %get3A_7, %eq3A_575 : vector<4x2048xi32>
    %slice3A_577 = vector.extract_strided_slice %div3A_4 {offsets = [57, 0], sizes = [1, 1], strides = [1, 1]} : vector<64x1xf32> to vector<1x1xf32>
    %squeeze3A_578 = vector.extract %slice3A_577[0, 0] : f32 from vector<1x1xf32>
    %jit3A_579 = arith.constant 0.000000e+00 : f32
    %broadcast_in_dim3A_580 = vector.broadcast %squeeze3A_578 : f32 to vector<4x2048xf32>
    %broadcast_in_dim3A_581 = vector.broadcast %jit3A_579 : f32 to vector<4x2048xf32>
    %select_n3A_582 = arith.select %eq3A_576, %broadcast_in_dim3A_580, %broadcast_in_dim3A_581 : vector<4x2048xi1>, vector<4x2048xf32>
    %add3A_583 = arith.addf %add3A_573, %select_n3A_582 : vector<4x2048xf32>
    %eq3A_584 = arith.constant 58 : i32
    %eq3A_585 = vector.broadcast %eq3A_584 : i32 to vector<4x2048xi32>
    %eq3A_586 = arith.cmpi eq, %get3A_7, %eq3A_585 : vector<4x2048xi32>
    %slice3A_587 = vector.extract_strided_slice %div3A_4 {offsets = [58, 0], sizes = [1, 1], strides = [1, 1]} : vector<64x1xf32> to vector<1x1xf32>
    %squeeze3A_588 = vector.extract %slice3A_587[0, 0] : f32 from vector<1x1xf32>
    %jit3A_589 = arith.constant 0.000000e+00 : f32
    %broadcast_in_dim3A_590 = vector.broadcast %squeeze3A_588 : f32 to vector<4x2048xf32>
    %broadcast_in_dim3A_591 = vector.broadcast %jit3A_589 : f32 to vector<4x2048xf32>
    %select_n3A_592 = arith.select %eq3A_586, %broadcast_in_dim3A_590, %broadcast_in_dim3A_591 : vector<4x2048xi1>, vector<4x2048xf32>
    %add3A_593 = arith.addf %add3A_583, %select_n3A_592 : vector<4x2048xf32>
    %eq3A_594 = arith.constant 59 : i32
    %eq3A_595 = vector.broadcast %eq3A_594 : i32 to vector<4x2048xi32>
    %eq3A_596 = arith.cmpi eq, %get3A_7, %eq3A_595 : vector<4x2048xi32>
    %slice3A_597 = vector.extract_strided_slice %div3A_4 {offsets = [59, 0], sizes = [1, 1], strides = [1, 1]} : vector<64x1xf32> to vector<1x1xf32>
    %squeeze3A_598 = vector.extract %slice3A_597[0, 0] : f32 from vector<1x1xf32>
    %jit3A_599 = arith.constant 0.000000e+00 : f32
    %broadcast_in_dim3A_600 = vector.broadcast %squeeze3A_598 : f32 to vector<4x2048xf32>
    %broadcast_in_dim3A_601 = vector.broadcast %jit3A_599 : f32 to vector<4x2048xf32>
    %select_n3A_602 = arith.select %eq3A_596, %broadcast_in_dim3A_600, %broadcast_in_dim3A_601 : vector<4x2048xi1>, vector<4x2048xf32>
    %add3A_603 = arith.addf %add3A_593, %select_n3A_602 : vector<4x2048xf32>
    %eq3A_604 = arith.constant 60 : i32
    %eq3A_605 = vector.broadcast %eq3A_604 : i32 to vector<4x2048xi32>
    %eq3A_606 = arith.cmpi eq, %get3A_7, %eq3A_605 : vector<4x2048xi32>
    %slice3A_607 = vector.extract_strided_slice %div3A_4 {offsets = [60, 0], sizes = [1, 1], strides = [1, 1]} : vector<64x1xf32> to vector<1x1xf32>
    %squeeze3A_608 = vector.extract %slice3A_607[0, 0] : f32 from vector<1x1xf32>
    %jit3A_609 = arith.constant 0.000000e+00 : f32
    %broadcast_in_dim3A_610 = vector.broadcast %squeeze3A_608 : f32 to vector<4x2048xf32>
    %broadcast_in_dim3A_611 = vector.broadcast %jit3A_609 : f32 to vector<4x2048xf32>
    %select_n3A_612 = arith.select %eq3A_606, %broadcast_in_dim3A_610, %broadcast_in_dim3A_611 : vector<4x2048xi1>, vector<4x2048xf32>
    %add3A_613 = arith.addf %add3A_603, %select_n3A_612 : vector<4x2048xf32>
    %eq3A_614 = arith.constant 61 : i32
    %eq3A_615 = vector.broadcast %eq3A_614 : i32 to vector<4x2048xi32>
    %eq3A_616 = arith.cmpi eq, %get3A_7, %eq3A_615 : vector<4x2048xi32>
    %slice3A_617 = vector.extract_strided_slice %div3A_4 {offsets = [61, 0], sizes = [1, 1], strides = [1, 1]} : vector<64x1xf32> to vector<1x1xf32>
    %squeeze3A_618 = vector.extract %slice3A_617[0, 0] : f32 from vector<1x1xf32>
    %jit3A_619 = arith.constant 0.000000e+00 : f32
    %broadcast_in_dim3A_620 = vector.broadcast %squeeze3A_618 : f32 to vector<4x2048xf32>
    %broadcast_in_dim3A_621 = vector.broadcast %jit3A_619 : f32 to vector<4x2048xf32>
    %select_n3A_622 = arith.select %eq3A_616, %broadcast_in_dim3A_620, %broadcast_in_dim3A_621 : vector<4x2048xi1>, vector<4x2048xf32>
    %add3A_623 = arith.addf %add3A_613, %select_n3A_622 : vector<4x2048xf32>
    %eq3A_624 = arith.constant 62 : i32
    %eq3A_625 = vector.broadcast %eq3A_624 : i32 to vector<4x2048xi32>
    %eq3A_626 = arith.cmpi eq, %get3A_7, %eq3A_625 : vector<4x2048xi32>
    %slice3A_627 = vector.extract_strided_slice %div3A_4 {offsets = [62, 0], sizes = [1, 1], strides = [1, 1]} : vector<64x1xf32> to vector<1x1xf32>
    %squeeze3A_628 = vector.extract %slice3A_627[0, 0] : f32 from vector<1x1xf32>
    %jit3A_629 = arith.constant 0.000000e+00 : f32
    %broadcast_in_dim3A_630 = vector.broadcast %squeeze3A_628 : f32 to vector<4x2048xf32>
    %broadcast_in_dim3A_631 = vector.broadcast %jit3A_629 : f32 to vector<4x2048xf32>
    %select_n3A_632 = arith.select %eq3A_626, %broadcast_in_dim3A_630, %broadcast_in_dim3A_631 : vector<4x2048xi1>, vector<4x2048xf32>
    %add3A_633 = arith.addf %add3A_623, %select_n3A_632 : vector<4x2048xf32>
    %eq3A_634 = arith.constant 63 : i32
    %eq3A_635 = vector.broadcast %eq3A_634 : i32 to vector<4x2048xi32>
    %eq3A_636 = arith.cmpi eq, %get3A_7, %eq3A_635 : vector<4x2048xi32>
    %slice3A_637 = vector.extract_strided_slice %div3A_4 {offsets = [63, 0], sizes = [1, 1], strides = [1, 1]} : vector<64x1xf32> to vector<1x1xf32>
    %squeeze3A_638 = vector.extract %slice3A_637[0, 0] : f32 from vector<1x1xf32>
    %jit3A_639 = arith.constant 0.000000e+00 : f32
    %broadcast_in_dim3A_640 = vector.broadcast %squeeze3A_638 : f32 to vector<4x2048xf32>
    %broadcast_in_dim3A_641 = vector.broadcast %jit3A_639 : f32 to vector<4x2048xf32>
    %select_n3A_642 = arith.select %eq3A_636, %broadcast_in_dim3A_640, %broadcast_in_dim3A_641 : vector<4x2048xi1>, vector<4x2048xf32>
    %add3A_643 = arith.addf %add3A_633, %select_n3A_642 : vector<4x2048xf32>
    %swap3A = arith.constant 0 : index
    %swap3A_644 = arith.constant 0 : index
    %swap3A_645 = vector.load %arg2[%swap3A, %swap3A_644] : memref<4x2048xf32, #tpu.memory_space<vmem>>, vector<4x2048xf32>
    tpu.vector_store %arg2[%swap3A, %swap3A_644], %add3A_643 {strides = array<i32>} : memref<4x2048xf32, #tpu.memory_space<vmem>>, vector<4x2048xf32>,
    return
  }
}

module attributes {stable_mosaic.version = 14 : i64} {
  func.func @_table_body(%arg0: memref<64x1024xf32, #tpu.memory_space<vmem>>, %arg1: memref<1024x1024xf32, #tpu.memory_space<vmem>>, %arg2: memref<1x1024xf32, #tpu.memory_space<vmem>>, %arg3: memref<64x1024xf32, #tpu.memory_space<vmem>>) attributes {dimension_semantics = [], scalar_prefetch = 0 : i64, scratch_operands = 0 : i64, tpu.core_type = #tpu.core_type<tc>} {
    %get3A = arith.constant 0 : index
    %get3A_0 = arith.constant 0 : index
    %get3A_1 = vector.load %arg0[%get3A, %get3A_0] : memref<64x1024xf32, #tpu.memory_space<vmem>>, vector<64x1024xf32>
    %get3A_2 = arith.constant 0 : index
    %get3A_3 = arith.constant 0 : index
    %get3A_4 = vector.load %arg1[%get3A_2, %get3A_3] : memref<1024x1024xf32, #tpu.memory_space<vmem>>, vector<1024x1024xf32>
    %dot_general3A = arith.constant dense<0.000000e+00> : vector<64x1024xf32>
    %dot_general3A_5 = tpu.matmul %get3A_1, %get3A_4, %dot_general3A {dimension_numbers = #tpu.dot_dimension_numbers<[1], [1], [0], [0], [0, 0, 1, 0], [], []>, transpose_lhs_hint = false} : vector<64x1024xf32>, vector<1024x1024xf32>, vector<64x1024xf32> -> vector<64x1024xf32>
    %get3A_6 = arith.constant 0 : index
    %get3A_7 = arith.constant 0 : index
    %get3A_8 = vector.load %arg2[%get3A_6, %get3A_7] : memref<1x1024xf32, #tpu.memory_space<vmem>>, vector<1x1024xf32>
    %add3A = vector.broadcast %get3A_8 : vector<1x1024xf32> to vector<64x1024xf32>
    %add3A_9 = arith.addf %dot_general3A_5, %add3A : vector<64x1024xf32>
    %swap3A = arith.constant 0 : index
    %swap3A_10 = arith.constant 0 : index
    %swap3A_11 = vector.load %arg3[%swap3A, %swap3A_10] : memref<64x1024xf32, #tpu.memory_space<vmem>>, vector<64x1024xf32>
    tpu.vector_store %arg3[%swap3A, %swap3A_10], %add3A_9 {strides = array<i32>} : memref<64x1024xf32, #tpu.memory_space<vmem>>, vector<64x1024xf32>,
    return
  }
}

</mosaic_0001>

<sc_bundles>
// kernel: kernel.5.cloned.1.call-start
scs
__scs_entry_jumppad:
0x0: {  	(pc) =	sbr.rel $0x88, $3  }
0x1: {  	(tag) =	ssettag $0x0;
	lr =	simm.s32 $0x1  }
0x2: {  	[smem:$0x3F9D] =	sst lr;
	_ =	strace $0xD0000000  }
0x3: {  	_ = 	snop  }
0x4: {  	_ = 	snop  }
0x5: {  	_ = 	snop  }
0x6: {  	_ = 	snop  }
0x7: {  	_ = 	snop  }
__scs_overlays_trampoline_lowered:
0x8: {  	[smem:$0x3FAC] =	sst s0  }
0x9: {  	[smem:$0x3FAD] =	sst s1  }
0xa: {  	[smem:$0x3FAE] =	sst s2  }
0xb: {  	[smem:$0x3FAF] =	sst s3  }
0xc: {  	[smem:$0x3FB0] =	sst s4  }
0xd: {  	[smem:$0x3FB1] =	sst s5  }
0xe: {  	[smem:$0x3FB2] =	sst s6  }
0xf: {  	[smem:$0x3FB3] =	sst s7  }
0x10: {  	[smem:$0x3FB4] =	sst s8  }
0x11: {  	[smem:$0x3FB5] =	sst s9;
	s0 =	simm.s32 @!p0 $0x0  }
0x12: {  	s1 =	sld [smem:$0x3F9B];
	s0 =	simm.s32 @p0 $0x1  }
0x13: {  	[smem:$0x3FB6] =	sst s0;
	s0 =	simm.s32 @!p1 $0x0  }
0x14: {  	s2 =	sld [smem:$0x3F9A];
	s0 =	simm.s32 @p1 $0x1  }
0x15: {  	[smem:$0x3FB7] =	sst s0;
	s0 =	simm.s32 @!p2 $0x0  }
0x16: {  	s3 =	sld [smem:$0x3FDB];
	s0 =	simm.s32 @p2 $0x1  }
0x17: {  	s4 =	simm.s32 $0x1BF5;
	[smem:$0x3FB9] =	sst s0  }
0x18: {  	s0 =	sld [smem:$0x3F9C];
	_ =	swait.ge [sflag:s4], $0x0  }
0x19: {  	s7 =	sld [smem:$0x3F9D]  }
0x1a: {  	s8 =	sadd.s32 $0xFFFFE003, lr  }
0x1b: {  	s9 =	sadd.s32 $0xFFFFFEF7, lr;
	s5 =	simm.s32 $0xFFFFFFFF;
	p2 =	slt.u32 s8, $0xFFFFF086  }
0x1c: {  	p1 =	slt.u32 s9, $0xF7A;
	s5 =	simm.s32 @!p2 $0x0  }
0x1d: {  	s5 =	simm.s32 @p1 $0x1;
	p0 =	seq.s32 s7, s2  }
0x1e: {  	s7 =	smul.u32 @!p0 $0xF7A, s2;
	p2 =	seq.s32 @!p0 s5, $0x0  }
0x1f: {  	s9 =	smul.u32 $0xF7A, s1;
	s8 =	simm.s32 @!p0 $0x1BF5;
	p2 =	por !p2, p0  }
0x20: {  	[sflag:s8] =	ssyncset.s32 @!p0 $0xFFFFF086;
	s6 =	sadd.s32 @!p0 s3, s7;
	s7 =	simm.s32 @!p0 $0x108  }
0x21: {  	s3 =	sadd.s32 s3, s9;
	s6 =	sadd.s32 @!p0 $0x88, s6;
	s7 =	simm.s32 @p2 $0x1082  }
0x22: {  	[simem:s7], [sflag:s8] =	dma.local @!p0 [hbm:s6], $0xF7A  }
0x23: {  	s9 =	sor.u32 $0xD0000000, s2;
	s6 =	simm.s32 $0x108;
	_ =	swait.ge @!p0 [sflag:s8], $0x0  }
0x24: {  	s3 =	sadd.s32 $0x88, s3;
	s6 =	simm.s32 @!p1 $0x1082;
	[sflag:s4] =	ssyncset.s32 $0xFFFFF086  }
0x25: {  	[simem:s6], [sflag:s4] =	dma.local [hbm:s3], $0xF7A  }
0x26: {  	[smem:$0x3F9D] =	sst s1;
	(tag) =	ssettag s2;
	_ =	strace s9  }
0x27: {  	s1 =	sld [smem:$0x3FAD]  }
0x28: {  	s2 =	sld [smem:$0x3FAE]  }
0x29: {  	s4 =	sld [smem:$0x3FB0]  }
0x2a: {  	p0 =	seq.s32 s5, $0x0;
	s5 =	sld [smem:$0x3FB1]  }
0x2b: {  	s6 =	sld [smem:$0x3FB2]  }
0x2c: {  	s7 =	sld [smem:$0x3FB3]  }
0x2d: {  	s3 =	simm.s32 $0x108;
	s8 =	sld [smem:$0x3FB4]  }
0x2e: {  	s3 =	simm.s32 @!p0 $0x1082;
	s9 =	sld [smem:$0x3FB5]  }
0x2f: {  	lr =	sadd.s32 s0, s3;
	s0 =	sld [smem:$0x3FAC]  }
0x30: {  	s3 =	sld [smem:$0x3FAF]  }
0x31: {  	[smem:$0x3FB8] =	sst s10  }
0x32: {  	s10 =	sld [smem:$0x3FB6];
	_ =	sdelay $0x3  }
0x33: {  	p0 =	seq.s32 s10, $0x1;
	s10 =	sld [smem:$0x3FB8];
	_ =	sdelay $0x3  }
0x34: {  	[smem:$0x3FB8] =	sst s10  }
0x35: {  	s10 =	sld [smem:$0x3FB7];
	_ =	sdelay $0x3  }
0x36: {  	p1 =	seq.s32 s10, $0x1;
	s10 =	sld [smem:$0x3FB8];
	_ =	sdelay $0x3  }
0x37: {  	[smem:$0x3FB8] =	sst s10  }
0x38: {  	s10 =	sld [smem:$0x3FB9]  }
0x39: {  	_ = 	snop;
	(pc) =	sbr.ind lr, $3  }
0x3a: {  	_ = 	snop  }
0x3b: {  	_ = 	snop  }
0x3c: {  	p2 =	seq.s32 s10, $0x1;
	s10 =	sld [smem:$0x3FB8]  }
0x3d: {  	_ =	shalt  }
0x3e: {  	_ =	shalt  }
0x3f: {  	_ =	shalt  }
0x40: {  	_ =	shalt  }
0x41: {  	_ =	shalt  }
0x42: {  	_ =	shalt  }
0x43: {  	_ =	shalt  }
0x44: {  	_ =	shalt  }
0x45: {  	_ =	shalt  }
0x46: {  	_ =	shalt  }
0x47: {  	_ =	shalt  }
0x48: {  	_ =	shalt  }
0x49: {  	_ =	shalt  }
0x4a: {  	_ =	shalt  }
0x4b: {  	_ =	shalt  }
0x4c: {  	_ =	shalt  }
0x4d: {  	_ =	shalt  }
0x4e: {  	_ =	shalt  }
0x4f: {  	_ =	shalt  }
0x50: {  	_ =	shalt  }
0x51: {  	_ =	shalt  }
0x52: {  	_ =	shalt  }
0x53: {  	_ =	shalt  }
0x54: {  	_ =	shalt  }
0x55: {  	_ =	shalt  }
0x56: {  	_ =	shalt  }
0x57: {  	_ =	shalt  }
0x58: {  	_ =	shalt  }
0x59: {  	_ =	shalt  }
0x5a: {  	_ =	shalt  }
0x5b: {  	_ =	shalt  }
0x5c: {  	_ =	shalt  }
0x5d: {  	_ =	shalt  }
0x5e: {  	_ =	shalt  }
0x5f: {  	_ =	shalt  }
0x60: {  	_ =	shalt  }
0x61: {  	_ =	shalt  }
0x62: {  	_ =	shalt  }
0x63: {  	_ =	shalt  }
0x64: {  	_ =	shalt  }
0x65: {  	_ =	shalt  }
0x66: {  	_ =	shalt  }
0x67: {  	_ =	shalt  }
0x68: {  	_ =	shalt  }
0x69: {  	_ =	shalt  }
0x6a: {  	_ =	shalt  }
0x6b: {  	_ =	shalt  }
0x6c: {  	_ =	shalt  }
0x6d: {  	_ =	shalt  }
0x6e: {  	_ =	shalt  }
0x6f: {  	_ =	shalt  }
0x70: {  	_ =	shalt  }
0x71: {  	_ =	shalt  }
0x72: {  	_ =	shalt  }
0x73: {  	_ =	shalt  }
0x74: {  	_ =	shalt  }
0x75: {  	_ =	shalt  }
0x76: {  	_ =	shalt  }
0x77: {  	_ =	shalt  }
0x78: {  	_ =	shalt  }
0x79: {  	_ =	shalt  }
0x7a: {  	_ =	shalt  }
0x7b: {  	_ =	shalt  }
0x7c: {  	_ =	shalt  }
0x7d: {  	_ =	shalt  }
0x7e: {  	_ =	shalt  }
0x7f: {  	_ =	shalt  }
0x80: {  	_ =	shalt  }
0x81: {  	_ =	shalt  }
0x82: {  	_ =	shalt  }
0x83: {  	_ =	shalt  }
0x84: {  	_ =	shalt  }
0x85: {  	_ =	shalt  }
0x86: {  	_ =	shalt  }
0x87: {  	_ =	shalt  }
.Lfunc_end0:
.L_simem_size_0:
called_computation_lowered:
.L_overlay_start_0:
0x88: {  	s2 =	sld [smem:$0x3FD9]  }
0x89: {  	s3 =	sld [smem:$0x3FFE];
	_ =	sdelay $0x1  }
0x8a: {  	s1 =	srdreg.scid  }
0x8b: {  	s0 =	sand.u32 $0x1, s1  }
0x8c: {  	s14 =	sshll.u32 s0, $0xA;
	s2 =	sadd.s32 s3, s2  }
0x8d: {  	s2 =	sadd.s32 s2, s14  }
0x8e: {  	[smem:$0x3FC4] =	sst s2  }
0x8f: {  	_ = 	snop  }
0x90: {  	s2 =	sld [smem:$0x3FD0];
	_ =	sdelay $0x2  }
0x91: {  	s4 =	simm.s32 $0xA;
	s5 =	simm.s32 $0x10;
	s15 =	sld [smem:$0x3FC9]  }
0x92: {  	[smem:s5], [sflag:s4] =	dma.local [hbm:s2], $0x1  }
0x93: {  	_ =	swait.eq [sflag:s4], $0x1  }
0x94: {  	[sflag:s4] =	ssyncset.done $0x0  }
0x95: {  	[sflag:s4] =	ssyncadd.s32 $0xFFFFFFFF  }
0x96: {  	s16 =	sld [smem:$0x10];
	(tm) =	ssettm $0x1  }
0x97: {  	s17 =	sld [smem:$0x3FFB];
	_ =	sdelay $0x3  }
0x98: {  	_ =	strace s17  }
0x99: {  	s4 =	sld [smem:$0x3FFC];
	_ =	sdelay $0x3  }
0x9a: {  	_ =	strace s4  }
0x9b: {  	s4 =	sld [smem:$0x3FFD];
	_ =	sdelay $0x3  }
0x9c: {  	_ =	strace s4  }
0x9d: {  	_ =	strace $0x8FFFFFFF  }
0x9e: {  	s18 =	sld [smem:$0x3FDB];
	_ =	sdelay $0x1  }
0x9f: {  	s19 =	simm.s32 $_scs_section_size  }
0xa0: {  	s6 =	simm.s32 $_size__tile_overlayer_lowered;
	s7 =	simm.s32 $_tile_overlayer_lowered  }
0xa1: {  	s22 =	simm.s32 $0x1BFF;
	s21 =	sshll.u32 s7, $0x1;
	s4 =	sadd.s32 s19, s18  }
0xa2: {  	s8 =	simm.s32 $0x0;
	s20 =	sshll.u32 s6, $0x1;
	s6 =	sadd.s32 s21, s4  }
0xa3: {  	[timem:s8], [sflag:s22] =	dma.local [hbm:s6], s20  }
0xa4: {  	_ =	swait.ge [sflag:s22], s20  }
0xa5: {  	s5 =	ssub.s32 $0x0, s20;
	[sflag:s22] =	ssyncset.done $0x0  }
0xa6: {  	[sflag:s22] =	ssyncadd.s32 s5;
	_ =	sdelay $0x1  }
0xa7: {  	s23 =	simm.s32 $0x1B8B  }
0xa8: {  	_ =	swait.ge [sflag:s23], $0x1  }
0xa9: {  	[sflag:s23] =	ssyncset.done $0x0  }
0xaa: {  	s25 =	simm.s32 $0x1B8E;
	s24 =	sld [smem:$0x3FFE];
	[sflag:s23] =	ssyncadd.s32 $0xFFFFFFFF  }
0xab: {  	s26 =	simm.s32 $execute0_lowered;
	[smem:$0x3FD2] =	sst s25  }
0xac: {  	s6 =	sshll.u32 s26, $0x1;
	_ =	strace $0x80000046;
	[dreg:$0x1] =	wrdreg $0xFFFFFFFF  }
0xad: {  	s28 =	simm.s32 $_size_execute0_lowered;
	s4 =	sadd.s32 s4, s6;
	[dreg:$0x0] =	wrdreg $0x0  }
0xae: {  	s6 =	sshll.u32 s28, $0x1;
	[dreg:$0x2] =	wrdreg s4  }
0xaf: {  	[dreg:$0x3] =	wrdreg s6  }
0xb0: {  	[dreg:$0x4] =	wrdreg $0xC0  }
0xb1: {  	_ =	task [dreg:s8], $0x5FFFF  }
0xb2: {  	[dreg:$0x1] =	wrdreg $0xFFFFFFFF  }
0xb3: {  	[dreg:$0x0] =	wrdreg $0x60  }
0xb4: {  	[dreg:$0x2] =	wrdreg s24  }
0xb5: {  	[dreg:$0x3] =	wrdreg s15  }
0xb6: {  	[dreg:$0x4] =	wrdreg s16  }
0xb7: {  	[dreg:$0x5] =	wrdreg $0x101000  }
0xb8: {  	[dreg:$0x6] =	wrdreg $0x9  }
0xb9: {  	_ =	task.clear_ibuf [dreg:s8], $0x7FFFF;
	_ =	strace $0x90000046  }
0xba: {  	s29 =	simm.s32 $0x9;
	_ =	strace $0x80000048  }
0xbb: {  	_ =	swait.ge [sflag:s29], $0x1  }
0xbc: {  	[sflag:s29] =	ssyncadd.s32 $0xFFFFFFFF  }
0xbd: {  	_ =	strace $0x90000048  }
0xbe: {  	_ =	sfence  }
0xbf: {  	s30 =	sld [smem:$0x0];
	_ =	sdelay $0x2  }
0xc0: {  	s31 =	sshll.u32 s1, $0xD;
	s1 =	sshrl.u32 s1, $0x2  }
0xc1: {  	s3 =	sand.u32 $0x4000, s31;
	s1 =	sadd.s32 s1, s30  }
0xc2: {  	s0 =	sor.u32 s3, s0;
	s1 =	sshll.u32 s1, $0x11  }
0xc3: {  	s0 =	sor.u32 s1, s0  }
0xc4: {  	s0 =	sadd.s32 $0x8F2B, s0  }
0xc5: {  	[sflag:s0] =	ssyncadd.remote.s32 $0x1  }
0xc6: {  	_ =	sfence.sel $0xFFFF  }
0xc7: {  	[dreg:$0x0] =	wrdreg $0xFFFFFFFF;
	(pc) =	sbr.abs _section_cstart, $3  }
0xc8: {  	[dreg:$0x1] =	wrdreg $0xFFFFFFFF  }
0xc9: {  	_ =	task.clear_ibuf [dreg:s8], $0x2FFFF;
	_ =	strace $0x9FFFFFFF  }
0xca: {  	(tm) =	ssettm $0x7FFFFFFF  }
0xcb: {  	_ =	shalt  }
tec
execute0_lowered:
.L_overlay_start_1:
0x0: {  	(tag) =	ssettag $0x1  }
0x1: {  	s3 =	rddreg [dreg:$0x0]  }
0x2: {  	s4 =	rddreg [dreg:$0x1]  }
0x3: {  	s6 =	rddreg [dreg:$0x2]  }
0x4: {  	s1 =	rddreg [dreg:$0x3]  }
0x5: {  	s5 =	srdreg.scid;
	s0 =	rddreg [dreg:$0x4];
	s2 =	simm.s32 $0x0  }
0x6: {  	s8 =	stileid.u32;
	s5 =	sand.u32 $0x1, s5;
	[smem:$0x7FF] =	sst s2  }
0x7: {  	s3 =	sadd.s32 $0x1000, s3;
	s30 =	sshll.u32 s8, $0x1;
	s10 =	sshrl.u32 s8, $0x2  }
0x8: {  	s11 =	sand.u32 $0x3, s8;
	p0 =	sne.s32 s8, $0x0;
	s7 =	ssub.s32 $0x2, s5  }
0x9: {  	_ =	strace $0x80000047;
	s11 =	sshll.u32 s11, $0x10;
	s12 =	sshll.u32 s10, $0x12  }
0xa: {  	s10 =	sshll.u32 s10, $0x4;
	s8 =	sshrl.u32 @!p0 s1, $0x3;
	s9 =	sshrl.u32 s7, $0x1  }
0xb: {  	s11 =	sor.u32 s11, s12;
	s7 =	ssub.s32 s7, s9;
	s9 =	sand.u32 $0x6, s30  }
0xc: {  	s4 =	sadd.s32 s4, s10;
	s10 =	simm.s32 $0x2;
	s9 =	sor.u32 s5, s9  }
0xd: {  	s12 =	simm.s32 $0x0;
	s5 =	sshll.u32 s5, $0xF;
	s9 =	sshll.u32 s9, $0x7  }
0xe: {  	s31 =	sor.u32 s11, s5;
	s5 =	smax.u32 s7, $0x1;
	s7 =	simm.s32 $0x200  }
0xf: {  	s11 =	simm.s32 $0x1;
	s4 =	sadd.s32 s9, s4;
	s6 =	sadd.s32 s31, s6  }
0x10: {  	s9 =	simm.s32 $0x100;
	[dreg:$0x5] =	wrdreg s6;
	s6 =	simm.s32 $0x80  }
.LBB2_1:
0x11: {  	[tilespmem:s2], [sflag:$0x2] =	stream.strided.gather [hbm4b:s4+s6], $0x100, s7, s6, $0x38;
	[tilespmem:$0x11100] =	vst v63  }
0x12: {  	s13 =	simm.s32 @!p0 $0x1C03  }
0x13: {  	[spmem:s8], [sflag:s13] =	dma.local @!p0 [hbm:s3], $0x2000  }
0x14: {  	s13 =	simm.s32 @!p0 $0x3  }
0x15: {  	_ =	swait.ge @!p0 [sflag:s13], $0x2000  }
0x16: {  	[sflag:s13] =	ssyncset.done @!p0 $0x0  }
0x17: {  	[sflag:s13] =	ssyncadd.s32 @!p0 $0xFFFFE000  }
0x18: {  	[bflag:$0x0] =	sbarrier.arrive $0xFFFF  }
0x19: {  	[tilespmem:s9], [sflag:$0x2] =	stream.linear.gather [spmem:s1], $0x10000, $0x38;
	[tilespmem:$0x11100] =	vst v63  }
0x1a: {  	_ =	swait.ge [sflag:s10], $0x10000  }
0x1b: {  	[sflag:s10] =	ssyncset.done $0x0  }
0x1c: {  	[sflag:s10] =	ssyncadd.s32 $0xFFFF0000  }
0x1d: {  	_ =	swait.ge [sflag:s10], $0x100  }
0x1e: {  	s14 =	simm.s32 $0x0;
	[sflag:s10] =	ssyncset.done $0x0  }
0x1f: {  	s15 =	simm.s32 $0x0;
	s13 =	simm.s32 $0x0;
	[sflag:s10] =	ssyncadd.s32 $0xFFFFFF00  }
.LBB2_2:
0x20: {  	v0 =	vld [tilespmem:s13+$0x0];
	_ =	sdelay $0x4  }
0x21: {  	(v2sf) =	vpush v0, $0x0;
	_ =	sdelay $0xe  }
0x22: {  	s16 =	spop (v2sf)  }
0x23: {  	(v2sf) =	vpush v0, $0x1;
	s18 =	sshll.u32 s16, $0xA;
	s16 =	sshll.u32 s16, $0x7  }
0x24: {  	s18 =	sand.u32 $0xFFFFE000, s18;
	s16 =	sand.u32 $0x380, s16  }
0x25: {  	s17 =	rddreg [dreg:$0x5];
	s18 =	sor.u32 s16, s18  }
0x26: {  	s16 =	sadd.s32 s14, s17;
	s25 =	sadd.s32 $0x100, s18  }
0x27: {  	[hbm4b:s16+s2] =	stream.linear.scatter [tilespmem:s25], [sflag:$0x1], $0x80, $0x38;
	[tilespmem:$0x11100] =	vst v63  }
0x28: {  	s26 =	sadd.s32 $0x500, s18;
	s19 =	sadd.s32 $0x80, s16  }
0x29: {  	[hbm4b:s19+s2] =	stream.linear.scatter [tilespmem:s26], [sflag:$0x1], $0x80, $0x38;
	[tilespmem:$0x11100] =	vst v63  }
0x2a: {  	s28 =	sadd.s32 $0x900, s18;
	s29 =	sadd.s32 $0x100, s16  }
0x2b: {  	[hbm4b:s29+s2] =	stream.linear.scatter [tilespmem:s28], [sflag:$0x1], $0x80, $0x38;
	[tilespmem:$0x11100] =	vst v63  }
0x2c: {  	s30 =	sadd.s32 $0xD00, s18;
	s31 =	sadd.s32 $0x180, s16  }
0x2d: {  	[hbm4b:s31+s2] =	stream.linear.scatter [tilespmem:s30], [sflag:$0x1], $0x80, $0x38;
	[tilespmem:$0x11100] =	vst v63  }
0x2e: {  	s20 =	sadd.s32 $0x200, s16;
	s19 =	sadd.s32 $0x1100, s18  }
0x2f: {  	[hbm4b:s20+s2] =	stream.linear.scatter [tilespmem:s19], [sflag:$0x1], $0x80, $0x38;
	[tilespmem:$0x11100] =	vst v63  }
0x30: {  	s21 =	sadd.s32 $0x1500, s18;
	s22 =	sadd.s32 $0x280, s16  }
0x31: {  	[hbm4b:s22+s2] =	stream.linear.scatter [tilespmem:s21], [sflag:$0x1], $0x80, $0x38;
	[tilespmem:$0x11100] =	vst v63  }
0x32: {  	s23 =	sadd.s32 $0x1900, s18;
	s28 =	spop (v2sf)  }
0x33: {  	s24 =	sadd.s32 $0x300, s16;
	s29 =	sshll.u32 s28, $0xA;
	s17 =	sshll.u32 s28, $0x7  }
0x34: {  	[hbm4b:s24+s2] =	stream.linear.scatter [tilespmem:s23], [sflag:$0x1], $0x80, $0x38;
	[tilespmem:$0x11100] =	vst v63  }
0x35: {  	s25 =	sadd.s32 $0x1D00, s18;
	s18 =	sand.u32 $0xFFFFE000, s29;
	s17 =	sand.u32 $0x380, s17  }
0x36: {  	s26 =	sadd.s32 $0x380, s16;
	s17 =	sor.u32 s17, s18  }
0x37: {  	(v2sf) =	vpush v0, $0x2;
	[hbm4b:s26+s2] =	stream.linear.scatter [tilespmem:s25], [sflag:$0x1], $0x80, $0x38;
	[tilespmem:$0x11100] =	vst v63  }
0x38: {  	s30 =	sadd.s32 $0x10, s16;
	s31 =	sadd.s32 $0x100, s17  }
0x39: {  	[hbm4b:s30+s2] =	stream.linear.scatter [tilespmem:s31], [sflag:$0x1], $0x80, $0x38;
	[tilespmem:$0x11100] =	vst v63  }
0x3a: {  	s20 =	sadd.s32 $0x90, s16;
	s19 =	sadd.s32 $0x500, s17  }
0x3b: {  	[hbm4b:s20+s2] =	stream.linear.scatter [tilespmem:s19], [sflag:$0x1], $0x80, $0x38;
	[tilespmem:$0x11100] =	vst v63  }
0x3c: {  	s22 =	sadd.s32 $0x110, s16;
	s21 =	sadd.s32 $0x900, s17  }
0x3d: {  	[hbm4b:s22+s2] =	stream.linear.scatter [tilespmem:s21], [sflag:$0x1], $0x80, $0x38;
	[tilespmem:$0x11100] =	vst v63  }
0x3e: {  	s24 =	sadd.s32 $0x190, s16;
	s23 =	sadd.s32 $0xD00, s17  }
0x3f: {  	[hbm4b:s24+s2] =	stream.linear.scatter [tilespmem:s23], [sflag:$0x1], $0x80, $0x38;
	[tilespmem:$0x11100] =	vst v63  }
0x40: {  	s25 =	sadd.s32 $0x1100, s17;
	s26 =	sadd.s32 $0x210, s16  }
0x41: {  	[hbm4b:s26+s2] =	stream.linear.scatter [tilespmem:s25], [sflag:$0x1], $0x80, $0x38;
	[tilespmem:$0x11100] =	vst v63  }
0x42: {  	s29 =	sadd.s32 $0x290, s16;
	s28 =	sadd.s32 $0x1500, s17  }
0x43: {  	[hbm4b:s29+s2] =	stream.linear.scatter [tilespmem:s28], [sflag:$0x1], $0x80, $0x38;
	[tilespmem:$0x11100] =	vst v63  }
0x44: {  	s30 =	sadd.s32 $0x1900, s17;
	s31 =	sadd.s32 $0x310, s16  }
0x45: {  	[hbm4b:s31+s2] =	stream.linear.scatter [tilespmem:s30], [sflag:$0x1], $0x80, $0x38;
	[tilespmem:$0x11100] =	vst v63  }
0x46: {  	s17 =	sadd.s32 $0x1D00, s17;
	s20 =	sadd.s32 $0x390, s16;
	s21 =	spop (v2sf)  }
0x47: {  	[hbm4b:s20+s2] =	stream.linear.scatter [tilespmem:s17], [sflag:$0x1], $0x80, $0x38;
	[tilespmem:$0x11100] =	vst v63  }
0x48: {  	s22 =	sshll.u32 s21, $0xA;
	s17 =	sshll.u32 s21, $0x7  }
0x49: {  	s18 =	sand.u32 $0xFFFFE000, s22;
	s17 =	sand.u32 $0x380, s17  }
0x4a: {  	(v2sf) =	vpush v0, $0x3;
	s17 =	sor.u32 s17, s18  }
0x4b: {  	s23 =	sadd.s32 $0x20, s16;
	s24 =	sadd.s32 $0x100, s17  }
0x4c: {  	[hbm4b:s23+s2] =	stream.linear.scatter [tilespmem:s24], [sflag:$0x1], $0x80, $0x38;
	[tilespmem:$0x11100] =	vst v63  }
0x4d: {  	s26 =	sadd.s32 $0xA0, s16;
	s25 =	sadd.s32 $0x500, s17  }
0x4e: {  	[hbm4b:s26+s2] =	stream.linear.scatter [tilespmem:s25], [sflag:$0x1], $0x80, $0x38;
	[tilespmem:$0x11100] =	vst v63  }
0x4f: {  	s29 =	sadd.s32 $0x120, s16;
	s28 =	sadd.s32 $0x900, s17  }
0x50: {  	[hbm4b:s29+s2] =	stream.linear.scatter [tilespmem:s28], [sflag:$0x1], $0x80, $0x38;
	[tilespmem:$0x11100] =	vst v63  }
0x51: {  	s31 =	sadd.s32 $0x1A0, s16;
	s30 =	sadd.s32 $0xD00, s17  }
0x52: {  	[hbm4b:s31+s2] =	stream.linear.scatter [tilespmem:s30], [sflag:$0x1], $0x80, $0x38;
	[tilespmem:$0x11100] =	vst v63  }
0x53: {  	s21 =	sadd.s32 $0x220, s16;
	s20 =	sadd.s32 $0x1100, s17  }
0x54: {  	[hbm4b:s21+s2] =	stream.linear.scatter [tilespmem:s20], [sflag:$0x1], $0x80, $0x38;
	[tilespmem:$0x11100] =	vst v63  }
0x55: {  	s22 =	sadd.s32 $0x1500, s17;
	s23 =	sadd.s32 $0x2A0, s16  }
0x56: {  	[hbm4b:s23+s2] =	stream.linear.scatter [tilespmem:s22], [sflag:$0x1], $0x80, $0x38;
	[tilespmem:$0x11100] =	vst v63  }
0x57: {  	s24 =	sadd.s32 $0x1900, s17;
	s25 =	sadd.s32 $0x320, s16  }
0x58: {  	[hbm4b:s25+s2] =	stream.linear.scatter [tilespmem:s24], [sflag:$0x1], $0x80, $0x38;
	[tilespmem:$0x11100] =	vst v63  }
0x59: {  	s17 =	sadd.s32 $0x1D00, s17;
	s26 =	sadd.s32 $0x3A0, s16;
	s28 =	spop (v2sf)  }
0x5a: {  	[hbm4b:s26+s2] =	stream.linear.scatter [tilespmem:s17], [sflag:$0x1], $0x80, $0x38;
	[tilespmem:$0x11100] =	vst v63  }
0x5b: {  	s29 =	sshll.u32 s28, $0xA;
	s17 =	sshll.u32 s28, $0x7  }
0x5c: {  	s18 =	sand.u32 $0xFFFFE000, s29;
	s17 =	sand.u32 $0x380, s17  }
0x5d: {  	(v2sf) =	vpush v0, $0x4;
	s17 =	sor.u32 s17, s18  }
0x5e: {  	s30 =	sadd.s32 $0x30, s16;
	s31 =	sadd.s32 $0x100, s17  }
0x5f: {  	[hbm4b:s30+s2] =	stream.linear.scatter [tilespmem:s31], [sflag:$0x1], $0x80, $0x38;
	[tilespmem:$0x11100] =	vst v63  }
0x60: {  	s20 =	sadd.s32 $0xB0, s16;
	s19 =	sadd.s32 $0x500, s17  }
0x61: {  	[hbm4b:s20+s2] =	stream.linear.scatter [tilespmem:s19], [sflag:$0x1], $0x80, $0x38;
	[tilespmem:$0x11100] =	vst v63  }
0x62: {  	s22 =	sadd.s32 $0x130, s16;
	s21 =	sadd.s32 $0x900, s17  }
0x63: {  	[hbm4b:s22+s2] =	stream.linear.scatter [tilespmem:s21], [sflag:$0x1], $0x80, $0x38;
	[tilespmem:$0x11100] =	vst v63  }
0x64: {  	s24 =	sadd.s32 $0x1B0, s16;
	s23 =	sadd.s32 $0xD00, s17  }
0x65: {  	[hbm4b:s24+s2] =	stream.linear.scatter [tilespmem:s23], [sflag:$0x1], $0x80, $0x38;
	[tilespmem:$0x11100] =	vst v63  }
0x66: {  	s26 =	sadd.s32 $0x230, s16;
	s25 =	sadd.s32 $0x1100, s17  }
0x67: {  	[hbm4b:s26+s2] =	stream.linear.scatter [tilespmem:s25], [sflag:$0x1], $0x80, $0x38;
	[tilespmem:$0x11100] =	vst v63  }
0x68: {  	s29 =	sadd.s32 $0x2B0, s16;
	s28 =	sadd.s32 $0x1500, s17  }
0x69: {  	[hbm4b:s29+s2] =	stream.linear.scatter [tilespmem:s28], [sflag:$0x1], $0x80, $0x38;
	[tilespmem:$0x11100] =	vst v63  }
0x6a: {  	s30 =	sadd.s32 $0x1900, s17;
	s31 =	sadd.s32 $0x330, s16  }
0x6b: {  	[hbm4b:s31+s2] =	stream.linear.scatter [tilespmem:s30], [sflag:$0x1], $0x80, $0x38;
	[tilespmem:$0x11100] =	vst v63  }
0x6c: {  	s17 =	sadd.s32 $0x1D00, s17;
	s20 =	sadd.s32 $0x3B0, s16;
	s21 =	spop (v2sf)  }
0x6d: {  	[hbm4b:s20+s2] =	stream.linear.scatter [tilespmem:s17], [sflag:$0x1], $0x80, $0x38;
	[tilespmem:$0x11100] =	vst v63  }
0x6e: {  	s22 =	sshll.u32 s21, $0xA;
	s17 =	sshll.u32 s21, $0x7  }
0x6f: {  	s18 =	sand.u32 $0xFFFFE000, s22;
	s17 =	sand.u32 $0x380, s17  }
0x70: {  	(v2sf) =	vpush v0, $0x5;
	s17 =	sor.u32 s17, s18  }
0x71: {  	s23 =	sadd.s32 $0x40, s16;
	s24 =	sadd.s32 $0x100, s17  }
0x72: {  	[hbm4b:s23+s2] =	stream.linear.scatter [tilespmem:s24], [sflag:$0x1], $0x80, $0x38;
	[tilespmem:$0x11100] =	vst v63  }
0x73: {  	s26 =	sadd.s32 $0xC0, s16;
	s25 =	sadd.s32 $0x500, s17  }
0x74: {  	[hbm4b:s26+s2] =	stream.linear.scatter [tilespmem:s25], [sflag:$0x1], $0x80, $0x38;
	[tilespmem:$0x11100] =	vst v63  }
0x75: {  	s29 =	sadd.s32 $0x140, s16;
	s28 =	sadd.s32 $0x900, s17  }
0x76: {  	[hbm4b:s29+s2] =	stream.linear.scatter [tilespmem:s28], [sflag:$0x1], $0x80, $0x38;
	[tilespmem:$0x11100] =	vst v63  }
0x77: {  	s31 =	sadd.s32 $0x1C0, s16;
	s30 =	sadd.s32 $0xD00, s17  }
0x78: {  	[hbm4b:s31+s2] =	stream.linear.scatter [tilespmem:s30], [sflag:$0x1], $0x80, $0x38;
	[tilespmem:$0x11100] =	vst v63  }
0x79: {  	s21 =	sadd.s32 $0x240, s16;
	s20 =	sadd.s32 $0x1100, s17  }
0x7a: {  	[hbm4b:s21+s2] =	stream.linear.scatter [tilespmem:s20], [sflag:$0x1], $0x80, $0x38;
	[tilespmem:$0x11100] =	vst v63  }
0x7b: {  	s22 =	sadd.s32 $0x1500, s17;
	s23 =	sadd.s32 $0x2C0, s16  }
0x7c: {  	[hbm4b:s23+s2] =	stream.linear.scatter [tilespmem:s22], [sflag:$0x1], $0x80, $0x38;
	[tilespmem:$0x11100] =	vst v63  }
0x7d: {  	s24 =	sadd.s32 $0x1900, s17;
	s25 =	sadd.s32 $0x340, s16  }
0x7e: {  	[hbm4b:s25+s2] =	stream.linear.scatter [tilespmem:s24], [sflag:$0x1], $0x80, $0x38;
	[tilespmem:$0x11100] =	vst v63  }
0x7f: {  	s17 =	sadd.s32 $0x1D00, s17;
	s26 =	sadd.s32 $0x3C0, s16;
	s28 =	spop (v2sf)  }
0x80: {  	[hbm4b:s26+s2] =	stream.linear.scatter [tilespmem:s17], [sflag:$0x1], $0x80, $0x38;
	[tilespmem:$0x11100] =	vst v63  }
0x81: {  	s29 =	sshll.u32 s28, $0xA;
	s17 =	sshll.u32 s28, $0x7  }
0x82: {  	s18 =	sand.u32 $0xFFFFE000, s29;
	s17 =	sand.u32 $0x380, s17  }
0x83: {  	(v2sf) =	vpush v0, $0x6;
	s17 =	sor.u32 s17, s18  }
0x84: {  	s30 =	sadd.s32 $0x50, s16;
	s31 =	sadd.s32 $0x100, s17  }
0x85: {  	[hbm4b:s30+s2] =	stream.linear.scatter [tilespmem:s31], [sflag:$0x1], $0x80, $0x38;
	[tilespmem:$0x11100] =	vst v63  }
0x86: {  	s20 =	sadd.s32 $0xD0, s16;
	s19 =	sadd.s32 $0x500, s17  }
0x87: {  	[hbm4b:s20+s2] =	stream.linear.scatter [tilespmem:s19], [sflag:$0x1], $0x80, $0x38;
	[tilespmem:$0x11100] =	vst v63  }
0x88: {  	s22 =	sadd.s32 $0x150, s16;
	s21 =	sadd.s32 $0x900, s17  }
0x89: {  	[hbm4b:s22+s2] =	stream.linear.scatter [tilespmem:s21], [sflag:$0x1], $0x80, $0x38;
	[tilespmem:$0x11100] =	vst v63  }
0x8a: {  	s24 =	sadd.s32 $0x1D0, s16;
	s23 =	sadd.s32 $0xD00, s17  }
0x8b: {  	[hbm4b:s24+s2] =	stream.linear.scatter [tilespmem:s23], [sflag:$0x1], $0x80, $0x38;
	[tilespmem:$0x11100] =	vst v63  }
0x8c: {  	s26 =	sadd.s32 $0x250, s16;
	s25 =	sadd.s32 $0x1100, s17  }
0x8d: {  	[hbm4b:s26+s2] =	stream.linear.scatter [tilespmem:s25], [sflag:$0x1], $0x80, $0x38;
	[tilespmem:$0x11100] =	vst v63  }
0x8e: {  	s29 =	sadd.s32 $0x2D0, s16;
	s28 =	sadd.s32 $0x1500, s17  }
0x8f: {  	[hbm4b:s29+s2] =	stream.linear.scatter [tilespmem:s28], [sflag:$0x1], $0x80, $0x38;
	[tilespmem:$0x11100] =	vst v63  }
0x90: {  	s30 =	sadd.s32 $0x1900, s17;
	s31 =	sadd.s32 $0x350, s16  }
0x91: {  	[hbm4b:s31+s2] =	stream.linear.scatter [tilespmem:s30], [sflag:$0x1], $0x80, $0x38;
	[tilespmem:$0x11100] =	vst v63  }
0x92: {  	s17 =	sadd.s32 $0x1D00, s17;
	s20 =	sadd.s32 $0x3D0, s16;
	s21 =	spop (v2sf)  }
0x93: {  	[hbm4b:s20+s2] =	stream.linear.scatter [tilespmem:s17], [sflag:$0x1], $0x80, $0x38;
	[tilespmem:$0x11100] =	vst v63  }
0x94: {  	s22 =	sshll.u32 s21, $0xA;
	s17 =	sshll.u32 s21, $0x7  }
0x95: {  	s18 =	sand.u32 $0xFFFFE000, s22;
	s17 =	sand.u32 $0x380, s17  }
0x96: {  	(v2sf) =	vpush v0, $0x7;
	s17 =	sor.u32 s17, s18  }
0x97: {  	s23 =	sadd.s32 $0x60, s16;
	s24 =	sadd.s32 $0x100, s17  }
0x98: {  	[hbm4b:s23+s2] =	stream.linear.scatter [tilespmem:s24], [sflag:$0x1], $0x80, $0x38;
	[tilespmem:$0x11100] =	vst v63  }
0x99: {  	s26 =	sadd.s32 $0xE0, s16;
	s25 =	sadd.s32 $0x500, s17  }
0x9a: {  	[hbm4b:s26+s2] =	stream.linear.scatter [tilespmem:s25], [sflag:$0x1], $0x80, $0x38;
	[tilespmem:$0x11100] =	vst v63  }
0x9b: {  	s29 =	sadd.s32 $0x160, s16;
	s28 =	sadd.s32 $0x900, s17  }
0x9c: {  	[hbm4b:s29+s2] =	stream.linear.scatter [tilespmem:s28], [sflag:$0x1], $0x80, $0x38;
	[tilespmem:$0x11100] =	vst v63  }
0x9d: {  	s31 =	sadd.s32 $0x1E0, s16;
	s30 =	sadd.s32 $0xD00, s17  }
0x9e: {  	[hbm4b:s31+s2] =	stream.linear.scatter [tilespmem:s30], [sflag:$0x1], $0x80, $0x38;
	[tilespmem:$0x11100] =	vst v63  }
0x9f: {  	s21 =	sadd.s32 $0x260, s16;
	s20 =	sadd.s32 $0x1100, s17  }
0xa0: {  	[hbm4b:s21+s2] =	stream.linear.scatter [tilespmem:s20], [sflag:$0x1], $0x80, $0x38;
	[tilespmem:$0x11100] =	vst v63  }
0xa1: {  	s22 =	sadd.s32 $0x1500, s17;
	s23 =	sadd.s32 $0x2E0, s16  }
0xa2: {  	[hbm4b:s23+s2] =	stream.linear.scatter [tilespmem:s22], [sflag:$0x1], $0x80, $0x38;
	[tilespmem:$0x11100] =	vst v63  }
0xa3: {  	s24 =	sadd.s32 $0x1900, s17;
	s25 =	sadd.s32 $0x360, s16  }
0xa4: {  	[hbm4b:s25+s2] =	stream.linear.scatter [tilespmem:s24], [sflag:$0x1], $0x80, $0x38;
	[tilespmem:$0x11100] =	vst v63  }
0xa5: {  	s17 =	sadd.s32 $0x1D00, s17;
	s26 =	sadd.s32 $0x3E0, s16;
	s28 =	spop (v2sf)  }
0xa6: {  	[hbm4b:s26+s2] =	stream.linear.scatter [tilespmem:s17], [sflag:$0x1], $0x80, $0x38;
	[tilespmem:$0x11100] =	vst v63  }
0xa7: {  	s29 =	sshll.u32 s28, $0xA;
	s17 =	sshll.u32 s28, $0x7  }
0xa8: {  	s18 =	sand.u32 $0xFFFFE000, s29;
	s17 =	sand.u32 $0x380, s17  }
0xa9: {  	(v2sf) =	vpush v0, $0x8;
	s17 =	sor.u32 s17, s18  }
0xaa: {  	s30 =	sadd.s32 $0x70, s16;
	s31 =	sadd.s32 $0x100, s17  }
0xab: {  	[hbm4b:s30+s2] =	stream.linear.scatter [tilespmem:s31], [sflag:$0x1], $0x80, $0x38;
	[tilespmem:$0x11100] =	vst v63  }
0xac: {  	s20 =	sadd.s32 $0xF0, s16;
	s19 =	sadd.s32 $0x500, s17  }
0xad: {  	[hbm4b:s20+s2] =	stream.linear.scatter [tilespmem:s19], [sflag:$0x1], $0x80, $0x38;
	[tilespmem:$0x11100] =	vst v63  }
0xae: {  	s22 =	sadd.s32 $0x170, s16;
	s21 =	sadd.s32 $0x900, s17  }
0xaf: {  	[hbm4b:s22+s2] =	stream.linear.scatter [tilespmem:s21], [sflag:$0x1], $0x80, $0x38;
	[tilespmem:$0x11100] =	vst v63  }
0xb0: {  	s24 =	sadd.s32 $0x1F0, s16;
	s23 =	sadd.s32 $0xD00, s17  }
0xb1: {  	[hbm4b:s24+s2] =	stream.linear.scatter [tilespmem:s23], [sflag:$0x1], $0x80, $0x38;
	[tilespmem:$0x11100] =	vst v63  }
0xb2: {  	s26 =	sadd.s32 $0x270, s16;
	s25 =	sadd.s32 $0x1100, s17  }
0xb3: {  	[hbm4b:s26+s2] =	stream.linear.scatter [tilespmem:s25], [sflag:$0x1], $0x80, $0x38;
	[tilespmem:$0x11100] =	vst v63  }
0xb4: {  	s29 =	sadd.s32 $0x2F0, s16;
	s28 =	sadd.s32 $0x1500, s17  }
0xb5: {  	[hbm4b:s29+s2] =	stream.linear.scatter [tilespmem:s28], [sflag:$0x1], $0x80, $0x38;
	[tilespmem:$0x11100] =	vst v63  }
0xb6: {  	s30 =	sadd.s32 $0x1900, s17;
	s31 =	sadd.s32 $0x370, s16  }
0xb7: {  	[hbm4b:s31+s2] =	stream.linear.scatter [tilespmem:s30], [sflag:$0x1], $0x80, $0x38;
	[tilespmem:$0x11100] =	vst v63  }
0xb8: {  	s17 =	sadd.s32 $0x1D00, s17;
	s20 =	sadd.s32 $0x3F0, s16;
	s21 =	spop (v2sf)  }
0xb9: {  	[hbm4b:s20+s2] =	stream.linear.scatter [tilespmem:s17], [sflag:$0x1], $0x80, $0x38;
	[tilespmem:$0x11100] =	vst v63  }
0xba: {  	s22 =	sshll.u32 s21, $0xA;
	s17 =	sshll.u32 s21, $0x7  }
0xbb: {  	s18 =	sand.u32 $0xFFFFE000, s22;
	s17 =	sand.u32 $0x380, s17  }
0xbc: {  	(v2sf) =	vpush v0, $0x9;
	s17 =	sor.u32 s17, s18  }
0xbd: {  	s23 =	sadd.s32 $0x400, s16;
	s24 =	sadd.s32 $0x100, s17  }
0xbe: {  	[hbm4b:s23+s2] =	stream.linear.scatter [tilespmem:s24], [sflag:$0x1], $0x80, $0x38;
	[tilespmem:$0x11100] =	vst v63  }
0xbf: {  	s26 =	sadd.s32 $0x480, s16;
	s25 =	sadd.s32 $0x500, s17  }
0xc0: {  	[hbm4b:s26+s2] =	stream.linear.scatter [tilespmem:s25], [sflag:$0x1], $0x80, $0x38;
	[tilespmem:$0x11100] =	vst v63  }
0xc1: {  	s29 =	sadd.s32 $0x500, s16;
	s28 =	sadd.s32 $0x900, s17  }
0xc2: {  	[hbm4b:s29+s2] =	stream.linear.scatter [tilespmem:s28], [sflag:$0x1], $0x80, $0x38;
	[tilespmem:$0x11100] =	vst v63  }
0xc3: {  	s31 =	sadd.s32 $0x580, s16;
	s30 =	sadd.s32 $0xD00, s17  }
0xc4: {  	[hbm4b:s31+s2] =	stream.linear.scatter [tilespmem:s30], [sflag:$0x1], $0x80, $0x38;
	[tilespmem:$0x11100] =	vst v63  }
0xc5: {  	s21 =	sadd.s32 $0x600, s16;
	s20 =	sadd.s32 $0x1100, s17  }
0xc6: {  	[hbm4b:s21+s2] =	stream.linear.scatter [tilespmem:s20], [sflag:$0x1], $0x80, $0x38;
	[tilespmem:$0x11100] =	vst v63  }
0xc7: {  	s22 =	sadd.s32 $0x1500, s17;
	s23 =	sadd.s32 $0x680, s16  }
0xc8: {  	[hbm4b:s23+s2] =	stream.linear.scatter [tilespmem:s22], [sflag:$0x1], $0x80, $0x38;
	[tilespmem:$0x11100] =	vst v63  }
0xc9: {  	s24 =	sadd.s32 $0x1900, s17;
	s25 =	sadd.s32 $0x700, s16  }
0xca: {  	[hbm4b:s25+s2] =	stream.linear.scatter [tilespmem:s24], [sflag:$0x1], $0x80, $0x38;
	[tilespmem:$0x11100] =	vst v63  }
0xcb: {  	s17 =	sadd.s32 $0x1D00, s17;
	s26 =	sadd.s32 $0x780, s16;
	s28 =	spop (v2sf)  }
0xcc: {  	[hbm4b:s26+s2] =	stream.linear.scatter [tilespmem:s17], [sflag:$0x1], $0x80, $0x38;
	[tilespmem:$0x11100] =	vst v63  }
0xcd: {  	s29 =	sshll.u32 s28, $0xA;
	s17 =	sshll.u32 s28, $0x7  }
0xce: {  	s18 =	sand.u32 $0xFFFFE000, s29;
	s17 =	sand.u32 $0x380, s17  }
0xcf: {  	(v2sf) =	vpush v0, $0xA;
	s17 =	sor.u32 s17, s18  }
0xd0: {  	s30 =	sadd.s32 $0x410, s16;
	s31 =	sadd.s32 $0x100, s17  }
0xd1: {  	[hbm4b:s30+s2] =	stream.linear.scatter [tilespmem:s31], [sflag:$0x1], $0x80, $0x38;
	[tilespmem:$0x11100] =	vst v63  }
0xd2: {  	s20 =	sadd.s32 $0x490, s16;
	s19 =	sadd.s32 $0x500, s17  }
0xd3: {  	[hbm4b:s20+s2] =	stream.linear.scatter [tilespmem:s19], [sflag:$0x1], $0x80, $0x38;
	[tilespmem:$0x11100] =	vst v63  }
0xd4: {  	s22 =	sadd.s32 $0x510, s16;
	s21 =	sadd.s32 $0x900, s17  }
0xd5: {  	[hbm4b:s22+s2] =	stream.linear.scatter [tilespmem:s21], [sflag:$0x1], $0x80, $0x38;
	[tilespmem:$0x11100] =	vst v63  }
0xd6: {  	s24 =	sadd.s32 $0x590, s16;
	s23 =	sadd.s32 $0xD00, s17  }
0xd7: {  	[hbm4b:s24+s2] =	stream.linear.scatter [tilespmem:s23], [sflag:$0x1], $0x80, $0x38;
	[tilespmem:$0x11100] =	vst v63  }
0xd8: {  	s26 =	sadd.s32 $0x610, s16;
	s25 =	sadd.s32 $0x1100, s17  }
0xd9: {  	[hbm4b:s26+s2] =	stream.linear.scatter [tilespmem:s25], [sflag:$0x1], $0x80, $0x38;
	[tilespmem:$0x11100] =	vst v63  }
0xda: {  	s29 =	sadd.s32 $0x690, s16;
	s28 =	sadd.s32 $0x1500, s17  }
0xdb: {  	[hbm4b:s29+s2] =	stream.linear.scatter [tilespmem:s28], [sflag:$0x1], $0x80, $0x38;
	[tilespmem:$0x11100] =	vst v63  }
0xdc: {  	s30 =	sadd.s32 $0x1900, s17;
	s31 =	sadd.s32 $0x710, s16  }
0xdd: {  	[hbm4b:s31+s2] =	stream.linear.scatter [tilespmem:s30], [sflag:$0x1], $0x80, $0x38;
	[tilespmem:$0x11100] =	vst v63  }
0xde: {  	s17 =	sadd.s32 $0x1D00, s17;
	s20 =	sadd.s32 $0x790, s16;
	s21 =	spop (v2sf)  }
0xdf: {  	[hbm4b:s20+s2] =	stream.linear.scatter [tilespmem:s17], [sflag:$0x1], $0x80, $0x38;
	[tilespmem:$0x11100] =	vst v63  }
0xe0: {  	s22 =	sshll.u32 s21, $0xA;
	s17 =	sshll.u32 s21, $0x7  }
0xe1: {  	s18 =	sand.u32 $0xFFFFE000, s22;
	s17 =	sand.u32 $0x380, s17  }
0xe2: {  	(v2sf) =	vpush v0, $0xB;
	s17 =	sor.u32 s17, s18  }
0xe3: {  	s23 =	sadd.s32 $0x420, s16;
	s24 =	sadd.s32 $0x100, s17  }
0xe4: {  	[hbm4b:s23+s2] =	stream.linear.scatter [tilespmem:s24], [sflag:$0x1], $0x80, $0x38;
	[tilespmem:$0x11100] =	vst v63  }
0xe5: {  	s26 =	sadd.s32 $0x4A0, s16;
	s25 =	sadd.s32 $0x500, s17  }
0xe6: {  	[hbm4b:s26+s2] =	stream.linear.scatter [tilespmem:s25], [sflag:$0x1], $0x80, $0x38;
	[tilespmem:$0x11100] =	vst v63  }
0xe7: {  	s29 =	sadd.s32 $0x520, s16;
	s28 =	sadd.s32 $0x900, s17  }
0xe8: {  	[hbm4b:s29+s2] =	stream.linear.scatter [tilespmem:s28], [sflag:$0x1], $0x80, $0x38;
	[tilespmem:$0x11100] =	vst v63  }
0xe9: {  	s31 =	sadd.s32 $0x5A0, s16;
	s30 =	sadd.s32 $0xD00, s17  }
0xea: {  	[hbm4b:s31+s2] =	stream.linear.scatter [tilespmem:s30], [sflag:$0x1], $0x80, $0x38;
	[tilespmem:$0x11100] =	vst v63  }
0xeb: {  	s21 =	sadd.s32 $0x620, s16;
	s20 =	sadd.s32 $0x1100, s17  }
0xec: {  	[hbm4b:s21+s2] =	stream.linear.scatter [tilespmem:s20], [sflag:$0x1], $0x80, $0x38;
	[tilespmem:$0x11100] =	vst v63  }
0xed: {  	s22 =	sadd.s32 $0x1500, s17;
	s23 =	sadd.s32 $0x6A0, s16  }
0xee: {  	[hbm4b:s23+s2] =	stream.linear.scatter [tilespmem:s22], [sflag:$0x1], $0x80, $0x38;
	[tilespmem:$0x11100] =	vst v63  }
0xef: {  	s24 =	sadd.s32 $0x1900, s17;
	s25 =	sadd.s32 $0x720, s16  }
0xf0: {  	[hbm4b:s25+s2] =	stream.linear.scatter [tilespmem:s24], [sflag:$0x1], $0x80, $0x38;
	[tilespmem:$0x11100] =	vst v63  }
0xf1: {  	s17 =	sadd.s32 $0x1D00, s17;
	s26 =	sadd.s32 $0x7A0, s16;
	s28 =	spop (v2sf)  }
0xf2: {  	[hbm4b:s26+s2] =	stream.linear.scatter [tilespmem:s17], [sflag:$0x1], $0x80, $0x38;
	[tilespmem:$0x11100] =	vst v63  }
0xf3: {  	s29 =	sshll.u32 s28, $0xA;
	s17 =	sshll.u32 s28, $0x7  }
0xf4: {  	s18 =	sand.u32 $0xFFFFE000, s29;
	s17 =	sand.u32 $0x380, s17  }
0xf5: {  	(v2sf) =	vpush v0, $0xC;
	s17 =	sor.u32 s17, s18  }
0xf6: {  	s30 =	sadd.s32 $0x430, s16;
	s31 =	sadd.s32 $0x100, s17  }
0xf7: {  	[hbm4b:s30+s2] =	stream.linear.scatter [tilespmem:s31], [sflag:$0x1], $0x80, $0x38;
	[tilespmem:$0x11100] =	vst v63  }
0xf8: {  	s20 =	sadd.s32 $0x4B0, s16;
	s19 =	sadd.s32 $0x500, s17  }
0xf9: {  	[hbm4b:s20+s2] =	stream.linear.scatter [tilespmem:s19], [sflag:$0x1], $0x80, $0x38;
	[tilespmem:$0x11100] =	vst v63  }
0xfa: {  	s22 =	sadd.s32 $0x530, s16;
	s21 =	sadd.s32 $0x900, s17  }
0xfb: {  	[hbm4b:s22+s2] =	stream.linear.scatter [tilespmem:s21], [sflag:$0x1], $0x80, $0x38;
	[tilespmem:$0x11100] =	vst v63  }
0xfc: {  	s24 =	sadd.s32 $0x5B0, s16;
	s23 =	sadd.s32 $0xD00, s17  }
0xfd: {  	[hbm4b:s24+s2] =	stream.linear.scatter [tilespmem:s23], [sflag:$0x1], $0x80, $0x38;
	[tilespmem:$0x11100] =	vst v63  }
0xfe: {  	s26 =	sadd.s32 $0x630, s16;
	s25 =	sadd.s32 $0x1100, s17  }
0xff: {  	[hbm4b:s26+s2] =	stream.linear.scatter [tilespmem:s25], [sflag:$0x1], $0x80, $0x38;
	[tilespmem:$0x11100] =	vst v63  }
0x100: {  	s29 =	sadd.s32 $0x6B0, s16;
	s28 =	sadd.s32 $0x1500, s17  }
0x101: {  	[hbm4b:s29+s2] =	stream.linear.scatter [tilespmem:s28], [sflag:$0x1], $0x80, $0x38;
	[tilespmem:$0x11100] =	vst v63  }
0x102: {  	s30 =	sadd.s32 $0x1900, s17;
	s31 =	sadd.s32 $0x730, s16  }
0x103: {  	[hbm4b:s31+s2] =	stream.linear.scatter [tilespmem:s30], [sflag:$0x1], $0x80, $0x38;
	[tilespmem:$0x11100] =	vst v63  }
0x104: {  	s17 =	sadd.s32 $0x1D00, s17;
	s20 =	sadd.s32 $0x7B0, s16;
	s21 =	spop (v2sf)  }
0x105: {  	[hbm4b:s20+s2] =	stream.linear.scatter [tilespmem:s17], [sflag:$0x1], $0x80, $0x38;
	[tilespmem:$0x11100] =	vst v63  }
0x106: {  	s22 =	sshll.u32 s21, $0xA;
	s17 =	sshll.u32 s21, $0x7  }
0x107: {  	s18 =	sand.u32 $0xFFFFE000, s22;
	s17 =	sand.u32 $0x380, s17  }
0x108: {  	(v2sf) =	vpush v0, $0xD;
	s17 =	sor.u32 s17, s18  }
0x109: {  	s23 =	sadd.s32 $0x440, s16;
	s24 =	sadd.s32 $0x100, s17  }
0x10a: {  	[hbm4b:s23+s2] =	stream.linear.scatter [tilespmem:s24], [sflag:$0x1], $0x80, $0x38;
	[tilespmem:$0x11100] =	vst v63  }
0x10b: {  	s26 =	sadd.s32 $0x4C0, s16;
	s25 =	sadd.s32 $0x500, s17  }
0x10c: {  	[hbm4b:s26+s2] =	stream.linear.scatter [tilespmem:s25], [sflag:$0x1], $0x80, $0x38;
	[tilespmem:$0x11100] =	vst v63  }
0x10d: {  	s29 =	sadd.s32 $0x540, s16;
	s28 =	sadd.s32 $0x900, s17  }
0x10e: {  	[hbm4b:s29+s2] =	stream.linear.scatter [tilespmem:s28], [sflag:$0x1], $0x80, $0x38;
	[tilespmem:$0x11100] =	vst v63  }
0x10f: {  	s31 =	sadd.s32 $0x5C0, s16;
	s30 =	sadd.s32 $0xD00, s17  }
0x110: {  	[hbm4b:s31+s2] =	stream.linear.scatter [tilespmem:s30], [sflag:$0x1], $0x80, $0x38;
	[tilespmem:$0x11100] =	vst v63  }
0x111: {  	s21 =	sadd.s32 $0x640, s16;
	s20 =	sadd.s32 $0x1100, s17  }
0x112: {  	[hbm4b:s21+s2] =	stream.linear.scatter [tilespmem:s20], [sflag:$0x1], $0x80, $0x38;
	[tilespmem:$0x11100] =	vst v63  }
0x113: {  	s22 =	sadd.s32 $0x1500, s17;
	s23 =	sadd.s32 $0x6C0, s16  }
0x114: {  	[hbm4b:s23+s2] =	stream.linear.scatter [tilespmem:s22], [sflag:$0x1], $0x80, $0x38;
	[tilespmem:$0x11100] =	vst v63  }
0x115: {  	s24 =	sadd.s32 $0x1900, s17;
	s25 =	sadd.s32 $0x740, s16  }
0x116: {  	[hbm4b:s25+s2] =	stream.linear.scatter [tilespmem:s24], [sflag:$0x1], $0x80, $0x38;
	[tilespmem:$0x11100] =	vst v63  }
0x117: {  	s17 =	sadd.s32 $0x1D00, s17;
	s26 =	sadd.s32 $0x7C0, s16;
	s28 =	spop (v2sf)  }
0x118: {  	[hbm4b:s26+s2] =	stream.linear.scatter [tilespmem:s17], [sflag:$0x1], $0x80, $0x38;
	[tilespmem:$0x11100] =	vst v63  }
0x119: {  	s29 =	sshll.u32 s28, $0xA;
	s17 =	sshll.u32 s28, $0x7  }
0x11a: {  	s18 =	sand.u32 $0xFFFFE000, s29;
	s17 =	sand.u32 $0x380, s17  }
0x11b: {  	(v2sf) =	vpush v0, $0xE;
	s17 =	sor.u32 s17, s18  }
0x11c: {  	s30 =	sadd.s32 $0x450, s16;
	s31 =	sadd.s32 $0x100, s17  }
0x11d: {  	[hbm4b:s30+s2] =	stream.linear.scatter [tilespmem:s31], [sflag:$0x1], $0x80, $0x38;
	[tilespmem:$0x11100] =	vst v63  }
0x11e: {  	s20 =	sadd.s32 $0x4D0, s16;
	s19 =	sadd.s32 $0x500, s17  }
0x11f: {  	[hbm4b:s20+s2] =	stream.linear.scatter [tilespmem:s19], [sflag:$0x1], $0x80, $0x38;
	[tilespmem:$0x11100] =	vst v63  }
0x120: {  	s22 =	sadd.s32 $0x550, s16;
	s21 =	sadd.s32 $0x900, s17  }
0x121: {  	[hbm4b:s22+s2] =	stream.linear.scatter [tilespmem:s21], [sflag:$0x1], $0x80, $0x38;
	[tilespmem:$0x11100] =	vst v63  }
0x122: {  	s24 =	sadd.s32 $0x5D0, s16;
	s23 =	sadd.s32 $0xD00, s17  }
0x123: {  	[hbm4b:s24+s2] =	stream.linear.scatter [tilespmem:s23], [sflag:$0x1], $0x80, $0x38;
	[tilespmem:$0x11100] =	vst v63  }
0x124: {  	s26 =	sadd.s32 $0x650, s16;
	s25 =	sadd.s32 $0x1100, s17  }
0x125: {  	[hbm4b:s26+s2] =	stream.linear.scatter [tilespmem:s25], [sflag:$0x1], $0x80, $0x38;
	[tilespmem:$0x11100] =	vst v63  }
0x126: {  	s29 =	sadd.s32 $0x6D0, s16;
	s28 =	sadd.s32 $0x1500, s17  }
0x127: {  	[hbm4b:s29+s2] =	stream.linear.scatter [tilespmem:s28], [sflag:$0x1], $0x80, $0x38;
	[tilespmem:$0x11100] =	vst v63  }
0x128: {  	s30 =	sadd.s32 $0x1900, s17;
	s31 =	sadd.s32 $0x750, s16  }
0x129: {  	[hbm4b:s31+s2] =	stream.linear.scatter [tilespmem:s30], [sflag:$0x1], $0x80, $0x38;
	[tilespmem:$0x11100] =	vst v63  }
0x12a: {  	s17 =	sadd.s32 $0x1D00, s17;
	s20 =	sadd.s32 $0x7D0, s16;
	s21 =	spop (v2sf)  }
0x12b: {  	[hbm4b:s20+s2] =	stream.linear.scatter [tilespmem:s17], [sflag:$0x1], $0x80, $0x38;
	[tilespmem:$0x11100] =	vst v63  }
0x12c: {  	s22 =	sshll.u32 s21, $0xA;
	s17 =	sshll.u32 s21, $0x7  }
0x12d: {  	s18 =	sand.u32 $0xFFFFE000, s22;
	s17 =	sand.u32 $0x380, s17  }
0x12e: {  	(v2sf) =	vpush v0, $0xF;
	s17 =	sor.u32 s17, s18  }
0x12f: {  	s23 =	sadd.s32 $0x460, s16;
	s24 =	sadd.s32 $0x100, s17  }
0x130: {  	[hbm4b:s23+s2] =	stream.linear.scatter [tilespmem:s24], [sflag:$0x1], $0x80, $0x38;
	[tilespmem:$0x11100] =	vst v63  }
0x131: {  	s26 =	sadd.s32 $0x4E0, s16;
	s25 =	sadd.s32 $0x500, s17  }
0x132: {  	[hbm4b:s26+s2] =	stream.linear.scatter [tilespmem:s25], [sflag:$0x1], $0x80, $0x38;
	[tilespmem:$0x11100] =	vst v63  }
0x133: {  	s29 =	sadd.s32 $0x560, s16;
	s28 =	sadd.s32 $0x900, s17  }
0x134: {  	[hbm4b:s29+s2] =	stream.linear.scatter [tilespmem:s28], [sflag:$0x1], $0x80, $0x38;
	[tilespmem:$0x11100] =	vst v63  }
0x135: {  	s31 =	sadd.s32 $0x5E0, s16;
	s30 =	sadd.s32 $0xD00, s17  }
0x136: {  	[hbm4b:s31+s2] =	stream.linear.scatter [tilespmem:s30], [sflag:$0x1], $0x80, $0x38;
	[tilespmem:$0x11100] =	vst v63  }
0x137: {  	s21 =	sadd.s32 $0x660, s16;
	s20 =	sadd.s32 $0x1100, s17  }
0x138: {  	[hbm4b:s21+s2] =	stream.linear.scatter [tilespmem:s20], [sflag:$0x1], $0x80, $0x38;
	[tilespmem:$0x11100] =	vst v63  }
0x139: {  	s22 =	sadd.s32 $0x1500, s17;
	s23 =	sadd.s32 $0x6E0, s16  }
0x13a: {  	[hbm4b:s23+s2] =	stream.linear.scatter [tilespmem:s22], [sflag:$0x1], $0x80, $0x38;
	[tilespmem:$0x11100] =	vst v63  }
0x13b: {  	s24 =	sadd.s32 $0x1900, s17;
	s25 =	sadd.s32 $0x760, s16  }
0x13c: {  	[hbm4b:s25+s2] =	stream.linear.scatter [tilespmem:s24], [sflag:$0x1], $0x80, $0x38;
	[tilespmem:$0x11100] =	vst v63  }
0x13d: {  	s17 =	sadd.s32 $0x1D00, s17;
	s26 =	sadd.s32 $0x7E0, s16;
	s28 =	spop (v2sf)  }
0x13e: {  	[hbm4b:s26+s2] =	stream.linear.scatter [tilespmem:s17], [sflag:$0x1], $0x80, $0x38;
	[tilespmem:$0x11100] =	vst v63  }
0x13f: {  	s29 =	sshll.u32 s28, $0xA;
	s17 =	sshll.u32 s28, $0x7  }
0x140: {  	s18 =	sand.u32 $0xFFFFE000, s29;
	s17 =	sand.u32 $0x380, s17  }
0x141: {  	s17 =	sor.u32 s17, s18  }
0x142: {  	s30 =	sadd.s32 $0x470, s16;
	s31 =	sadd.s32 $0x100, s17  }
0x143: {  	[hbm4b:s30+s2] =	stream.linear.scatter [tilespmem:s31], [sflag:$0x1], $0x80, $0x38;
	[tilespmem:$0x11100] =	vst v63  }
0x144: {  	s20 =	sadd.s32 $0x4F0, s16;
	s19 =	sadd.s32 $0x500, s17  }
0x145: {  	[hbm4b:s20+s2] =	stream.linear.scatter [tilespmem:s19], [sflag:$0x1], $0x80, $0x38;
	[tilespmem:$0x11100] =	vst v63  }
0x146: {  	s22 =	sadd.s32 $0x570, s16;
	s21 =	sadd.s32 $0x900, s17  }
0x147: {  	[hbm4b:s22+s2] =	stream.linear.scatter [tilespmem:s21], [sflag:$0x1], $0x80, $0x38;
	[tilespmem:$0x11100] =	vst v63  }
0x148: {  	s24 =	sadd.s32 $0x5F0, s16;
	s23 =	sadd.s32 $0xD00, s17  }
0x149: {  	[hbm4b:s24+s2] =	stream.linear.scatter [tilespmem:s23], [sflag:$0x1], $0x80, $0x38;
	[tilespmem:$0x11100] =	vst v63  }
0x14a: {  	s26 =	sadd.s32 $0x670, s16;
	s25 =	sadd.s32 $0x1100, s17  }
0x14b: {  	[hbm4b:s26+s2] =	stream.linear.scatter [tilespmem:s25], [sflag:$0x1], $0x80, $0x38;
	[tilespmem:$0x11100] =	vst v63  }
0x14c: {  	s29 =	sadd.s32 $0x6F0, s16;
	s28 =	sadd.s32 $0x1500, s17  }
0x14d: {  	[hbm4b:s29+s2] =	stream.linear.scatter [tilespmem:s28], [sflag:$0x1], $0x80, $0x38;
	[tilespmem:$0x11100] =	vst v63  }
0x14e: {  	s30 =	sadd.s32 $0x1900, s17;
	s31 =	sadd.s32 $0x770, s16  }
0x14f: {  	[hbm4b:s31+s2] =	stream.linear.scatter [tilespmem:s30], [sflag:$0x1], $0x80, $0x38;
	[tilespmem:$0x11100] =	vst v63  }
0x150: {  	p1 =	slt.u32 s15, $0x2;
	s17 =	sadd.s32 $0x1D00, s17;
	s16 =	sadd.s32 $0x7F0, s16  }
0x151: {  	[hbm4b:s16+s2] =	stream.linear.scatter [tilespmem:s17], [sflag:$0x1], $0x80, $0x38;
	[tilespmem:$0x11100] =	vst v63  }
0x152: {  	s16 =	simm.s32 @!p1 $0x1  }
0x153: {  	_ =	swait.ge @!p1 [sflag:s16], $0x400  }
0x154: {  	[sflag:s16] =	ssyncset.done @!p1 $0x0  }
0x155: {  	[sflag:s16] =	ssyncadd.s32 @!p1 $0xFFFFFC00  }
0x156: {  	_ =	swait.ge @!p1 [sflag:s16], $0x400  }
0x157: {  	[sflag:s16] =	ssyncset.done @!p1 $0x0  }
0x158: {  	[sflag:s16] =	ssyncadd.s32 @!p1 $0xFFFFFC00  }
0x159: {  	_ =	swait.ge @!p1 [sflag:s16], $0x400  }
0x15a: {  	[sflag:s16] =	ssyncset.done @!p1 $0x0  }
0x15b: {  	[sflag:s16] =	ssyncadd.s32 @!p1 $0xFFFFFC00  }
0x15c: {  	_ =	swait.ge @!p1 [sflag:s16], $0x400  }
0x15d: {  	[sflag:s16] =	ssyncset.done @!p1 $0x0  }
0x15e: {  	[sflag:s16] =	ssyncadd.s32 @!p1 $0xFFFFFC00  }
0x15f: {  	_ =	swait.ge @!p1 [sflag:s16], $0x400  }
0x160: {  	[sflag:s16] =	ssyncset.done @!p1 $0x0  }
0x161: {  	[sflag:s16] =	ssyncadd.s32 @!p1 $0xFFFFFC00  }
0x162: {  	_ =	swait.ge @!p1 [sflag:s16], $0x400  }
0x163: {  	[sflag:s16] =	ssyncset.done @!p1 $0x0  }
0x164: {  	[sflag:s16] =	ssyncadd.s32 @!p1 $0xFFFFFC00  }
0x165: {  	_ =	swait.ge @!p1 [sflag:s16], $0x400  }
0x166: {  	[sflag:s16] =	ssyncset.done @!p1 $0x0  }
0x167: {  	[sflag:s16] =	ssyncadd.s32 @!p1 $0xFFFFFC00  }
0x168: {  	_ =	swait.ge @!p1 [sflag:s16], $0x400  }
0x169: {  	[sflag:s16] =	ssyncset.done @!p1 $0x0  }
0x16a: {  	[sflag:s16] =	ssyncadd.s32 @!p1 $0xFFFFFC00  }
0x16b: {  	_ =	swait.ge @!p1 [sflag:s16], $0x400  }
0x16c: {  	[sflag:s16] =	ssyncset.done @!p1 $0x0  }
0x16d: {  	[sflag:s16] =	ssyncadd.s32 @!p1 $0xFFFFFC00  }
0x16e: {  	_ =	swait.ge @!p1 [sflag:s16], $0x400  }
0x16f: {  	[sflag:s16] =	ssyncset.done @!p1 $0x0  }
0x170: {  	[sflag:s16] =	ssyncadd.s32 @!p1 $0xFFFFFC00  }
0x171: {  	_ =	swait.ge @!p1 [sflag:s16], $0x400  }
0x172: {  	[sflag:s16] =	ssyncset.done @!p1 $0x0  }
0x173: {  	[sflag:s16] =	ssyncadd.s32 @!p1 $0xFFFFFC00  }
0x174: {  	_ =	swait.ge @!p1 [sflag:s16], $0x400  }
0x175: {  	[sflag:s16] =	ssyncset.done @!p1 $0x0  }
0x176: {  	[sflag:s16] =	ssyncadd.s32 @!p1 $0xFFFFFC00  }
0x177: {  	_ =	swait.ge @!p1 [sflag:s16], $0x400  }
0x178: {  	[sflag:s16] =	ssyncset.done @!p1 $0x0  }
0x179: {  	[sflag:s16] =	ssyncadd.s32 @!p1 $0xFFFFFC00  }
0x17a: {  	_ =	swait.ge @!p1 [sflag:s16], $0x400  }
0x17b: {  	[sflag:s16] =	ssyncset.done @!p1 $0x0  }
0x17c: {  	s14 =	sadd.s32 $0x800, s14;
	[sflag:s16] =	ssyncadd.s32 @!p1 $0xFFFFFC00  }
0x17d: {  	p2 =	sne.s32 s14, $0x8000;
	_ =	swait.ge @!p1 [sflag:s16], $0x400  }
.Ltmp0:
0x17e: {  	[sflag:s16] =	ssyncset.done @!p1 $0x0;
	(pc) =	sbr.rel @p2 .LBB2_2-.Ltmp0, $4  }
0x17f: {  	[sflag:s16] =	ssyncadd.s32 @!p1 $0xFFFFFC00  }
0x180: {  	_ =	swait.ge @!p1 [sflag:s16], $0x400  }
0x181: {  	[sflag:s16] =	ssyncset.done @!p1 $0x0  }
0x182: {  	s15 =	sadd.s32 $0x1, s15;
	s13 =	sadd.s32 $0x10, s13;
	[sflag:s16] =	ssyncadd.s32 @!p1 $0xFFFFFC00  }
0x183: {  	_ =	swait.ge [sflag:s11], $0x400  }
0x184: {  	[sflag:s11] =	ssyncset.done $0x0  }
0x185: {  	[sflag:s11] =	ssyncadd.s32 $0xFFFFFC00  }
0x186: {  	_ =	swait.ge [sflag:s11], $0x400  }
0x187: {  	[sflag:s11] =	ssyncset.done $0x0  }
0x188: {  	[sflag:s11] =	ssyncadd.s32 $0xFFFFFC00  }
0x189: {  	_ =	swait.ge [sflag:s11], $0x400  }
0x18a: {  	[sflag:s11] =	ssyncset.done $0x0  }
0x18b: {  	[sflag:s11] =	ssyncadd.s32 $0xFFFFFC00  }
0x18c: {  	_ =	swait.ge [sflag:s11], $0x400  }
0x18d: {  	[sflag:s11] =	ssyncset.done $0x0  }
0x18e: {  	[sflag:s11] =	ssyncadd.s32 $0xFFFFFC00  }
0x18f: {  	_ =	swait.ge [sflag:s11], $0x400  }
0x190: {  	[sflag:s11] =	ssyncset.done $0x0  }
0x191: {  	[sflag:s11] =	ssyncadd.s32 $0xFFFFFC00  }
0x192: {  	_ =	swait.ge [sflag:s11], $0x400  }
0x193: {  	[sflag:s11] =	ssyncset.done $0x0  }
0x194: {  	[sflag:s11] =	ssyncadd.s32 $0xFFFFFC00  }
0x195: {  	_ =	swait.ge [sflag:s11], $0x400  }
0x196: {  	[sflag:s11] =	ssyncset.done $0x0  }
0x197: {  	[sflag:s11] =	ssyncadd.s32 $0xFFFFFC00  }
0x198: {  	_ =	swait.ge [sflag:s11], $0x400  }
0x199: {  	[sflag:s11] =	ssyncset.done $0x0  }
0x19a: {  	[sflag:s11] =	ssyncadd.s32 $0xFFFFFC00  }
0x19b: {  	_ =	swait.ge [sflag:s11], $0x400  }
0x19c: {  	[sflag:s11] =	ssyncset.done $0x0  }
0x19d: {  	[sflag:s11] =	ssyncadd.s32 $0xFFFFFC00  }
0x19e: {  	_ =	swait.ge [sflag:s11], $0x400  }
0x19f: {  	[sflag:s11] =	ssyncset.done $0x0  }
0x1a0: {  	[sflag:s11] =	ssyncadd.s32 $0xFFFFFC00  }
0x1a1: {  	_ =	swait.ge [sflag:s11], $0x400  }
0x1a2: {  	[sflag:s11] =	ssyncset.done $0x0  }
0x1a3: {  	[sflag:s11] =	ssyncadd.s32 $0xFFFFFC00  }
0x1a4: {  	_ =	swait.ge [sflag:s11], $0x400  }
0x1a5: {  	[sflag:s11] =	ssyncset.done $0x0  }
0x1a6: {  	[sflag:s11] =	ssyncadd.s32 $0xFFFFFC00  }
0x1a7: {  	_ =	swait.ge [sflag:s11], $0x400  }
0x1a8: {  	[sflag:s11] =	ssyncset.done $0x0  }
0x1a9: {  	[sflag:s11] =	ssyncadd.s32 $0xFFFFFC00  }
0x1aa: {  	_ =	swait.ge [sflag:s11], $0x400  }
0x1ab: {  	[sflag:s11] =	ssyncset.done $0x0  }
0x1ac: {  	[sflag:s11] =	ssyncadd.s32 $0xFFFFFC00  }
0x1ad: {  	_ =	swait.ge [sflag:s11], $0x400  }
0x1ae: {  	[sflag:s11] =	ssyncset.done $0x0  }
0x1af: {  	[sflag:s11] =	ssyncadd.s32 $0xFFFFFC00  }
0x1b0: {  	_ =	swait.ge [sflag:s11], $0x400  }
0x1b1: {  	[sflag:s11] =	ssyncset.done $0x0  }
0x1b2: {  	[sflag:s11] =	ssyncadd.s32 $0xFFFFFC00  }
0x1b3: {  	_ =	swait.ge [sflag:s11], $0x400  }
0x1b4: {  	[sflag:s11] =	ssyncset.done $0x0  }
0x1b5: {  	[sflag:s11] =	ssyncadd.s32 $0xFFFFFC00  }
0x1b6: {  	_ =	swait.ge [sflag:s11], $0x400  }
0x1b7: {  	[sflag:s11] =	ssyncset.done $0x0  }
0x1b8: {  	[sflag:s11] =	ssyncadd.s32 $0xFFFFFC00  }
0x1b9: {  	_ =	swait.ge [sflag:s11], $0x400  }
0x1ba: {  	[sflag:s11] =	ssyncset.done $0x0  }
0x1bb: {  	[sflag:s11] =	ssyncadd.s32 $0xFFFFFC00  }
0x1bc: {  	_ =	swait.ge [sflag:s11], $0x400  }
0x1bd: {  	[sflag:s11] =	ssyncset.done $0x0  }
0x1be: {  	[sflag:s11] =	ssyncadd.s32 $0xFFFFFC00  }
0x1bf: {  	_ =	swait.ge [sflag:s11], $0x400  }
0x1c0: {  	[sflag:s11] =	ssyncset.done $0x0  }
0x1c1: {  	[sflag:s11] =	ssyncadd.s32 $0xFFFFFC00  }
0x1c2: {  	_ =	swait.ge [sflag:s11], $0x400  }
0x1c3: {  	[sflag:s11] =	ssyncset.done $0x0  }
0x1c4: {  	[sflag:s11] =	ssyncadd.s32 $0xFFFFFC00  }
0x1c5: {  	_ =	swait.ge [sflag:s11], $0x400  }
0x1c6: {  	[sflag:s11] =	ssyncset.done $0x0  }
0x1c7: {  	[sflag:s11] =	ssyncadd.s32 $0xFFFFFC00  }
0x1c8: {  	_ =	swait.ge [sflag:s11], $0x400  }
0x1c9: {  	[sflag:s11] =	ssyncset.done $0x0  }
0x1ca: {  	[sflag:s11] =	ssyncadd.s32 $0xFFFFFC00  }
0x1cb: {  	_ =	swait.ge [sflag:s11], $0x400  }
0x1cc: {  	[sflag:s11] =	ssyncset.done $0x0  }
0x1cd: {  	[sflag:s11] =	ssyncadd.s32 $0xFFFFFC00  }
0x1ce: {  	_ =	swait.ge [sflag:s11], $0x400  }
0x1cf: {  	[sflag:s11] =	ssyncset.done $0x0  }
0x1d0: {  	[sflag:s11] =	ssyncadd.s32 $0xFFFFFC00  }
0x1d1: {  	_ =	swait.ge [sflag:s11], $0x400  }
0x1d2: {  	[sflag:s11] =	ssyncset.done $0x0  }
0x1d3: {  	[sflag:s11] =	ssyncadd.s32 $0xFFFFFC00  }
0x1d4: {  	_ =	swait.ge [sflag:s11], $0x400  }
0x1d5: {  	[sflag:s11] =	ssyncset.done $0x0  }
0x1d6: {  	[sflag:s11] =	ssyncadd.s32 $0xFFFFFC00  }
0x1d7: {  	_ =	swait.ge [sflag:s11], $0x400  }
0x1d8: {  	[sflag:s11] =	ssyncset.done $0x0  }
0x1d9: {  	[sflag:s11] =	ssyncadd.s32 $0xFFFFFC00  }
0x1da: {  	_ =	swait.ge [sflag:s11], $0x400  }
0x1db: {  	[sflag:s11] =	ssyncset.done $0x0  }
0x1dc: {  	s12 =	sadd.s32 $0x1, s12;
	[sflag:s11] =	ssyncadd.s32 $0xFFFFFC00  }
0x1dd: {  	p1 =	sne.s32 s12, s5;
	_ =	swait.ge [sflag:s11], $0x400  }
.Ltmp1:
0x1de: {  	[sflag:s11] =	ssyncset.done $0x0;
	(pc) =	sbr.rel @p1 .LBB2_1-.Ltmp1, $4  }
0x1df: {  	[sflag:s11] =	ssyncadd.s32 $0xFFFFFC00  }
0x1e0: {  	_ =	swait.ge [sflag:s11], $0x400  }
0x1e1: {  	[sflag:s11] =	ssyncset.done $0x0  }
0x1e2: {  	[sflag:s11] =	ssyncadd.s32 $0xFFFFFC00  }
0x1e3: {  	_ =	sfence.sel $0x180000  }
0x1e4: {  	[bflag:$0x0] =	sbarrier.arrive $0xFFFF  }
0x1e5: {  	_ =	strace $0x90000047  }
0x1e6: {  	s0 =	sadd.s32 @!p0 $0x100000, s0;
	[bflag:$0x2] =	sbarrier.arrive $0xFFFF  }
0x1e7: {  	[sflag:s0] =	ssyncadd.tile.s32 @!p0 $0x1;
	_ =	shalt  }
.Lfunc_end2:
_tile_overlayer_lowered:
.L_overlay_start_2:
0x1e8: {  	(tag) =	ssettag $0x2  }
0x1e9: {  	s0 =	rddreg [dreg:$0x0];
	s2 =	stileid.u32  }
0x1ea: {  	s1 =	rddreg [dreg:$0x1];
	p0 =	sne.s32 s2, $0x0  }
0x1eb: {  	s3 =	rddreg [dreg:$0x2];
	[bflag:$0x3] =	sbarrier.arrive $0xFFFF;
	s2 =	simm.s32 @!p0 $0x1C03  }
0x1ec: {  	[timem:s3], [sflag:s2] =	dma.local @!p0 [hbm:s0], s1  }
0x1ed: {  	s0 =	simm.s32 @!p0 $0x3  }
0x1ee: {  	_ =	swait.ge @!p0 [sflag:s0], s1  }
0x1ef: {  	s1 =	ssub.s32 @!p0 $0x0, s1;
	[sflag:s0] =	ssyncset.done @!p0 $0x0  }
0x1f0: {  	[sflag:s0] =	ssyncadd.s32 @!p0 s1  }
0x1f1: {  	[bflag:$0x3] =	sbarrier.arrive $0xFFFF  }
0x1f2: {  	_ =	shalt  }

</sc_bundles>
